<compile_context>
chip_gen: v7x
topology: tpu7x:2x2x1
jax: 0.10.2.dev20260603
libtpu: 0.0.44.dev20260713+nightly
codegen_flags: <defaults>
</compile_context>

<pallas_src>
import jax
import jax.numpy as jnp
from jax import lax
from jax.experimental import pallas as pl
from jax.experimental.pallas import tpu as pltpu
from jax.experimental.pallas import tpu_sc as plsc

N = 10000
E = 320000
D = 128
H = 128
NP = 10240
NC, NS = 2, 16
NW = NC * NS
GPT = 80
EP = NW * GPT * 128
RPS = NP // NS
BLK = 512
NBUF = 2
CMASK = (1 << 14) - 1

_MESH = dict(core_axis_name="c", subcore_axis_name="s",
             num_cores=NC, num_subcores=NS)


def _deg_body(ep_hbm, out_hbm, pb, colb, vb, stage, dsem, deg_sh):
    c = lax.axis_index("c")
    s = lax.axis_index("s")
    gid = c * NS + s
    pltpu.sync_copy(ep_hbm.at[pl.ds(gid * GPT, GPT)], pb)
    for i in range(RPS // 16):
        stage[pl.ds(i * 16, 16)] = jnp.zeros((16,), jnp.float32)
    pltpu.sync_copy(stage, deg_sh.at[pl.ds(s * RPS, RPS)])

    def body(j, carry):
        for i in range(8):
            p = pb[j, pl.ds(i * 16, 16)]
            r = lax.shift_right_logical(p, 14)
            cc = p & CMASK
            colb[j, pl.ds(i * 16, 16)] = cc
            vb[j, pl.ds(i * 16, 16)] = jnp.where(
                r != cc, jnp.full((16,), 1.0, jnp.float32),
                jnp.full((16,), 0.0, jnp.float32))
        return carry

    lax.fori_loop(0, GPT, body, 0)
    plsc.subcore_barrier()

    def fire_batch(q, sem):
        def fire(t, carry2):
            j = q * 16 + t
            pltpu.async_copy(vb.at[j], deg_sh.at[colb.at[j]], sem, add=True)
            return carry2

        lax.fori_loop(0, 16, fire, 0)

    def drain(sem):
        pltpu.make_async_copy(
            ep_hbm.at[pl.ds(0, 16)], colb.at[pl.ds(0, 16)], sem).wait()

    for q in range(GPT // 16):
        if q >= 2:
            drain(dsem.at[q % 2])
        fire_batch(q, dsem.at[q % 2])
    drain(dsem.at[(GPT // 16 - 2) % 2])
    drain(dsem.at[(GPT // 16 - 1) % 2])
    plsc.subcore_barrier()
    pltpu.sync_copy(deg_sh.at[pl.ds(s * RPS, RPS)], stage)
    pltpu.sync_copy(stage, out_hbm.at[c, 0, pl.ds(s * RPS, RPS)])


GPS = 40
NST = GPT // GPS


def _agg_body(ep_hbm, g_hbm, out_hbm, pb, rowb, colb, gb0, gb1,
              gsem, ssem, s_sh):
    gbl = (gb0, gb1)
    c = lax.axis_index("c")
    s = lax.axis_index("s")
    gid = c * NS + s

    def zero_row(i, carry):
        for l in range(8):
            gb0[i, pl.ds(l * 16, 16)] = jnp.zeros((16,), jnp.float32)
        return carry

    lax.fori_loop(0, 128, zero_row, 0)
    for k in range(RPS // 128):
        pltpu.async_copy(gb0, s_sh.at[pl.ds(s * RPS + k * 128, 128)], ssem)

    def unpack(j, carry):
        for i in range(8):
            garb = N + i * 16 + lax.iota(jnp.int32, 16)
            p = pb[j, pl.ds(i * 16, 16)]
            r = lax.shift_right_logical(p, 14)
            cc = p & CMASK
            rowb[j, pl.ds(i * 16, 16)] = r
            colb[j, pl.ds(i * 16, 16)] = jnp.where(r == cc, garb, cc)
        return carry

    def ring():
        pltpu.async_copy(g_hbm.at[rowb.at[0]], gb0, gsem.at[0])

        def outer(o, carry):
            for b in range(NBUF):
                j = o * NBUF + b
                bn = (b + 1) % NBUF
                pltpu.make_async_copy(
                    g_hbm.at[pl.ds(0, 128)], gbl[b], gsem.at[b]).wait()
                pltpu.async_copy(
                    g_hbm.at[rowb.at[j + 1]], gbl[bn], gsem.at[bn])
                pltpu.sync_copy(gbl[b], s_sh.at[colb.at[j]], add=True)
            return carry

        lax.fori_loop(0, GPS // NBUF - 1, outer, 0)
        for j in (GPS - 2, GPS - 1):
            b = j % NBUF
            bn = (b + 1) % NBUF
            pltpu.make_async_copy(
                g_hbm.at[pl.ds(0, 128)], gbl[b], gsem.at[b]).wait()
            if j + 1 < GPS:
                pltpu.async_copy(
                    g_hbm.at[rowb.at[j + 1]], gbl[bn], gsem.at[bn])
            pltpu.sync_copy(gbl[b], s_sh.at[colb.at[j]], add=True)

    pltpu.sync_copy(ep_hbm.at[pl.ds(gid * GPT, GPS)], pb)
    lax.fori_loop(0, GPS, unpack, 0)
    for k in range(RPS // 128):
        pltpu.make_async_copy(g_hbm.at[pl.ds(0, 128)], gb0, ssem).wait()
    plsc.subcore_barrier()
    ring()
    for st in range(1, NST):
        pltpu.sync_copy(ep_hbm.at[pl.ds(gid * GPT + st * GPS, GPS)], pb)
        lax.fori_loop(0, GPS, unpack, 0)
        ring()

    plsc.subcore_barrier()
    NRO = RPS // 128
    for k in range(NRO):
        bb = k % 2
        if k >= 2:
            pltpu.make_async_copy(
                g_hbm.at[pl.ds(0, 128)], gbl[bb], gsem.at[bb]).wait()
        pltpu.sync_copy(s_sh.at[pl.ds(s * RPS + k * 128, 128)], gbl[bb])
        pltpu.async_copy(
            gbl[bb], out_hbm.at[c, pl.ds(s * RPS + k * 128, 128)], gsem.at[bb])
    for k in (NRO - 2, NRO - 1):
        pltpu.make_async_copy(
            g_hbm.at[pl.ds(0, 128)], gbl[k % 2], gsem.at[k % 2]).wait()


_deg_call = pl.kernel(
    _deg_body,
    out_type=jax.ShapeDtypeStruct((NC, 1, NP), jnp.float32),
    mesh=plsc.VectorSubcoreMesh(**_MESH),
    scratch_types=[
        pltpu.VMEM((GPT, 128), jnp.int32),
        pltpu.VMEM((GPT, 128), jnp.int32),
        pltpu.VMEM((GPT, 128), jnp.float32),
        pltpu.VMEM((RPS,), jnp.float32),
        pltpu.SemaphoreType.DMA((2,)),
        pltpu.VMEM_SHARED((NP,), jnp.float32),
    ],
)

_agg_call = pl.kernel(
    _agg_body,
    out_type=jax.ShapeDtypeStruct((NC, NP, D), jnp.float32),
    mesh=plsc.VectorSubcoreMesh(**_MESH),
    scratch_types=[
        pltpu.VMEM((GPS, 128), jnp.int32),
        pltpu.VMEM((GPS, 128), jnp.int32),
        pltpu.VMEM((GPS, 128), jnp.int32),
        pltpu.VMEM((128, D), jnp.float32),
        pltpu.VMEM((128, D), jnp.float32),
        pltpu.SemaphoreType.DMA((NBUF,)),
        pltpu.SemaphoreType.DMA,
        pltpu.VMEM_SHARED((NP, D), jnp.float32),
    ],
)


EBLK = 320


def _pack_body(eb, ep_out):
    i = pl.program_id(0)
    rows = eb[0]
    cols = eb[1]
    gr = i * EBLK + lax.broadcasted_iota(jnp.int32, (EBLK, 128), 0)
    flat = gr * 128 + lax.broadcasted_iota(jnp.int32, (EBLK, 128), 1)
    padv = (flat & 8191) * ((1 << 14) + 1)
    ep_out[...] = jnp.where(flat < E, (rows << 14) | cols, padv)


_pack_call = pl.pallas_call(
    _pack_body,
    out_shape=jax.ShapeDtypeStruct((EP // 128, 128), jnp.int32),
    grid=(EP // 128 // EBLK,),
    in_specs=[pl.BlockSpec((2, EBLK, 128), lambda i: (0, i, 0))],
    out_specs=pl.BlockSpec((EBLK, 128), lambda i: (i, 0)),
)


def _dense_body(xb, wb, dtb, g_out, dis_out):
    dt = dtb[...][:, 0, :]
    deg = dt[0:1, :] + dt[1:2, :] + 1.0
    dis = jnp.transpose(lax.rsqrt(deg), (1, 0))
    h = lax.dot_general(xb[...], wb[...], (((1,), (1,)), ((), ())),
                        preferred_element_type=jnp.float32)
    g_out[...] = h * dis
    dis_out[...] = jnp.broadcast_to(dis, (BLK, 8))


_dense_call = pl.pallas_call(
    _dense_body,
    out_shape=(jax.ShapeDtypeStruct((NP, D), jnp.float32),
               jax.ShapeDtypeStruct((NP, 8), jnp.float32)),
    grid=(NP // BLK,),
    in_specs=[
        pl.BlockSpec((BLK, D), lambda i: (i, 0)),
        pl.BlockSpec((D, D), lambda i: (0, 0)),
        pl.BlockSpec((2, 1, BLK), lambda i: (0, 0, i)),
    ],
    out_specs=(pl.BlockSpec((BLK, D), lambda i: (i, 0)),
               pl.BlockSpec((BLK, 8), lambda i: (i, 0))),
)

FBLK = 1000


def _final_body(sb, gbl, disb, bb, ob):
    dis = disb[:, 0:1]
    ob[...] = dis * (sb[0] + sb[1] + gbl[...]) + bb[...]


_final_call = pl.pallas_call(
    _final_body,
    out_shape=jax.ShapeDtypeStruct((N, H), jnp.float32),
    grid=(N // FBLK,),
    in_specs=[
        pl.BlockSpec((2, FBLK, H), lambda i: (0, i, 0)),
        pl.BlockSpec((FBLK, H), lambda i: (i, 0)),
        pl.BlockSpec((FBLK, 8), lambda i: (i, 0)),
        pl.BlockSpec((1, H), lambda i: (0, 0)),
    ],
    out_specs=pl.BlockSpec((FBLK, H), lambda i: (i, 0)),
)


def kernel(x, edge_index, W, bias):
    ep = _pack_call(edge_index.reshape(2, E // 128, 128))
    xp = jnp.pad(x, ((0, NP - N), (0, 0)))

    deg_p = _deg_call(ep)
    g, dis8 = _dense_call(xp, W, deg_p)
    S = _agg_call(ep, g)
    return _final_call(S, g, dis8, bias.reshape(1, H))

# --- scband reference (transcript-rebuilt; emitter-appended) ---
"""Pipeline reference for scband-gcn-encoder-scatter-43593918054554 (READ-ONLY COPY).

The authoritative reference and input builder live on the scoring server;
editing this copy changes nothing except your own understanding.
"""

import jax, jax.numpy as jnp
import numpy as np

N = 10000
E = 320000
D = 128
H = 128


def add_remaining_self_loops(edge_index, num_nodes):
    # PyG semantics: drop existing self-loops, then append one self-loop per node
    row, col = edge_index[0], edge_index[1]
    mask = row != col
    loop = jnp.arange(num_nodes, dtype=edge_index.dtype)
    row = jnp.concatenate([row, loop])
    col = jnp.concatenate([col, loop])
    valid = jnp.concatenate([mask, jnp.ones((num_nodes,), dtype=bool)])
    return jnp.stack([row, col], axis=0), valid


def setup_inputs(seed: int = 0) -> dict:
    key = jax.random.key(seed)
    k1, k2, k3, k4 = jax.random.split(key, 4)
    x = jax.random.normal(k1, (N, D), dtype=jnp.float32)
    edge_index = jax.random.randint(k2, (2, E), 0, N, dtype=jnp.int32)
    # Linear(num_features, hidden, bias=False) -> weight shape [H, D]
    W = jax.random.normal(k3, (H, D), dtype=jnp.float32) * (1.0 / np.sqrt(D))
    bias = jax.random.normal(k4, (H,), dtype=jnp.float32) * 0.01
    return {"x": x, "edge_index": edge_index, "W": W, "bias": bias}


def reference(x, edge_index, W, bias):
    # h = self.lin(x)
    h = x @ W.T
    # propagate2
    ei, valid = add_remaining_self_loops(edge_index, x.shape[0])
    row, col = ei[0], ei[1]
    v = valid.astype(h.dtype)
    deg = jnp.zeros((x.shape[0],), dtype=h.dtype).at[col].add(v)
    deg_inv_sqrt = deg ** -0.5
    edge_weight = deg_inv_sqrt[row] * deg_inv_sqrt[col] * v
    out = edge_weight[:, None] * h[row]
    agg = jnp.zeros_like(h).at[col].add(out)
    return agg + bias

if __name__ == "__main__":
    import jax
    _d = setup_inputs()
    print(jax.jit(kernel)(*tuple(_d.values())))

</pallas_src>

<mosaic_0001>
#map = affine_map<(d0, d1) -> (0, 0)>
#map1 = affine_map<(d0, d1) -> (0, 0, 0)>
module attributes {stable_mosaic.version = 14 : i64} {
  func.func @_agg_body(%arg0: i32, %arg1: i32, %arg2: memref<2560x128xi32, #tpu.memory_space<hbm>>, %arg3: memref<10240x128xf32, #tpu.memory_space<hbm>>, %arg4: memref<2x10240x128xf32, #tpu.memory_space<hbm>>, %arg5: memref<40x128xi32, #tpu.memory_space<vmem>>, %arg6: memref<40x128xi32, #tpu.memory_space<vmem>>, %arg7: memref<40x128xi32, #tpu.memory_space<vmem>>, %arg8: memref<128x128xf32, #tpu.memory_space<vmem>>, %arg9: memref<128x128xf32, #tpu.memory_space<vmem>>, %arg10: memref<2x!tpu.dma_semaphore, #tpu.memory_space<semaphore_mem>>, %arg11: memref<!tpu.dma_semaphore, #tpu.memory_space<semaphore_mem>>, %arg12: memref<10240x128xf32, #tpu.memory_space<vmem_shared>>) attributes {dimension_semantics = [#tpu.dimension_semantics<core_parallel>, #tpu.dimension_semantics<subcore_parallel>], iteration_bounds = array<i64: 2, 16>, scalar_prefetch = 0 : i64, scratch_operands = 8 : i64, tpu.core_type = #tpu.core_type<sc_vector_subcore>, window_params = [{transform_indices = #map}, {transform_indices = #map}, {transform_indices = #map1}]} {
    %mul3A = arith.constant 16 : i32
    %mul3A_0 = arith.muli %arg0, %mul3A : i32
    %add3A = arith.addi %mul3A_0, %arg1 : i32
    %scan3A = arith.constant 0 : i32
    %scan3A_1 = arith.constant 0 : i32
    %scan3A_2 = arith.constant 128 : i32
    %scan3A_3 = arith.addi %scan3A_1, %scan3A_2 : i32
    %scan3A_4 = arith.constant 1 : i32
    scf.for %scan3A_314 = %scan3A_1 to %scan3A_3 step %scan3A_4  : i32 {
      %broadcast_in_dim3A = arith.constant 0.000000e+00 : f32
      %broadcast_in_dim3A_315 = vector.broadcast %broadcast_in_dim3A : f32 to vector<16xf32>
      %swap3A = arith.index_cast %scan3A_314 : i32 to index
      %swap3A_316 = arith.constant 0 : index
      %swap3A_317 = tpu.vector_load %arg8[%swap3A, %swap3A_316] {strides = array<i32>} : memref<128x128xf32, #tpu.memory_space<vmem>>, vector<1x16xf32>,
      %swap3A_318 = vector.shape_cast %swap3A_317 : vector<1x16xf32> to vector<16xf32>
      %swap3A_319 = vector.shape_cast %broadcast_in_dim3A_315 : vector<16xf32> to vector<1x16xf32>
      tpu.vector_store %arg8[%swap3A, %swap3A_316], %swap3A_319 {strides = array<i32>} : memref<128x128xf32, #tpu.memory_space<vmem>>, vector<1x16xf32>,
      %broadcast_in_dim3A_320 = arith.constant 0.000000e+00 : f32
      %broadcast_in_dim3A_321 = vector.broadcast %broadcast_in_dim3A_320 : f32 to vector<16xf32>
      %swap3A_322 = arith.index_cast %scan3A_314 : i32 to index
      %swap3A_323 = arith.constant 16 : index
      %swap3A_324 = tpu.vector_load %arg8[%swap3A_322, %swap3A_323] {strides = array<i32>} : memref<128x128xf32, #tpu.memory_space<vmem>>, vector<1x16xf32>,
      %swap3A_325 = vector.shape_cast %swap3A_324 : vector<1x16xf32> to vector<16xf32>
      %swap3A_326 = vector.shape_cast %broadcast_in_dim3A_321 : vector<16xf32> to vector<1x16xf32>
      tpu.vector_store %arg8[%swap3A_322, %swap3A_323], %swap3A_326 {strides = array<i32>} : memref<128x128xf32, #tpu.memory_space<vmem>>, vector<1x16xf32>,
      %broadcast_in_dim3A_327 = arith.constant 0.000000e+00 : f32
      %broadcast_in_dim3A_328 = vector.broadcast %broadcast_in_dim3A_327 : f32 to vector<16xf32>
      %swap3A_329 = arith.index_cast %scan3A_314 : i32 to index
      %swap3A_330 = arith.constant 32 : index
      %swap3A_331 = tpu.vector_load %arg8[%swap3A_329, %swap3A_330] {strides = array<i32>} : memref<128x128xf32, #tpu.memory_space<vmem>>, vector<1x16xf32>,
      %swap3A_332 = vector.shape_cast %swap3A_331 : vector<1x16xf32> to vector<16xf32>
      %swap3A_333 = vector.shape_cast %broadcast_in_dim3A_328 : vector<16xf32> to vector<1x16xf32>
      tpu.vector_store %arg8[%swap3A_329, %swap3A_330], %swap3A_333 {strides = array<i32>} : memref<128x128xf32, #tpu.memory_space<vmem>>, vector<1x16xf32>,
      %broadcast_in_dim3A_334 = arith.constant 0.000000e+00 : f32
      %broadcast_in_dim3A_335 = vector.broadcast %broadcast_in_dim3A_334 : f32 to vector<16xf32>
      %swap3A_336 = arith.index_cast %scan3A_314 : i32 to index
      %swap3A_337 = arith.constant 48 : index
      %swap3A_338 = tpu.vector_load %arg8[%swap3A_336, %swap3A_337] {strides = array<i32>} : memref<128x128xf32, #tpu.memory_space<vmem>>, vector<1x16xf32>,
      %swap3A_339 = vector.shape_cast %swap3A_338 : vector<1x16xf32> to vector<16xf32>
      %swap3A_340 = vector.shape_cast %broadcast_in_dim3A_335 : vector<16xf32> to vector<1x16xf32>
      tpu.vector_store %arg8[%swap3A_336, %swap3A_337], %swap3A_340 {strides = array<i32>} : memref<128x128xf32, #tpu.memory_space<vmem>>, vector<1x16xf32>,
      %broadcast_in_dim3A_341 = arith.constant 0.000000e+00 : f32
      %broadcast_in_dim3A_342 = vector.broadcast %broadcast_in_dim3A_341 : f32 to vector<16xf32>
      %swap3A_343 = arith.index_cast %scan3A_314 : i32 to index
      %swap3A_344 = arith.constant 64 : index
      %swap3A_345 = tpu.vector_load %arg8[%swap3A_343, %swap3A_344] {strides = array<i32>} : memref<128x128xf32, #tpu.memory_space<vmem>>, vector<1x16xf32>,
      %swap3A_346 = vector.shape_cast %swap3A_345 : vector<1x16xf32> to vector<16xf32>
      %swap3A_347 = vector.shape_cast %broadcast_in_dim3A_342 : vector<16xf32> to vector<1x16xf32>
      tpu.vector_store %arg8[%swap3A_343, %swap3A_344], %swap3A_347 {strides = array<i32>} : memref<128x128xf32, #tpu.memory_space<vmem>>, vector<1x16xf32>,
      %broadcast_in_dim3A_348 = arith.constant 0.000000e+00 : f32
      %broadcast_in_dim3A_349 = vector.broadcast %broadcast_in_dim3A_348 : f32 to vector<16xf32>
      %swap3A_350 = arith.index_cast %scan3A_314 : i32 to index
      %swap3A_351 = arith.constant 80 : index
      %swap3A_352 = tpu.vector_load %arg8[%swap3A_350, %swap3A_351] {strides = array<i32>} : memref<128x128xf32, #tpu.memory_space<vmem>>, vector<1x16xf32>,
      %swap3A_353 = vector.shape_cast %swap3A_352 : vector<1x16xf32> to vector<16xf32>
      %swap3A_354 = vector.shape_cast %broadcast_in_dim3A_349 : vector<16xf32> to vector<1x16xf32>
      tpu.vector_store %arg8[%swap3A_350, %swap3A_351], %swap3A_354 {strides = array<i32>} : memref<128x128xf32, #tpu.memory_space<vmem>>, vector<1x16xf32>,
      %broadcast_in_dim3A_355 = arith.constant 0.000000e+00 : f32
      %broadcast_in_dim3A_356 = vector.broadcast %broadcast_in_dim3A_355 : f32 to vector<16xf32>
      %swap3A_357 = arith.index_cast %scan3A_314 : i32 to index
      %swap3A_358 = arith.constant 96 : index
      %swap3A_359 = tpu.vector_load %arg8[%swap3A_357, %swap3A_358] {strides = array<i32>} : memref<128x128xf32, #tpu.memory_space<vmem>>, vector<1x16xf32>,
      %swap3A_360 = vector.shape_cast %swap3A_359 : vector<1x16xf32> to vector<16xf32>
      %swap3A_361 = vector.shape_cast %broadcast_in_dim3A_356 : vector<16xf32> to vector<1x16xf32>
      tpu.vector_store %arg8[%swap3A_357, %swap3A_358], %swap3A_361 {strides = array<i32>} : memref<128x128xf32, #tpu.memory_space<vmem>>, vector<1x16xf32>,
      %broadcast_in_dim3A_362 = arith.constant 0.000000e+00 : f32
      %broadcast_in_dim3A_363 = vector.broadcast %broadcast_in_dim3A_362 : f32 to vector<16xf32>
      %swap3A_364 = arith.index_cast %scan3A_314 : i32 to index
      %swap3A_365 = arith.constant 112 : index
      %swap3A_366 = tpu.vector_load %arg8[%swap3A_364, %swap3A_365] {strides = array<i32>} : memref<128x128xf32, #tpu.memory_space<vmem>>, vector<1x16xf32>,
      %swap3A_367 = vector.shape_cast %swap3A_366 : vector<1x16xf32> to vector<16xf32>
      %swap3A_368 = vector.shape_cast %broadcast_in_dim3A_363 : vector<16xf32> to vector<1x16xf32>
      tpu.vector_store %arg8[%swap3A_364, %swap3A_365], %swap3A_368 {strides = array<i32>} : memref<128x128xf32, #tpu.memory_space<vmem>>, vector<1x16xf32>,
    }
    %scan3A_5 = arith.constant 128 : i32
    %mul3A_6 = arith.constant 640 : i32
    %mul3A_7 = arith.muli %arg1, %mul3A_6 : i32
    %add3A_8 = arith.constant 0 : i32
    %add3A_9 = arith.addi %mul3A_7, %add3A_8 : i32
    %dma_start3A = arith.constant 0 : i32
    %dma_start3A_10 = tpu.memref_slice %arg12[%add3A_9, %dma_start3A] : memref<10240x128xf32, #tpu.memory_space<vmem_shared>> -> memref<128x128xf32, #tpu.memory_space<vmem_shared>>
    %dma_start3A_11 = arith.constant 0 : i32
    %dma_start3A_12 = tpu.memref_slice %arg12[%add3A_9, %dma_start3A_11] : memref<10240x128xf32, #tpu.memory_space<vmem_shared>> -> memref<128x128xf32, #tpu.memory_space<vmem_shared>>
    tpu.enqueue_dma source(%arg8 : memref<128x128xf32, #tpu.memory_space<vmem>>) target(%dma_start3A_12 : memref<128x128xf32, #tpu.memory_space<vmem_shared>>) target_semaphore(%arg11 : memref<!tpu.dma_semaphore, #tpu.memory_space<semaphore_mem>>)
    %mul3A_13 = arith.constant 640 : i32
    %mul3A_14 = arith.muli %arg1, %mul3A_13 : i32
    %add3A_15 = arith.constant 128 : i32
    %add3A_16 = arith.addi %mul3A_14, %add3A_15 : i32
    %dma_start3A_17 = arith.constant 0 : i32
    %dma_start3A_18 = tpu.memref_slice %arg12[%add3A_16, %dma_start3A_17] : memref<10240x128xf32, #tpu.memory_space<vmem_shared>> -> memref<128x128xf32, #tpu.memory_space<vmem_shared>>
    %dma_start3A_19 = arith.constant 0 : i32
    %dma_start3A_20 = tpu.memref_slice %arg12[%add3A_16, %dma_start3A_19] : memref<10240x128xf32, #tpu.memory_space<vmem_shared>> -> memref<128x128xf32, #tpu.memory_space<vmem_shared>>
    tpu.enqueue_dma source(%arg8 : memref<128x128xf32, #tpu.memory_space<vmem>>) target(%dma_start3A_20 : memref<128x128xf32, #tpu.memory_space<vmem_shared>>) target_semaphore(%arg11 : memref<!tpu.dma_semaphore, #tpu.memory_space<semaphore_mem>>)
    %mul3A_21 = arith.constant 640 : i32
    %mul3A_22 = arith.muli %arg1, %mul3A_21 : i32
    %add3A_23 = arith.constant 256 : i32
    %add3A_24 = arith.addi %mul3A_22, %add3A_23 : i32
    %dma_start3A_25 = arith.constant 0 : i32
    %dma_start3A_26 = tpu.memref_slice %arg12[%add3A_24, %dma_start3A_25] : memref<10240x128xf32, #tpu.memory_space<vmem_shared>> -> memref<128x128xf32, #tpu.memory_space<vmem_shared>>
    %dma_start3A_27 = arith.constant 0 : i32
    %dma_start3A_28 = tpu.memref_slice %arg12[%add3A_24, %dma_start3A_27] : memref<10240x128xf32, #tpu.memory_space<vmem_shared>> -> memref<128x128xf32, #tpu.memory_space<vmem_shared>>
    tpu.enqueue_dma source(%arg8 : memref<128x128xf32, #tpu.memory_space<vmem>>) target(%dma_start3A_28 : memref<128x128xf32, #tpu.memory_space<vmem_shared>>) target_semaphore(%arg11 : memref<!tpu.dma_semaphore, #tpu.memory_space<semaphore_mem>>)
    %mul3A_29 = arith.constant 640 : i32
    %mul3A_30 = arith.muli %arg1, %mul3A_29 : i32
    %add3A_31 = arith.constant 384 : i32
    %add3A_32 = arith.addi %mul3A_30, %add3A_31 : i32
    %dma_start3A_33 = arith.constant 0 : i32
    %dma_start3A_34 = tpu.memref_slice %arg12[%add3A_32, %dma_start3A_33] : memref<10240x128xf32, #tpu.memory_space<vmem_shared>> -> memref<128x128xf32, #tpu.memory_space<vmem_shared>>
    %dma_start3A_35 = arith.constant 0 : i32
    %dma_start3A_36 = tpu.memref_slice %arg12[%add3A_32, %dma_start3A_35] : memref<10240x128xf32, #tpu.memory_space<vmem_shared>> -> memref<128x128xf32, #tpu.memory_space<vmem_shared>>
    tpu.enqueue_dma source(%arg8 : memref<128x128xf32, #tpu.memory_space<vmem>>) target(%dma_start3A_36 : memref<128x128xf32, #tpu.memory_space<vmem_shared>>) target_semaphore(%arg11 : memref<!tpu.dma_semaphore, #tpu.memory_space<semaphore_mem>>)
    %mul3A_37 = arith.constant 640 : i32
    %mul3A_38 = arith.muli %arg1, %mul3A_37 : i32
    %add3A_39 = arith.constant 512 : i32
    %add3A_40 = arith.addi %mul3A_38, %add3A_39 : i32
    %dma_start3A_41 = arith.constant 0 : i32
    %dma_start3A_42 = tpu.memref_slice %arg12[%add3A_40, %dma_start3A_41] : memref<10240x128xf32, #tpu.memory_space<vmem_shared>> -> memref<128x128xf32, #tpu.memory_space<vmem_shared>>
    %dma_start3A_43 = arith.constant 0 : i32
    %dma_start3A_44 = tpu.memref_slice %arg12[%add3A_40, %dma_start3A_43] : memref<10240x128xf32, #tpu.memory_space<vmem_shared>> -> memref<128x128xf32, #tpu.memory_space<vmem_shared>>
    tpu.enqueue_dma source(%arg8 : memref<128x128xf32, #tpu.memory_space<vmem>>) target(%dma_start3A_44 : memref<128x128xf32, #tpu.memory_space<vmem_shared>>) target_semaphore(%arg11 : memref<!tpu.dma_semaphore, #tpu.memory_space<semaphore_mem>>)
    %mul3A_45 = arith.constant 80 : i32
    %mul3A_46 = arith.muli %add3A, %mul3A_45 : i32
    "tpu.region"() ({
      %run_scoped3A_314 = tpu.sem_alloc : memref<!tpu.dma_semaphore, #tpu.memory_space<semaphore_mem>>
      %dma_start3A_315 = arith.constant 0 : i32
      %dma_start3A_316 = tpu.memref_slice %arg2[%mul3A_46, %dma_start3A_315] : memref<2560x128xi32, #tpu.memory_space<hbm>> -> memref<40x128xi32, #tpu.memory_space<hbm>>
      %dma_start3A_317 = arith.constant 0 : i32
      %dma_start3A_318 = tpu.memref_slice %arg2[%mul3A_46, %dma_start3A_317] : memref<2560x128xi32, #tpu.memory_space<hbm>> -> memref<40x128xi32, #tpu.memory_space<hbm>>
      tpu.enqueue_dma source(%dma_start3A_318 : memref<40x128xi32, #tpu.memory_space<hbm>>) target(%arg5 : memref<40x128xi32, #tpu.memory_space<vmem>>) target_semaphore(%run_scoped3A_314 : memref<!tpu.dma_semaphore, #tpu.memory_space<semaphore_mem>>)
      %dma_wait3A_319 = arith.constant 0 : i32
      %dma_wait3A_320 = tpu.memref_slice %arg2[%mul3A_46, %dma_wait3A_319] : memref<2560x128xi32, #tpu.memory_space<hbm>> -> memref<40x128xi32, #tpu.memory_space<hbm>>
      %dma_wait3A_321 = arith.constant 0 : i32
      %dma_wait3A_322 = tpu.memref_slice %arg2[%mul3A_46, %dma_wait3A_321] : memref<2560x128xi32, #tpu.memory_space<hbm>> -> memref<40x128xi32, #tpu.memory_space<hbm>>
      tpu.wait_dma2 semaphore(%run_scoped3A_314 : memref<!tpu.dma_semaphore, #tpu.memory_space<semaphore_mem>>) src(%dma_wait3A_322 : memref<40x128xi32, #tpu.memory_space<hbm>>) dst(%arg5 : memref<40x128xi32, #tpu.memory_space<vmem>>)
      tpu.yield
    }) : () -> ()
    %scan3A_47 = arith.constant 0 : i32
    %scan3A_48 = arith.constant 0 : i32
    %scan3A_49 = arith.constant 40 : i32
    %scan3A_50 = arith.addi %scan3A_48, %scan3A_49 : i32
    %scan3A_51 = arith.constant 1 : i32
    scf.for %scan3A_314 = %scan3A_48 to %scan3A_50 step %scan3A_51  : i32 {
      %iota3A = tpu.iota {dimensions = array<i32: 0>} : vector<16xi32>
      %add3A_315 = arith.constant 10000 : i32
      %add3A_316 = vector.broadcast %add3A_315 : i32 to vector<16xi32>
      %add3A_317 = arith.addi %add3A_316, %iota3A : vector<16xi32>
      %get3A = arith.index_cast %scan3A_314 : i32 to index
      %get3A_318 = arith.constant 0 : index
      %get3A_319 = tpu.vector_load %arg5[%get3A, %get3A_318] {strides = array<i32>} : memref<40x128xi32, #tpu.memory_space<vmem>>, vector<1x16xi32>,
      %get3A_320 = vector.shape_cast %get3A_319 : vector<1x16xi32> to vector<16xi32>
      %shift_right_logical3A = arith.constant 14 : i32
      %shift_right_logical3A_321 = vector.broadcast %shift_right_logical3A : i32 to vector<16xi32>
      %shift_right_logical3A_322 = arith.shrui %get3A_320, %shift_right_logical3A_321 : vector<16xi32>
      %and3A = arith.constant 16383 : i32
      %and3A_323 = vector.broadcast %and3A : i32 to vector<16xi32>
      %and3A_324 = arith.andi %get3A_320, %and3A_323 : vector<16xi32>
      %swap3A = arith.index_cast %scan3A_314 : i32 to index
      %swap3A_325 = arith.constant 0 : index
      %swap3A_326 = tpu.vector_load %arg6[%swap3A, %swap3A_325] {strides = array<i32>} : memref<40x128xi32, #tpu.memory_space<vmem>>, vector<1x16xi32>,
      %swap3A_327 = vector.shape_cast %swap3A_326 : vector<1x16xi32> to vector<16xi32>
      %swap3A_328 = vector.shape_cast %shift_right_logical3A_322 : vector<16xi32> to vector<1x16xi32>
      tpu.vector_store %arg6[%swap3A, %swap3A_325], %swap3A_328 {strides = array<i32>} : memref<40x128xi32, #tpu.memory_space<vmem>>, vector<1x16xi32>,
      %eq3A = arith.cmpi eq, %shift_right_logical3A_322, %and3A_324 : vector<16xi32>
      %select_n3A = arith.select %eq3A, %add3A_317, %and3A_324 : vector<16xi1>, vector<16xi32>
      %swap3A_329 = arith.index_cast %scan3A_314 : i32 to index
      %swap3A_330 = arith.constant 0 : index
      %swap3A_331 = tpu.vector_load %arg7[%swap3A_329, %swap3A_330] {strides = array<i32>} : memref<40x128xi32, #tpu.memory_space<vmem>>, vector<1x16xi32>,
      %swap3A_332 = vector.shape_cast %swap3A_331 : vector<1x16xi32> to vector<16xi32>
      %swap3A_333 = vector.shape_cast %select_n3A : vector<16xi32> to vector<1x16xi32>
      tpu.vector_store %arg7[%swap3A_329, %swap3A_330], %swap3A_333 {strides = array<i32>} : memref<40x128xi32, #tpu.memory_space<vmem>>, vector<1x16xi32>,
      %iota3A_334 = tpu.iota {dimensions = array<i32: 0>} : vector<16xi32>
      %add3A_335 = arith.constant 10016 : i32
      %add3A_336 = vector.broadcast %add3A_335 : i32 to vector<16xi32>
      %add3A_337 = arith.addi %add3A_336, %iota3A_334 : vector<16xi32>
      %get3A_338 = arith.index_cast %scan3A_314 : i32 to index
      %get3A_339 = arith.constant 16 : index
      %get3A_340 = tpu.vector_load %arg5[%get3A_338, %get3A_339] {strides = array<i32>} : memref<40x128xi32, #tpu.memory_space<vmem>>, vector<1x16xi32>,
      %get3A_341 = vector.shape_cast %get3A_340 : vector<1x16xi32> to vector<16xi32>
      %shift_right_logical3A_342 = arith.constant 14 : i32
      %shift_right_logical3A_343 = vector.broadcast %shift_right_logical3A_342 : i32 to vector<16xi32>
      %shift_right_logical3A_344 = arith.shrui %get3A_341, %shift_right_logical3A_343 : vector<16xi32>
      %and3A_345 = arith.constant 16383 : i32
      %and3A_346 = vector.broadcast %and3A_345 : i32 to vector<16xi32>
      %and3A_347 = arith.andi %get3A_341, %and3A_346 : vector<16xi32>
      %swap3A_348 = arith.index_cast %scan3A_314 : i32 to index
      %swap3A_349 = arith.constant 16 : index
      %swap3A_350 = tpu.vector_load %arg6[%swap3A_348, %swap3A_349] {strides = array<i32>} : memref<40x128xi32, #tpu.memory_space<vmem>>, vector<1x16xi32>,
      %swap3A_351 = vector.shape_cast %swap3A_350 : vector<1x16xi32> to vector<16xi32>
      %swap3A_352 = vector.shape_cast %shift_right_logical3A_344 : vector<16xi32> to vector<1x16xi32>
      tpu.vector_store %arg6[%swap3A_348, %swap3A_349], %swap3A_352 {strides = array<i32>} : memref<40x128xi32, #tpu.memory_space<vmem>>, vector<1x16xi32>,
      %eq3A_353 = arith.cmpi eq, %shift_right_logical3A_344, %and3A_347 : vector<16xi32>
      %select_n3A_354 = arith.select %eq3A_353, %add3A_337, %and3A_347 : vector<16xi1>, vector<16xi32>
      %swap3A_355 = arith.index_cast %scan3A_314 : i32 to index
      %swap3A_356 = arith.constant 16 : index
      %swap3A_357 = tpu.vector_load %arg7[%swap3A_355, %swap3A_356] {strides = array<i32>} : memref<40x128xi32, #tpu.memory_space<vmem>>, vector<1x16xi32>,
      %swap3A_358 = vector.shape_cast %swap3A_357 : vector<1x16xi32> to vector<16xi32>
      %swap3A_359 = vector.shape_cast %select_n3A_354 : vector<16xi32> to vector<1x16xi32>
      tpu.vector_store %arg7[%swap3A_355, %swap3A_356], %swap3A_359 {strides = array<i32>} : memref<40x128xi32, #tpu.memory_space<vmem>>, vector<1x16xi32>,
      %iota3A_360 = tpu.iota {dimensions = array<i32: 0>} : vector<16xi32>
      %add3A_361 = arith.constant 10032 : i32
      %add3A_362 = vector.broadcast %add3A_361 : i32 to vector<16xi32>
      %add3A_363 = arith.addi %add3A_362, %iota3A_360 : vector<16xi32>
      %get3A_364 = arith.index_cast %scan3A_314 : i32 to index
      %get3A_365 = arith.constant 32 : index
      %get3A_366 = tpu.vector_load %arg5[%get3A_364, %get3A_365] {strides = array<i32>} : memref<40x128xi32, #tpu.memory_space<vmem>>, vector<1x16xi32>,
      %get3A_367 = vector.shape_cast %get3A_366 : vector<1x16xi32> to vector<16xi32>
      %shift_right_logical3A_368 = arith.constant 14 : i32
      %shift_right_logical3A_369 = vector.broadcast %shift_right_logical3A_368 : i32 to vector<16xi32>
      %shift_right_logical3A_370 = arith.shrui %get3A_367, %shift_right_logical3A_369 : vector<16xi32>
      %and3A_371 = arith.constant 16383 : i32
      %and3A_372 = vector.broadcast %and3A_371 : i32 to vector<16xi32>
      %and3A_373 = arith.andi %get3A_367, %and3A_372 : vector<16xi32>
      %swap3A_374 = arith.index_cast %scan3A_314 : i32 to index
      %swap3A_375 = arith.constant 32 : index
      %swap3A_376 = tpu.vector_load %arg6[%swap3A_374, %swap3A_375] {strides = array<i32>} : memref<40x128xi32, #tpu.memory_space<vmem>>, vector<1x16xi32>,
      %swap3A_377 = vector.shape_cast %swap3A_376 : vector<1x16xi32> to vector<16xi32>
      %swap3A_378 = vector.shape_cast %shift_right_logical3A_370 : vector<16xi32> to vector<1x16xi32>
      tpu.vector_store %arg6[%swap3A_374, %swap3A_375], %swap3A_378 {strides = array<i32>} : memref<40x128xi32, #tpu.memory_space<vmem>>, vector<1x16xi32>,
      %eq3A_379 = arith.cmpi eq, %shift_right_logical3A_370, %and3A_373 : vector<16xi32>
      %select_n3A_380 = arith.select %eq3A_379, %add3A_363, %and3A_373 : vector<16xi1>, vector<16xi32>
      %swap3A_381 = arith.index_cast %scan3A_314 : i32 to index
      %swap3A_382 = arith.constant 32 : index
      %swap3A_383 = tpu.vector_load %arg7[%swap3A_381, %swap3A_382] {strides = array<i32>} : memref<40x128xi32, #tpu.memory_space<vmem>>, vector<1x16xi32>,
      %swap3A_384 = vector.shape_cast %swap3A_383 : vector<1x16xi32> to vector<16xi32>
      %swap3A_385 = vector.shape_cast %select_n3A_380 : vector<16xi32> to vector<1x16xi32>
      tpu.vector_store %arg7[%swap3A_381, %swap3A_382], %swap3A_385 {strides = array<i32>} : memref<40x128xi32, #tpu.memory_space<vmem>>, vector<1x16xi32>,
      %iota3A_386 = tpu.iota {dimensions = array<i32: 0>} : vector<16xi32>
      %add3A_387 = arith.constant 10048 : i32
      %add3A_388 = vector.broadcast %add3A_387 : i32 to vector<16xi32>
      %add3A_389 = arith.addi %add3A_388, %iota3A_386 : vector<16xi32>
      %get3A_390 = arith.index_cast %scan3A_314 : i32 to index
      %get3A_391 = arith.constant 48 : index
      %get3A_392 = tpu.vector_load %arg5[%get3A_390, %get3A_391] {strides = array<i32>} : memref<40x128xi32, #tpu.memory_space<vmem>>, vector<1x16xi32>,
      %get3A_393 = vector.shape_cast %get3A_392 : vector<1x16xi32> to vector<16xi32>
      %shift_right_logical3A_394 = arith.constant 14 : i32
      %shift_right_logical3A_395 = vector.broadcast %shift_right_logical3A_394 : i32 to vector<16xi32>
      %shift_right_logical3A_396 = arith.shrui %get3A_393, %shift_right_logical3A_395 : vector<16xi32>
      %and3A_397 = arith.constant 16383 : i32
      %and3A_398 = vector.broadcast %and3A_397 : i32 to vector<16xi32>
      %and3A_399 = arith.andi %get3A_393, %and3A_398 : vector<16xi32>
      %swap3A_400 = arith.index_cast %scan3A_314 : i32 to index
      %swap3A_401 = arith.constant 48 : index
      %swap3A_402 = tpu.vector_load %arg6[%swap3A_400, %swap3A_401] {strides = array<i32>} : memref<40x128xi32, #tpu.memory_space<vmem>>, vector<1x16xi32>,
      %swap3A_403 = vector.shape_cast %swap3A_402 : vector<1x16xi32> to vector<16xi32>
      %swap3A_404 = vector.shape_cast %shift_right_logical3A_396 : vector<16xi32> to vector<1x16xi32>
      tpu.vector_store %arg6[%swap3A_400, %swap3A_401], %swap3A_404 {strides = array<i32>} : memref<40x128xi32, #tpu.memory_space<vmem>>, vector<1x16xi32>,
      %eq3A_405 = arith.cmpi eq, %shift_right_logical3A_396, %and3A_399 : vector<16xi32>
      %select_n3A_406 = arith.select %eq3A_405, %add3A_389, %and3A_399 : vector<16xi1>, vector<16xi32>
      %swap3A_407 = arith.index_cast %scan3A_314 : i32 to index
      %swap3A_408 = arith.constant 48 : index
      %swap3A_409 = tpu.vector_load %arg7[%swap3A_407, %swap3A_408] {strides = array<i32>} : memref<40x128xi32, #tpu.memory_space<vmem>>, vector<1x16xi32>,
      %swap3A_410 = vector.shape_cast %swap3A_409 : vector<1x16xi32> to vector<16xi32>
      %swap3A_411 = vector.shape_cast %select_n3A_406 : vector<16xi32> to vector<1x16xi32>
      tpu.vector_store %arg7[%swap3A_407, %swap3A_408], %swap3A_411 {strides = array<i32>} : memref<40x128xi32, #tpu.memory_space<vmem>>, vector<1x16xi32>,
      %iota3A_412 = tpu.iota {dimensions = array<i32: 0>} : vector<16xi32>
      %add3A_413 = arith.constant 10064 : i32
      %add3A_414 = vector.broadcast %add3A_413 : i32 to vector<16xi32>
      %add3A_415 = arith.addi %add3A_414, %iota3A_412 : vector<16xi32>
      %get3A_416 = arith.index_cast %scan3A_314 : i32 to index
      %get3A_417 = arith.constant 64 : index
      %get3A_418 = tpu.vector_load %arg5[%get3A_416, %get3A_417] {strides = array<i32>} : memref<40x128xi32, #tpu.memory_space<vmem>>, vector<1x16xi32>,
      %get3A_419 = vector.shape_cast %get3A_418 : vector<1x16xi32> to vector<16xi32>
      %shift_right_logical3A_420 = arith.constant 14 : i32
      %shift_right_logical3A_421 = vector.broadcast %shift_right_logical3A_420 : i32 to vector<16xi32>
      %shift_right_logical3A_422 = arith.shrui %get3A_419, %shift_right_logical3A_421 : vector<16xi32>
      %and3A_423 = arith.constant 16383 : i32
      %and3A_424 = vector.broadcast %and3A_423 : i32 to vector<16xi32>
      %and3A_425 = arith.andi %get3A_419, %and3A_424 : vector<16xi32>
      %swap3A_426 = arith.index_cast %scan3A_314 : i32 to index
      %swap3A_427 = arith.constant 64 : index
      %swap3A_428 = tpu.vector_load %arg6[%swap3A_426, %swap3A_427] {strides = array<i32>} : memref<40x128xi32, #tpu.memory_space<vmem>>, vector<1x16xi32>,
      %swap3A_429 = vector.shape_cast %swap3A_428 : vector<1x16xi32> to vector<16xi32>
      %swap3A_430 = vector.shape_cast %shift_right_logical3A_422 : vector<16xi32> to vector<1x16xi32>
      tpu.vector_store %arg6[%swap3A_426, %swap3A_427], %swap3A_430 {strides = array<i32>} : memref<40x128xi32, #tpu.memory_space<vmem>>, vector<1x16xi32>,
      %eq3A_431 = arith.cmpi eq, %shift_right_logical3A_422, %and3A_425 : vector<16xi32>
      %select_n3A_432 = arith.select %eq3A_431, %add3A_415, %and3A_425 : vector<16xi1>, vector<16xi32>
      %swap3A_433 = arith.index_cast %scan3A_314 : i32 to index
      %swap3A_434 = arith.constant 64 : index
      %swap3A_435 = tpu.vector_load %arg7[%swap3A_433, %swap3A_434] {strides = array<i32>} : memref<40x128xi32, #tpu.memory_space<vmem>>, vector<1x16xi32>,
      %swap3A_436 = vector.shape_cast %swap3A_435 : vector<1x16xi32> to vector<16xi32>
      %swap3A_437 = vector.shape_cast %select_n3A_432 : vector<16xi32> to vector<1x16xi32>
      tpu.vector_store %arg7[%swap3A_433, %swap3A_434], %swap3A_437 {strides = array<i32>} : memref<40x128xi32, #tpu.memory_space<vmem>>, vector<1x16xi32>,
      %iota3A_438 = tpu.iota {dimensions = array<i32: 0>} : vector<16xi32>
      %add3A_439 = arith.constant 10080 : i32
      %add3A_440 = vector.broadcast %add3A_439 : i32 to vector<16xi32>
      %add3A_441 = arith.addi %add3A_440, %iota3A_438 : vector<16xi32>
      %get3A_442 = arith.index_cast %scan3A_314 : i32 to index
      %get3A_443 = arith.constant 80 : index
      %get3A_444 = tpu.vector_load %arg5[%get3A_442, %get3A_443] {strides = array<i32>} : memref<40x128xi32, #tpu.memory_space<vmem>>, vector<1x16xi32>,
      %get3A_445 = vector.shape_cast %get3A_444 : vector<1x16xi32> to vector<16xi32>
      %shift_right_logical3A_446 = arith.constant 14 : i32
      %shift_right_logical3A_447 = vector.broadcast %shift_right_logical3A_446 : i32 to vector<16xi32>
      %shift_right_logical3A_448 = arith.shrui %get3A_445, %shift_right_logical3A_447 : vector<16xi32>
      %and3A_449 = arith.constant 16383 : i32
      %and3A_450 = vector.broadcast %and3A_449 : i32 to vector<16xi32>
      %and3A_451 = arith.andi %get3A_445, %and3A_450 : vector<16xi32>
      %swap3A_452 = arith.index_cast %scan3A_314 : i32 to index
      %swap3A_453 = arith.constant 80 : index
      %swap3A_454 = tpu.vector_load %arg6[%swap3A_452, %swap3A_453] {strides = array<i32>} : memref<40x128xi32, #tpu.memory_space<vmem>>, vector<1x16xi32>,
      %swap3A_455 = vector.shape_cast %swap3A_454 : vector<1x16xi32> to vector<16xi32>
      %swap3A_456 = vector.shape_cast %shift_right_logical3A_448 : vector<16xi32> to vector<1x16xi32>
      tpu.vector_store %arg6[%swap3A_452, %swap3A_453], %swap3A_456 {strides = array<i32>} : memref<40x128xi32, #tpu.memory_space<vmem>>, vector<1x16xi32>,
      %eq3A_457 = arith.cmpi eq, %shift_right_logical3A_448, %and3A_451 : vector<16xi32>
      %select_n3A_458 = arith.select %eq3A_457, %add3A_441, %and3A_451 : vector<16xi1>, vector<16xi32>
      %swap3A_459 = arith.index_cast %scan3A_314 : i32 to index
      %swap3A_460 = arith.constant 80 : index
      %swap3A_461 = tpu.vector_load %arg7[%swap3A_459, %swap3A_460] {strides = array<i32>} : memref<40x128xi32, #tpu.memory_space<vmem>>, vector<1x16xi32>,
      %swap3A_462 = vector.shape_cast %swap3A_461 : vector<1x16xi32> to vector<16xi32>
      %swap3A_463 = vector.shape_cast %select_n3A_458 : vector<16xi32> to vector<1x16xi32>
      tpu.vector_store %arg7[%swap3A_459, %swap3A_460], %swap3A_463 {strides = array<i32>} : memref<40x128xi32, #tpu.memory_space<vmem>>, vector<1x16xi32>,
      %iota3A_464 = tpu.iota {dimensions = array<i32: 0>} : vector<16xi32>
      %add3A_465 = arith.constant 10096 : i32
      %add3A_466 = vector.broadcast %add3A_465 : i32 to vector<16xi32>
      %add3A_467 = arith.addi %add3A_466, %iota3A_464 : vector<16xi32>
      %get3A_468 = arith.index_cast %scan3A_314 : i32 to index
      %get3A_469 = arith.constant 96 : index
      %get3A_470 = tpu.vector_load %arg5[%get3A_468, %get3A_469] {strides = array<i32>} : memref<40x128xi32, #tpu.memory_space<vmem>>, vector<1x16xi32>,
      %get3A_471 = vector.shape_cast %get3A_470 : vector<1x16xi32> to vector<16xi32>
      %shift_right_logical3A_472 = arith.constant 14 : i32
      %shift_right_logical3A_473 = vector.broadcast %shift_right_logical3A_472 : i32 to vector<16xi32>
      %shift_right_logical3A_474 = arith.shrui %get3A_471, %shift_right_logical3A_473 : vector<16xi32>
      %and3A_475 = arith.constant 16383 : i32
      %and3A_476 = vector.broadcast %and3A_475 : i32 to vector<16xi32>
      %and3A_477 = arith.andi %get3A_471, %and3A_476 : vector<16xi32>
      %swap3A_478 = arith.index_cast %scan3A_314 : i32 to index
      %swap3A_479 = arith.constant 96 : index
      %swap3A_480 = tpu.vector_load %arg6[%swap3A_478, %swap3A_479] {strides = array<i32>} : memref<40x128xi32, #tpu.memory_space<vmem>>, vector<1x16xi32>,
      %swap3A_481 = vector.shape_cast %swap3A_480 : vector<1x16xi32> to vector<16xi32>
      %swap3A_482 = vector.shape_cast %shift_right_logical3A_474 : vector<16xi32> to vector<1x16xi32>
      tpu.vector_store %arg6[%swap3A_478, %swap3A_479], %swap3A_482 {strides = array<i32>} : memref<40x128xi32, #tpu.memory_space<vmem>>, vector<1x16xi32>,
      %eq3A_483 = arith.cmpi eq, %shift_right_logical3A_474, %and3A_477 : vector<16xi32>
      %select_n3A_484 = arith.select %eq3A_483, %add3A_467, %and3A_477 : vector<16xi1>, vector<16xi32>
      %swap3A_485 = arith.index_cast %scan3A_314 : i32 to index
      %swap3A_486 = arith.constant 96 : index
      %swap3A_487 = tpu.vector_load %arg7[%swap3A_485, %swap3A_486] {strides = array<i32>} : memref<40x128xi32, #tpu.memory_space<vmem>>, vector<1x16xi32>,
      %swap3A_488 = vector.shape_cast %swap3A_487 : vector<1x16xi32> to vector<16xi32>
      %swap3A_489 = vector.shape_cast %select_n3A_484 : vector<16xi32> to vector<1x16xi32>
      tpu.vector_store %arg7[%swap3A_485, %swap3A_486], %swap3A_489 {strides = array<i32>} : memref<40x128xi32, #tpu.memory_space<vmem>>, vector<1x16xi32>,
      %iota3A_490 = tpu.iota {dimensions = array<i32: 0>} : vector<16xi32>
      %add3A_491 = arith.constant 10112 : i32
      %add3A_492 = vector.broadcast %add3A_491 : i32 to vector<16xi32>
      %add3A_493 = arith.addi %add3A_492, %iota3A_490 : vector<16xi32>
      %get3A_494 = arith.index_cast %scan3A_314 : i32 to index
      %get3A_495 = arith.constant 112 : index
      %get3A_496 = tpu.vector_load %arg5[%get3A_494, %get3A_495] {strides = array<i32>} : memref<40x128xi32, #tpu.memory_space<vmem>>, vector<1x16xi32>,
      %get3A_497 = vector.shape_cast %get3A_496 : vector<1x16xi32> to vector<16xi32>
      %shift_right_logical3A_498 = arith.constant 14 : i32
      %shift_right_logical3A_499 = vector.broadcast %shift_right_logical3A_498 : i32 to vector<16xi32>
      %shift_right_logical3A_500 = arith.shrui %get3A_497, %shift_right_logical3A_499 : vector<16xi32>
      %and3A_501 = arith.constant 16383 : i32
      %and3A_502 = vector.broadcast %and3A_501 : i32 to vector<16xi32>
      %and3A_503 = arith.andi %get3A_497, %and3A_502 : vector<16xi32>
      %swap3A_504 = arith.index_cast %scan3A_314 : i32 to index
      %swap3A_505 = arith.constant 112 : index
      %swap3A_506 = tpu.vector_load %arg6[%swap3A_504, %swap3A_505] {strides = array<i32>} : memref<40x128xi32, #tpu.memory_space<vmem>>, vector<1x16xi32>,
      %swap3A_507 = vector.shape_cast %swap3A_506 : vector<1x16xi32> to vector<16xi32>
      %swap3A_508 = vector.shape_cast %shift_right_logical3A_500 : vector<16xi32> to vector<1x16xi32>
      tpu.vector_store %arg6[%swap3A_504, %swap3A_505], %swap3A_508 {strides = array<i32>} : memref<40x128xi32, #tpu.memory_space<vmem>>, vector<1x16xi32>,
      %eq3A_509 = arith.cmpi eq, %shift_right_logical3A_500, %and3A_503 : vector<16xi32>
      %select_n3A_510 = arith.select %eq3A_509, %add3A_493, %and3A_503 : vector<16xi1>, vector<16xi32>
      %swap3A_511 = arith.index_cast %scan3A_314 : i32 to index
      %swap3A_512 = arith.constant 112 : index
      %swap3A_513 = tpu.vector_load %arg7[%swap3A_511, %swap3A_512] {strides = array<i32>} : memref<40x128xi32, #tpu.memory_space<vmem>>, vector<1x16xi32>,
      %swap3A_514 = vector.shape_cast %swap3A_513 : vector<1x16xi32> to vector<16xi32>
      %swap3A_515 = vector.shape_cast %select_n3A_510 : vector<16xi32> to vector<1x16xi32>
      tpu.vector_store %arg7[%swap3A_511, %swap3A_512], %swap3A_515 {strides = array<i32>} : memref<40x128xi32, #tpu.memory_space<vmem>>, vector<1x16xi32>,
    }
    %scan3A_52 = arith.constant 40 : i32
    %dma_wait3A = arith.constant 0 : i32
    %dma_wait3A_53 = arith.constant 0 : i32
    %dma_wait3A_54 = tpu.memref_slice %arg3[%dma_wait3A, %dma_wait3A_53] : memref<10240x128xf32, #tpu.memory_space<hbm>> -> memref<128x128xf32, #tpu.memory_space<hbm>>
    %dma_wait3A_55 = arith.constant 0 : i32
    %dma_wait3A_56 = arith.constant 0 : i32
    %dma_wait3A_57 = tpu.memref_slice %arg3[%dma_wait3A_55, %dma_wait3A_56] : memref<10240x128xf32, #tpu.memory_space<hbm>> -> memref<128x128xf32, #tpu.memory_space<hbm>>
    tpu.wait_dma2 semaphore(%arg11 : memref<!tpu.dma_semaphore, #tpu.memory_space<semaphore_mem>>) src(%dma_wait3A_57 : memref<128x128xf32, #tpu.memory_space<hbm>>) dst(%arg8 : memref<128x128xf32, #tpu.memory_space<vmem>>)
    %dma_wait3A_58 = arith.constant 0 : i32
    %dma_wait3A_59 = arith.constant 0 : i32
    %dma_wait3A_60 = tpu.memref_slice %arg3[%dma_wait3A_58, %dma_wait3A_59] : memref<10240x128xf32, #tpu.memory_space<hbm>> -> memref<128x128xf32, #tpu.memory_space<hbm>>
    %dma_wait3A_61 = arith.constant 0 : i32
    %dma_wait3A_62 = arith.constant 0 : i32
    %dma_wait3A_63 = tpu.memref_slice %arg3[%dma_wait3A_61, %dma_wait3A_62] : memref<10240x128xf32, #tpu.memory_space<hbm>> -> memref<128x128xf32, #tpu.memory_space<hbm>>
    tpu.wait_dma2 semaphore(%arg11 : memref<!tpu.dma_semaphore, #tpu.memory_space<semaphore_mem>>) src(%dma_wait3A_63 : memref<128x128xf32, #tpu.memory_space<hbm>>) dst(%arg8 : memref<128x128xf32, #tpu.memory_space<vmem>>)
    %dma_wait3A_64 = arith.constant 0 : i32
    %dma_wait3A_65 = arith.constant 0 : i32
    %dma_wait3A_66 = tpu.memref_slice %arg3[%dma_wait3A_64, %dma_wait3A_65] : memref<10240x128xf32, #tpu.memory_space<hbm>> -> memref<128x128xf32, #tpu.memory_space<hbm>>
    %dma_wait3A_67 = arith.constant 0 : i32
    %dma_wait3A_68 = arith.constant 0 : i32
    %dma_wait3A_69 = tpu.memref_slice %arg3[%dma_wait3A_67, %dma_wait3A_68] : memref<10240x128xf32, #tpu.memory_space<hbm>> -> memref<128x128xf32, #tpu.memory_space<hbm>>
    tpu.wait_dma2 semaphore(%arg11 : memref<!tpu.dma_semaphore, #tpu.memory_space<semaphore_mem>>) src(%dma_wait3A_69 : memref<128x128xf32, #tpu.memory_space<hbm>>) dst(%arg8 : memref<128x128xf32, #tpu.memory_space<vmem>>)
    %dma_wait3A_70 = arith.constant 0 : i32
    %dma_wait3A_71 = arith.constant 0 : i32
    %dma_wait3A_72 = tpu.memref_slice %arg3[%dma_wait3A_70, %dma_wait3A_71] : memref<10240x128xf32, #tpu.memory_space<hbm>> -> memref<128x128xf32, #tpu.memory_space<hbm>>
    %dma_wait3A_73 = arith.constant 0 : i32
    %dma_wait3A_74 = arith.constant 0 : i32
    %dma_wait3A_75 = tpu.memref_slice %arg3[%dma_wait3A_73, %dma_wait3A_74] : memref<10240x128xf32, #tpu.memory_space<hbm>> -> memref<128x128xf32, #tpu.memory_space<hbm>>
    tpu.wait_dma2 semaphore(%arg11 : memref<!tpu.dma_semaphore, #tpu.memory_space<semaphore_mem>>) src(%dma_wait3A_75 : memref<128x128xf32, #tpu.memory_space<hbm>>) dst(%arg8 : memref<128x128xf32, #tpu.memory_space<vmem>>)
    %dma_wait3A_76 = arith.constant 0 : i32
    %dma_wait3A_77 = arith.constant 0 : i32
    %dma_wait3A_78 = tpu.memref_slice %arg3[%dma_wait3A_76, %dma_wait3A_77] : memref<10240x128xf32, #tpu.memory_space<hbm>> -> memref<128x128xf32, #tpu.memory_space<hbm>>
    %dma_wait3A_79 = arith.constant 0 : i32
    %dma_wait3A_80 = arith.constant 0 : i32
    %dma_wait3A_81 = tpu.memref_slice %arg3[%dma_wait3A_79, %dma_wait3A_80] : memref<10240x128xf32, #tpu.memory_space<hbm>> -> memref<128x128xf32, #tpu.memory_space<hbm>>
    tpu.wait_dma2 semaphore(%arg11 : memref<!tpu.dma_semaphore, #tpu.memory_space<semaphore_mem>>) src(%dma_wait3A_81 : memref<128x128xf32, #tpu.memory_space<hbm>>) dst(%arg8 : memref<128x128xf32, #tpu.memory_space<vmem>>)
    %barrier3A = arith.constant 0 : index
    tpu.barrier barrier_id(%barrier3A)
    %dma_start3A_82 = arith.constant 0 : i32
    %dma_start3A_83 = arith.constant 0 : i32
    %dma_start3A_84 = arith.constant 0 : i32
    %dma_start3A_85 = tpu.memref_slice %arg6[%dma_start3A_82, %dma_start3A_84] : memref<40x128xi32, #tpu.memory_space<vmem>> -> memref<1x128xi32, #tpu.memory_space<vmem>>
    %dma_start3A_86 = tpu.memref_squeeze %dma_start3A_85 : memref<1x128xi32, #tpu.memory_space<vmem>> -> memref<128xi32, #tpu.memory_space<vmem>>
    %dma_start3A_87 = arith.constant 0 : i32
    %dma_start3A_88 = arith.constant 0 : i32
    %dma_start3A_89 = tpu.memref_slice %arg3[%dma_start3A_87, %dma_start3A_88] : memref<10240x128xf32, #tpu.memory_space<hbm>> -> memref<10240x128xf32, #tpu.memory_space<hbm>>
    %dma_start3A_90 = tpu.memref_slice %arg10[%dma_start3A_83] : memref<2x!tpu.dma_semaphore, #tpu.memory_space<semaphore_mem>> -> memref<1x!tpu.dma_semaphore, #tpu.memory_space<semaphore_mem>>
    %dma_start3A_91 = tpu.memref_squeeze %dma_start3A_90 : memref<1x!tpu.dma_semaphore, #tpu.memory_space<semaphore_mem>> -> memref<!tpu.dma_semaphore, #tpu.memory_space<semaphore_mem>>
    tpu.enqueue_indirect_dma source(%dma_start3A_89 : memref<10240x128xf32, #tpu.memory_space<hbm>>) target(%arg8 : memref<128x128xf32, #tpu.memory_space<vmem>>) offsets(%dma_start3A_86 : memref<128xi32, #tpu.memory_space<vmem>>) semaphore(%dma_start3A_91 : memref<!tpu.dma_semaphore, #tpu.memory_space<semaphore_mem>>)
    %scan3A_92 = arith.constant 0 : i32
    %scan3A_93 = arith.constant 0 : i32
    %scan3A_94 = arith.constant 19 : i32
    %scan3A_95 = arith.addi %scan3A_93, %scan3A_94 : i32
    %scan3A_96 = arith.constant 1 : i32
    scf.for %scan3A_314 = %scan3A_93 to %scan3A_95 step %scan3A_96  : i32 {
      %mul3A_315 = arith.constant 2 : i32
      %mul3A_316 = arith.muli %scan3A_314, %mul3A_315 : i32
      %add3A_317 = arith.constant 0 : i32
      %add3A_318 = arith.addi %mul3A_316, %add3A_317 : i32
      %dma_wait3A_319 = arith.constant 0 : i32
      %dma_wait3A_320 = arith.constant 0 : i32
      %dma_wait3A_321 = arith.constant 0 : i32
      %dma_wait3A_322 = tpu.memref_slice %arg3[%dma_wait3A_320, %dma_wait3A_321] : memref<10240x128xf32, #tpu.memory_space<hbm>> -> memref<128x128xf32, #tpu.memory_space<hbm>>
      %dma_wait3A_323 = tpu.memref_slice %arg10[%dma_wait3A_319] : memref<2x!tpu.dma_semaphore, #tpu.memory_space<semaphore_mem>> -> memref<1x!tpu.dma_semaphore, #tpu.memory_space<semaphore_mem>>
      %dma_wait3A_324 = tpu.memref_squeeze %dma_wait3A_323 : memref<1x!tpu.dma_semaphore, #tpu.memory_space<semaphore_mem>> -> memref<!tpu.dma_semaphore, #tpu.memory_space<semaphore_mem>>
      %dma_wait3A_325 = arith.constant 0 : i32
      %dma_wait3A_326 = arith.constant 0 : i32
      %dma_wait3A_327 = tpu.memref_slice %arg3[%dma_wait3A_325, %dma_wait3A_326] : memref<10240x128xf32, #tpu.memory_space<hbm>> -> memref<128x128xf32, #tpu.memory_space<hbm>>
      tpu.wait_dma2 semaphore(%dma_wait3A_324 : memref<!tpu.dma_semaphore, #tpu.memory_space<semaphore_mem>>) src(%dma_wait3A_327 : memref<128x128xf32, #tpu.memory_space<hbm>>) dst(%arg8 : memref<128x128xf32, #tpu.memory_space<vmem>>)
      %add3A_328 = arith.constant 1 : i32
      %add3A_329 = arith.addi %add3A_318, %add3A_328 : i32
      %dma_start3A_330 = arith.constant 1 : i32
      %dma_start3A_331 = arith.constant 0 : i32
      %dma_start3A_332 = tpu.memref_slice %arg6[%add3A_329, %dma_start3A_331] : memref<40x128xi32, #tpu.memory_space<vmem>> -> memref<1x128xi32, #tpu.memory_space<vmem>>
      %dma_start3A_333 = tpu.memref_squeeze %dma_start3A_332 : memref<1x128xi32, #tpu.memory_space<vmem>> -> memref<128xi32, #tpu.memory_space<vmem>>
      %dma_start3A_334 = arith.constant 0 : i32
      %dma_start3A_335 = arith.constant 0 : i32
      %dma_start3A_336 = tpu.memref_slice %arg3[%dma_start3A_334, %dma_start3A_335] : memref<10240x128xf32, #tpu.memory_space<hbm>> -> memref<10240x128xf32, #tpu.memory_space<hbm>>
      %dma_start3A_337 = tpu.memref_slice %arg10[%dma_start3A_330] : memref<2x!tpu.dma_semaphore, #tpu.memory_space<semaphore_mem>> -> memref<1x!tpu.dma_semaphore, #tpu.memory_space<semaphore_mem>>
      %dma_start3A_338 = tpu.memref_squeeze %dma_start3A_337 : memref<1x!tpu.dma_semaphore, #tpu.memory_space<semaphore_mem>> -> memref<!tpu.dma_semaphore, #tpu.memory_space<semaphore_mem>>
      tpu.enqueue_indirect_dma source(%dma_start3A_336 : memref<10240x128xf32, #tpu.memory_space<hbm>>) target(%arg9 : memref<128x128xf32, #tpu.memory_space<vmem>>) offsets(%dma_start3A_333 : memref<128xi32, #tpu.memory_space<vmem>>) semaphore(%dma_start3A_338 : memref<!tpu.dma_semaphore, #tpu.memory_space<semaphore_mem>>)
      "tpu.region"() ({
        %run_scoped3A_363 = tpu.sem_alloc : memref<!tpu.dma_semaphore, #tpu.memory_space<semaphore_mem>>
        %dma_start3A_364 = arith.constant 0 : i32
        %dma_start3A_365 = tpu.memref_slice %arg7[%add3A_318, %dma_start3A_364] : memref<40x128xi32, #tpu.memory_space<vmem>> -> memref<1x128xi32, #tpu.memory_space<vmem>>
        %dma_start3A_366 = tpu.memref_squeeze %dma_start3A_365 : memref<1x128xi32, #tpu.memory_space<vmem>> -> memref<128xi32, #tpu.memory_space<vmem>>
        %dma_start3A_367 = arith.constant 0 : i32
        %dma_start3A_368 = arith.constant 0 : i32
        %dma_start3A_369 = tpu.memref_slice %arg12[%dma_start3A_367, %dma_start3A_368] : memref<10240x128xf32, #tpu.memory_space<vmem_shared>> -> memref<10240x128xf32, #tpu.memory_space<vmem_shared>>
        tpu.enqueue_indirect_dma source(%arg8 : memref<128x128xf32, #tpu.memory_space<vmem>>) target(%dma_start3A_369 : memref<10240x128xf32, #tpu.memory_space<vmem_shared>>) offsets(%dma_start3A_366 : memref<128xi32, #tpu.memory_space<vmem>>) semaphore(%run_scoped3A_363 : memref<!tpu.dma_semaphore, #tpu.memory_space<semaphore_mem>>) {add = true}
        %dma_wait3A_370 = arith.constant 0 : i32
        %dma_wait3A_371 = tpu.memref_slice %arg7[%add3A_318, %dma_wait3A_370] : memref<40x128xi32, #tpu.memory_space<vmem>> -> memref<1x128xi32, #tpu.memory_space<vmem>>
        %dma_wait3A_372 = tpu.memref_squeeze %dma_wait3A_371 : memref<1x128xi32, #tpu.memory_space<vmem>> -> memref<128xi32, #tpu.memory_space<vmem>>
        %dma_wait3A_373 = arith.constant 0 : i32
        %dma_wait3A_374 = arith.constant 0 : i32
        %dma_wait3A_375 = tpu.memref_slice %arg12[%dma_wait3A_373, %dma_wait3A_374] : memref<10240x128xf32, #tpu.memory_space<vmem_shared>> -> memref<10240x128xf32, #tpu.memory_space<vmem_shared>>
        tpu.wait_indirect_dma semaphore(%run_scoped3A_363 : memref<!tpu.dma_semaphore, #tpu.memory_space<semaphore_mem>>) src(%arg8 : memref<128x128xf32, #tpu.memory_space<vmem>>) dst(%dma_wait3A_375 : memref<10240x128xf32, #tpu.memory_space<vmem_shared>>)
        tpu.yield
      }) : () -> ()
      %mul3A_339 = arith.constant 2 : i32
      %mul3A_340 = arith.muli %scan3A_314, %mul3A_339 : i32
      %add3A_341 = arith.constant 1 : i32
      %add3A_342 = arith.addi %mul3A_340, %add3A_341 : i32
      %dma_wait3A_343 = arith.constant 1 : i32
      %dma_wait3A_344 = arith.constant 0 : i32
      %dma_wait3A_345 = arith.constant 0 : i32
      %dma_wait3A_346 = tpu.memref_slice %arg3[%dma_wait3A_344, %dma_wait3A_345] : memref<10240x128xf32, #tpu.memory_space<hbm>> -> memref<128x128xf32, #tpu.memory_space<hbm>>
      %dma_wait3A_347 = tpu.memref_slice %arg10[%dma_wait3A_343] : memref<2x!tpu.dma_semaphore, #tpu.memory_space<semaphore_mem>> -> memref<1x!tpu.dma_semaphore, #tpu.memory_space<semaphore_mem>>
      %dma_wait3A_348 = tpu.memref_squeeze %dma_wait3A_347 : memref<1x!tpu.dma_semaphore, #tpu.memory_space<semaphore_mem>> -> memref<!tpu.dma_semaphore, #tpu.memory_space<semaphore_mem>>
      %dma_wait3A_349 = arith.constant 0 : i32
      %dma_wait3A_350 = arith.constant 0 : i32
      %dma_wait3A_351 = tpu.memref_slice %arg3[%dma_wait3A_349, %dma_wait3A_350] : memref<10240x128xf32, #tpu.memory_space<hbm>> -> memref<128x128xf32, #tpu.memory_space<hbm>>
      tpu.wait_dma2 semaphore(%dma_wait3A_348 : memref<!tpu.dma_semaphore, #tpu.memory_space<semaphore_mem>>) src(%dma_wait3A_351 : memref<128x128xf32, #tpu.memory_space<hbm>>) dst(%arg9 : memref<128x128xf32, #tpu.memory_space<vmem>>)
      %add3A_352 = arith.constant 1 : i32
      %add3A_353 = arith.addi %add3A_342, %add3A_352 : i32
      %dma_start3A_354 = arith.constant 0 : i32
      %dma_start3A_355 = arith.constant 0 : i32
      %dma_start3A_356 = tpu.memref_slice %arg6[%add3A_353, %dma_start3A_355] : memref<40x128xi32, #tpu.memory_space<vmem>> -> memref<1x128xi32, #tpu.memory_space<vmem>>
      %dma_start3A_357 = tpu.memref_squeeze %dma_start3A_356 : memref<1x128xi32, #tpu.memory_space<vmem>> -> memref<128xi32, #tpu.memory_space<vmem>>
      %dma_start3A_358 = arith.constant 0 : i32
      %dma_start3A_359 = arith.constant 0 : i32
      %dma_start3A_360 = tpu.memref_slice %arg3[%dma_start3A_358, %dma_start3A_359] : memref<10240x128xf32, #tpu.memory_space<hbm>> -> memref<10240x128xf32, #tpu.memory_space<hbm>>
      %dma_start3A_361 = tpu.memref_slice %arg10[%dma_start3A_354] : memref<2x!tpu.dma_semaphore, #tpu.memory_space<semaphore_mem>> -> memref<1x!tpu.dma_semaphore, #tpu.memory_space<semaphore_mem>>
      %dma_start3A_362 = tpu.memref_squeeze %dma_start3A_361 : memref<1x!tpu.dma_semaphore, #tpu.memory_space<semaphore_mem>> -> memref<!tpu.dma_semaphore, #tpu.memory_space<semaphore_mem>>
      tpu.enqueue_indirect_dma source(%dma_start3A_360 : memref<10240x128xf32, #tpu.memory_space<hbm>>) target(%arg8 : memref<128x128xf32, #tpu.memory_space<vmem>>) offsets(%dma_start3A_357 : memref<128xi32, #tpu.memory_space<vmem>>) semaphore(%dma_start3A_362 : memref<!tpu.dma_semaphore, #tpu.memory_space<semaphore_mem>>)
      "tpu.region"() ({
        %run_scoped3A_363 = tpu.sem_alloc : memref<!tpu.dma_semaphore, #tpu.memory_space<semaphore_mem>>
        %dma_start3A_364 = arith.constant 0 : i32
        %dma_start3A_365 = tpu.memref_slice %arg7[%add3A_342, %dma_start3A_364] : memref<40x128xi32, #tpu.memory_space<vmem>> -> memref<1x128xi32, #tpu.memory_space<vmem>>
        %dma_start3A_366 = tpu.memref_squeeze %dma_start3A_365 : memref<1x128xi32, #tpu.memory_space<vmem>> -> memref<128xi32, #tpu.memory_space<vmem>>
        %dma_start3A_367 = arith.constant 0 : i32
        %dma_start3A_368 = arith.constant 0 : i32
        %dma_start3A_369 = tpu.memref_slice %arg12[%dma_start3A_367, %dma_start3A_368] : memref<10240x128xf32, #tpu.memory_space<vmem_shared>> -> memref<10240x128xf32, #tpu.memory_space<vmem_shared>>
        tpu.enqueue_indirect_dma source(%arg9 : memref<128x128xf32, #tpu.memory_space<vmem>>) target(%dma_start3A_369 : memref<10240x128xf32, #tpu.memory_space<vmem_shared>>) offsets(%dma_start3A_366 : memref<128xi32, #tpu.memory_space<vmem>>) semaphore(%run_scoped3A_363 : memref<!tpu.dma_semaphore, #tpu.memory_space<semaphore_mem>>) {add = true}
        %dma_wait3A_370 = arith.constant 0 : i32
        %dma_wait3A_371 = tpu.memref_slice %arg7[%add3A_342, %dma_wait3A_370] : memref<40x128xi32, #tpu.memory_space<vmem>> -> memref<1x128xi32, #tpu.memory_space<vmem>>
        %dma_wait3A_372 = tpu.memref_squeeze %dma_wait3A_371 : memref<1x128xi32, #tpu.memory_space<vmem>> -> memref<128xi32, #tpu.memory_space<vmem>>
        %dma_wait3A_373 = arith.constant 0 : i32
        %dma_wait3A_374 = arith.constant 0 : i32
        %dma_wait3A_375 = tpu.memref_slice %arg12[%dma_wait3A_373, %dma_wait3A_374] : memref<10240x128xf32, #tpu.memory_space<vmem_shared>> -> memref<10240x128xf32, #tpu.memory_space<vmem_shared>>
        tpu.wait_indirect_dma semaphore(%run_scoped3A_363 : memref<!tpu.dma_semaphore, #tpu.memory_space<semaphore_mem>>) src(%arg9 : memref<128x128xf32, #tpu.memory_space<vmem>>) dst(%dma_wait3A_375 : memref<10240x128xf32, #tpu.memory_space<vmem_shared>>)
        tpu.yield
      }) : () -> ()
    }
    %scan3A_97 = arith.constant 19 : i32
    %dma_wait3A_98 = arith.constant 0 : i32
    %dma_wait3A_99 = arith.constant 0 : i32
    %dma_wait3A_100 = arith.constant 0 : i32
    %dma_wait3A_101 = tpu.memref_slice %arg3[%dma_wait3A_99, %dma_wait3A_100] : memref<10240x128xf32, #tpu.memory_space<hbm>> -> memref<128x128xf32, #tpu.memory_space<hbm>>
    %dma_wait3A_102 = tpu.memref_slice %arg10[%dma_wait3A_98] : memref<2x!tpu.dma_semaphore, #tpu.memory_space<semaphore_mem>> -> memref<1x!tpu.dma_semaphore, #tpu.memory_space<semaphore_mem>>
    %dma_wait3A_103 = tpu.memref_squeeze %dma_wait3A_102 : memref<1x!tpu.dma_semaphore, #tpu.memory_space<semaphore_mem>> -> memref<!tpu.dma_semaphore, #tpu.memory_space<semaphore_mem>>
    %dma_wait3A_104 = arith.constant 0 : i32
    %dma_wait3A_105 = arith.constant 0 : i32
    %dma_wait3A_106 = tpu.memref_slice %arg3[%dma_wait3A_104, %dma_wait3A_105] : memref<10240x128xf32, #tpu.memory_space<hbm>> -> memref<128x128xf32, #tpu.memory_space<hbm>>
    tpu.wait_dma2 semaphore(%dma_wait3A_103 : memref<!tpu.dma_semaphore, #tpu.memory_space<semaphore_mem>>) src(%dma_wait3A_106 : memref<128x128xf32, #tpu.memory_space<hbm>>) dst(%arg8 : memref<128x128xf32, #tpu.memory_space<vmem>>)
    %dma_start3A_107 = arith.constant 39 : i32
    %dma_start3A_108 = arith.constant 1 : i32
    %dma_start3A_109 = arith.constant 0 : i32
    %dma_start3A_110 = tpu.memref_slice %arg6[%dma_start3A_107, %dma_start3A_109] : memref<40x128xi32, #tpu.memory_space<vmem>> -> memref<1x128xi32, #tpu.memory_space<vmem>>
    %dma_start3A_111 = tpu.memref_squeeze %dma_start3A_110 : memref<1x128xi32, #tpu.memory_space<vmem>> -> memref<128xi32, #tpu.memory_space<vmem>>
    %dma_start3A_112 = arith.constant 0 : i32
    %dma_start3A_113 = arith.constant 0 : i32
    %dma_start3A_114 = tpu.memref_slice %arg3[%dma_start3A_112, %dma_start3A_113] : memref<10240x128xf32, #tpu.memory_space<hbm>> -> memref<10240x128xf32, #tpu.memory_space<hbm>>
    %dma_start3A_115 = tpu.memref_slice %arg10[%dma_start3A_108] : memref<2x!tpu.dma_semaphore, #tpu.memory_space<semaphore_mem>> -> memref<1x!tpu.dma_semaphore, #tpu.memory_space<semaphore_mem>>
    %dma_start3A_116 = tpu.memref_squeeze %dma_start3A_115 : memref<1x!tpu.dma_semaphore, #tpu.memory_space<semaphore_mem>> -> memref<!tpu.dma_semaphore, #tpu.memory_space<semaphore_mem>>
    tpu.enqueue_indirect_dma source(%dma_start3A_114 : memref<10240x128xf32, #tpu.memory_space<hbm>>) target(%arg9 : memref<128x128xf32, #tpu.memory_space<vmem>>) offsets(%dma_start3A_111 : memref<128xi32, #tpu.memory_space<vmem>>) semaphore(%dma_start3A_116 : memref<!tpu.dma_semaphore, #tpu.memory_space<semaphore_mem>>)
    %run_scoped3A = arith.constant 38 : i32
    "tpu.region"() ({
      %run_scoped3A_314 = tpu.sem_alloc : memref<!tpu.dma_semaphore, #tpu.memory_space<semaphore_mem>>
      %dma_start3A_315 = arith.constant 0 : i32
      %dma_start3A_316 = tpu.memref_slice %arg7[%run_scoped3A, %dma_start3A_315] : memref<40x128xi32, #tpu.memory_space<vmem>> -> memref<1x128xi32, #tpu.memory_space<vmem>>
      %dma_start3A_317 = tpu.memref_squeeze %dma_start3A_316 : memref<1x128xi32, #tpu.memory_space<vmem>> -> memref<128xi32, #tpu.memory_space<vmem>>
      %dma_start3A_318 = arith.constant 0 : i32
      %dma_start3A_319 = arith.constant 0 : i32
      %dma_start3A_320 = tpu.memref_slice %arg12[%dma_start3A_318, %dma_start3A_319] : memref<10240x128xf32, #tpu.memory_space<vmem_shared>> -> memref<10240x128xf32, #tpu.memory_space<vmem_shared>>
      tpu.enqueue_indirect_dma source(%arg8 : memref<128x128xf32, #tpu.memory_space<vmem>>) target(%dma_start3A_320 : memref<10240x128xf32, #tpu.memory_space<vmem_shared>>) offsets(%dma_start3A_317 : memref<128xi32, #tpu.memory_space<vmem>>) semaphore(%run_scoped3A_314 : memref<!tpu.dma_semaphore, #tpu.memory_space<semaphore_mem>>) {add = true}
      %dma_wait3A_321 = arith.constant 0 : i32
      %dma_wait3A_322 = tpu.memref_slice %arg7[%run_scoped3A, %dma_wait3A_321] : memref<40x128xi32, #tpu.memory_space<vmem>> -> memref<1x128xi32, #tpu.memory_space<vmem>>
      %dma_wait3A_323 = tpu.memref_squeeze %dma_wait3A_322 : memref<1x128xi32, #tpu.memory_space<vmem>> -> memref<128xi32, #tpu.memory_space<vmem>>
      %dma_wait3A_324 = arith.constant 0 : i32
      %dma_wait3A_325 = arith.constant 0 : i32
      %dma_wait3A_326 = tpu.memref_slice %arg12[%dma_wait3A_324, %dma_wait3A_325] : memref<10240x128xf32, #tpu.memory_space<vmem_shared>> -> memref<10240x128xf32, #tpu.memory_space<vmem_shared>>
      tpu.wait_indirect_dma semaphore(%run_scoped3A_314 : memref<!tpu.dma_semaphore, #tpu.memory_space<semaphore_mem>>) src(%arg8 : memref<128x128xf32, #tpu.memory_space<vmem>>) dst(%dma_wait3A_326 : memref<10240x128xf32, #tpu.memory_space<vmem_shared>>)
      tpu.yield
    }) : () -> ()
    %dma_wait3A_117 = arith.constant 1 : i32
    %dma_wait3A_118 = arith.constant 0 : i32
    %dma_wait3A_119 = arith.constant 0 : i32
    %dma_wait3A_120 = tpu.memref_slice %arg3[%dma_wait3A_118, %dma_wait3A_119] : memref<10240x128xf32, #tpu.memory_space<hbm>> -> memref<128x128xf32, #tpu.memory_space<hbm>>
    %dma_wait3A_121 = tpu.memref_slice %arg10[%dma_wait3A_117] : memref<2x!tpu.dma_semaphore, #tpu.memory_space<semaphore_mem>> -> memref<1x!tpu.dma_semaphore, #tpu.memory_space<semaphore_mem>>
    %dma_wait3A_122 = tpu.memref_squeeze %dma_wait3A_121 : memref<1x!tpu.dma_semaphore, #tpu.memory_space<semaphore_mem>> -> memref<!tpu.dma_semaphore, #tpu.memory_space<semaphore_mem>>
    %dma_wait3A_123 = arith.constant 0 : i32
    %dma_wait3A_124 = arith.constant 0 : i32
    %dma_wait3A_125 = tpu.memref_slice %arg3[%dma_wait3A_123, %dma_wait3A_124] : memref<10240x128xf32, #tpu.memory_space<hbm>> -> memref<128x128xf32, #tpu.memory_space<hbm>>
    tpu.wait_dma2 semaphore(%dma_wait3A_122 : memref<!tpu.dma_semaphore, #tpu.memory_space<semaphore_mem>>) src(%dma_wait3A_125 : memref<128x128xf32, #tpu.memory_space<hbm>>) dst(%arg9 : memref<128x128xf32, #tpu.memory_space<vmem>>)
    %run_scoped3A_126 = arith.constant 39 : i32
    "tpu.region"() ({
      %run_scoped3A_314 = tpu.sem_alloc : memref<!tpu.dma_semaphore, #tpu.memory_space<semaphore_mem>>
      %dma_start3A_315 = arith.constant 0 : i32
      %dma_start3A_316 = tpu.memref_slice %arg7[%run_scoped3A_126, %dma_start3A_315] : memref<40x128xi32, #tpu.memory_space<vmem>> -> memref<1x128xi32, #tpu.memory_space<vmem>>
      %dma_start3A_317 = tpu.memref_squeeze %dma_start3A_316 : memref<1x128xi32, #tpu.memory_space<vmem>> -> memref<128xi32, #tpu.memory_space<vmem>>
      %dma_start3A_318 = arith.constant 0 : i32
      %dma_start3A_319 = arith.constant 0 : i32
      %dma_start3A_320 = tpu.memref_slice %arg12[%dma_start3A_318, %dma_start3A_319] : memref<10240x128xf32, #tpu.memory_space<vmem_shared>> -> memref<10240x128xf32, #tpu.memory_space<vmem_shared>>
      tpu.enqueue_indirect_dma source(%arg9 : memref<128x128xf32, #tpu.memory_space<vmem>>) target(%dma_start3A_320 : memref<10240x128xf32, #tpu.memory_space<vmem_shared>>) offsets(%dma_start3A_317 : memref<128xi32, #tpu.memory_space<vmem>>) semaphore(%run_scoped3A_314 : memref<!tpu.dma_semaphore, #tpu.memory_space<semaphore_mem>>) {add = true}
      %dma_wait3A_321 = arith.constant 0 : i32
      %dma_wait3A_322 = tpu.memref_slice %arg7[%run_scoped3A_126, %dma_wait3A_321] : memref<40x128xi32, #tpu.memory_space<vmem>> -> memref<1x128xi32, #tpu.memory_space<vmem>>
      %dma_wait3A_323 = tpu.memref_squeeze %dma_wait3A_322 : memref<1x128xi32, #tpu.memory_space<vmem>> -> memref<128xi32, #tpu.memory_space<vmem>>
      %dma_wait3A_324 = arith.constant 0 : i32
      %dma_wait3A_325 = arith.constant 0 : i32
      %dma_wait3A_326 = tpu.memref_slice %arg12[%dma_wait3A_324, %dma_wait3A_325] : memref<10240x128xf32, #tpu.memory_space<vmem_shared>> -> memref<10240x128xf32, #tpu.memory_space<vmem_shared>>
      tpu.wait_indirect_dma semaphore(%run_scoped3A_314 : memref<!tpu.dma_semaphore, #tpu.memory_space<semaphore_mem>>) src(%arg9 : memref<128x128xf32, #tpu.memory_space<vmem>>) dst(%dma_wait3A_326 : memref<10240x128xf32, #tpu.memory_space<vmem_shared>>)
      tpu.yield
    }) : () -> ()
    %mul3A_127 = arith.constant 80 : i32
    %mul3A_128 = arith.muli %add3A, %mul3A_127 : i32
    %add3A_129 = arith.constant 40 : i32
    %add3A_130 = arith.addi %mul3A_128, %add3A_129 : i32
    "tpu.region"() ({
      %run_scoped3A_314 = tpu.sem_alloc : memref<!tpu.dma_semaphore, #tpu.memory_space<semaphore_mem>>
      %dma_start3A_315 = arith.constant 0 : i32
      %dma_start3A_316 = tpu.memref_slice %arg2[%add3A_130, %dma_start3A_315] : memref<2560x128xi32, #tpu.memory_space<hbm>> -> memref<40x128xi32, #tpu.memory_space<hbm>>
      %dma_start3A_317 = arith.constant 0 : i32
      %dma_start3A_318 = tpu.memref_slice %arg2[%add3A_130, %dma_start3A_317] : memref<2560x128xi32, #tpu.memory_space<hbm>> -> memref<40x128xi32, #tpu.memory_space<hbm>>
      tpu.enqueue_dma source(%dma_start3A_318 : memref<40x128xi32, #tpu.memory_space<hbm>>) target(%arg5 : memref<40x128xi32, #tpu.memory_space<vmem>>) target_semaphore(%run_scoped3A_314 : memref<!tpu.dma_semaphore, #tpu.memory_space<semaphore_mem>>)
      %dma_wait3A_319 = arith.constant 0 : i32
      %dma_wait3A_320 = tpu.memref_slice %arg2[%add3A_130, %dma_wait3A_319] : memref<2560x128xi32, #tpu.memory_space<hbm>> -> memref<40x128xi32, #tpu.memory_space<hbm>>
      %dma_wait3A_321 = arith.constant 0 : i32
      %dma_wait3A_322 = tpu.memref_slice %arg2[%add3A_130, %dma_wait3A_321] : memref<2560x128xi32, #tpu.memory_space<hbm>> -> memref<40x128xi32, #tpu.memory_space<hbm>>
      tpu.wait_dma2 semaphore(%run_scoped3A_314 : memref<!tpu.dma_semaphore, #tpu.memory_space<semaphore_mem>>) src(%dma_wait3A_322 : memref<40x128xi32, #tpu.memory_space<hbm>>) dst(%arg5 : memref<40x128xi32, #tpu.memory_space<vmem>>)
      tpu.yield
    }) : () -> ()
    %scan3A_131 = arith.constant 0 : i32
    %scan3A_132 = arith.constant 0 : i32
    %scan3A_133 = arith.constant 40 : i32
    %scan3A_134 = arith.addi %scan3A_132, %scan3A_133 : i32
    %scan3A_135 = arith.constant 1 : i32
    scf.for %scan3A_314 = %scan3A_132 to %scan3A_134 step %scan3A_135  : i32 {
      %iota3A = tpu.iota {dimensions = array<i32: 0>} : vector<16xi32>
      %add3A_315 = arith.constant 10000 : i32
      %add3A_316 = vector.broadcast %add3A_315 : i32 to vector<16xi32>
      %add3A_317 = arith.addi %add3A_316, %iota3A : vector<16xi32>
      %get3A = arith.index_cast %scan3A_314 : i32 to index
      %get3A_318 = arith.constant 0 : index
      %get3A_319 = tpu.vector_load %arg5[%get3A, %get3A_318] {strides = array<i32>} : memref<40x128xi32, #tpu.memory_space<vmem>>, vector<1x16xi32>,
      %get3A_320 = vector.shape_cast %get3A_319 : vector<1x16xi32> to vector<16xi32>
      %shift_right_logical3A = arith.constant 14 : i32
      %shift_right_logical3A_321 = vector.broadcast %shift_right_logical3A : i32 to vector<16xi32>
      %shift_right_logical3A_322 = arith.shrui %get3A_320, %shift_right_logical3A_321 : vector<16xi32>
      %and3A = arith.constant 16383 : i32
      %and3A_323 = vector.broadcast %and3A : i32 to vector<16xi32>
      %and3A_324 = arith.andi %get3A_320, %and3A_323 : vector<16xi32>
      %swap3A = arith.index_cast %scan3A_314 : i32 to index
      %swap3A_325 = arith.constant 0 : index
      %swap3A_326 = tpu.vector_load %arg6[%swap3A, %swap3A_325] {strides = array<i32>} : memref<40x128xi32, #tpu.memory_space<vmem>>, vector<1x16xi32>,
      %swap3A_327 = vector.shape_cast %swap3A_326 : vector<1x16xi32> to vector<16xi32>
      %swap3A_328 = vector.shape_cast %shift_right_logical3A_322 : vector<16xi32> to vector<1x16xi32>
      tpu.vector_store %arg6[%swap3A, %swap3A_325], %swap3A_328 {strides = array<i32>} : memref<40x128xi32, #tpu.memory_space<vmem>>, vector<1x16xi32>,
      %eq3A = arith.cmpi eq, %shift_right_logical3A_322, %and3A_324 : vector<16xi32>
      %select_n3A = arith.select %eq3A, %add3A_317, %and3A_324 : vector<16xi1>, vector<16xi32>
      %swap3A_329 = arith.index_cast %scan3A_314 : i32 to index
      %swap3A_330 = arith.constant 0 : index
      %swap3A_331 = tpu.vector_load %arg7[%swap3A_329, %swap3A_330] {strides = array<i32>} : memref<40x128xi32, #tpu.memory_space<vmem>>, vector<1x16xi32>,
      %swap3A_332 = vector.shape_cast %swap3A_331 : vector<1x16xi32> to vector<16xi32>
      %swap3A_333 = vector.shape_cast %select_n3A : vector<16xi32> to vector<1x16xi32>
      tpu.vector_store %arg7[%swap3A_329, %swap3A_330], %swap3A_333 {strides = array<i32>} : memref<40x128xi32, #tpu.memory_space<vmem>>, vector<1x16xi32>,
      %iota3A_334 = tpu.iota {dimensions = array<i32: 0>} : vector<16xi32>
      %add3A_335 = arith.constant 10016 : i32
      %add3A_336 = vector.broadcast %add3A_335 : i32 to vector<16xi32>
      %add3A_337 = arith.addi %add3A_336, %iota3A_334 : vector<16xi32>
      %get3A_338 = arith.index_cast %scan3A_314 : i32 to index
      %get3A_339 = arith.constant 16 : index
      %get3A_340 = tpu.vector_load %arg5[%get3A_338, %get3A_339] {strides = array<i32>} : memref<40x128xi32, #tpu.memory_space<vmem>>, vector<1x16xi32>,
      %get3A_341 = vector.shape_cast %get3A_340 : vector<1x16xi32> to vector<16xi32>
      %shift_right_logical3A_342 = arith.constant 14 : i32
      %shift_right_logical3A_343 = vector.broadcast %shift_right_logical3A_342 : i32 to vector<16xi32>
      %shift_right_logical3A_344 = arith.shrui %get3A_341, %shift_right_logical3A_343 : vector<16xi32>
      %and3A_345 = arith.constant 16383 : i32
      %and3A_346 = vector.broadcast %and3A_345 : i32 to vector<16xi32>
      %and3A_347 = arith.andi %get3A_341, %and3A_346 : vector<16xi32>
      %swap3A_348 = arith.index_cast %scan3A_314 : i32 to index
      %swap3A_349 = arith.constant 16 : index
      %swap3A_350 = tpu.vector_load %arg6[%swap3A_348, %swap3A_349] {strides = array<i32>} : memref<40x128xi32, #tpu.memory_space<vmem>>, vector<1x16xi32>,
      %swap3A_351 = vector.shape_cast %swap3A_350 : vector<1x16xi32> to vector<16xi32>
      %swap3A_352 = vector.shape_cast %shift_right_logical3A_344 : vector<16xi32> to vector<1x16xi32>
      tpu.vector_store %arg6[%swap3A_348, %swap3A_349], %swap3A_352 {strides = array<i32>} : memref<40x128xi32, #tpu.memory_space<vmem>>, vector<1x16xi32>,
      %eq3A_353 = arith.cmpi eq, %shift_right_logical3A_344, %and3A_347 : vector<16xi32>
      %select_n3A_354 = arith.select %eq3A_353, %add3A_337, %and3A_347 : vector<16xi1>, vector<16xi32>
      %swap3A_355 = arith.index_cast %scan3A_314 : i32 to index
      %swap3A_356 = arith.constant 16 : index
      %swap3A_357 = tpu.vector_load %arg7[%swap3A_355, %swap3A_356] {strides = array<i32>} : memref<40x128xi32, #tpu.memory_space<vmem>>, vector<1x16xi32>,
      %swap3A_358 = vector.shape_cast %swap3A_357 : vector<1x16xi32> to vector<16xi32>
      %swap3A_359 = vector.shape_cast %select_n3A_354 : vector<16xi32> to vector<1x16xi32>
      tpu.vector_store %arg7[%swap3A_355, %swap3A_356], %swap3A_359 {strides = array<i32>} : memref<40x128xi32, #tpu.memory_space<vmem>>, vector<1x16xi32>,
      %iota3A_360 = tpu.iota {dimensions = array<i32: 0>} : vector<16xi32>
      %add3A_361 = arith.constant 10032 : i32
      %add3A_362 = vector.broadcast %add3A_361 : i32 to vector<16xi32>
      %add3A_363 = arith.addi %add3A_362, %iota3A_360 : vector<16xi32>
      %get3A_364 = arith.index_cast %scan3A_314 : i32 to index
      %get3A_365 = arith.constant 32 : index
      %get3A_366 = tpu.vector_load %arg5[%get3A_364, %get3A_365] {strides = array<i32>} : memref<40x128xi32, #tpu.memory_space<vmem>>, vector<1x16xi32>,
      %get3A_367 = vector.shape_cast %get3A_366 : vector<1x16xi32> to vector<16xi32>
      %shift_right_logical3A_368 = arith.constant 14 : i32
      %shift_right_logical3A_369 = vector.broadcast %shift_right_logical3A_368 : i32 to vector<16xi32>
      %shift_right_logical3A_370 = arith.shrui %get3A_367, %shift_right_logical3A_369 : vector<16xi32>
      %and3A_371 = arith.constant 16383 : i32
      %and3A_372 = vector.broadcast %and3A_371 : i32 to vector<16xi32>
      %and3A_373 = arith.andi %get3A_367, %and3A_372 : vector<16xi32>
      %swap3A_374 = arith.index_cast %scan3A_314 : i32 to index
      %swap3A_375 = arith.constant 32 : index
      %swap3A_376 = tpu.vector_load %arg6[%swap3A_374, %swap3A_375] {strides = array<i32>} : memref<40x128xi32, #tpu.memory_space<vmem>>, vector<1x16xi32>,
      %swap3A_377 = vector.shape_cast %swap3A_376 : vector<1x16xi32> to vector<16xi32>
      %swap3A_378 = vector.shape_cast %shift_right_logical3A_370 : vector<16xi32> to vector<1x16xi32>
      tpu.vector_store %arg6[%swap3A_374, %swap3A_375], %swap3A_378 {strides = array<i32>} : memref<40x128xi32, #tpu.memory_space<vmem>>, vector<1x16xi32>,
      %eq3A_379 = arith.cmpi eq, %shift_right_logical3A_370, %and3A_373 : vector<16xi32>
      %select_n3A_380 = arith.select %eq3A_379, %add3A_363, %and3A_373 : vector<16xi1>, vector<16xi32>
      %swap3A_381 = arith.index_cast %scan3A_314 : i32 to index
      %swap3A_382 = arith.constant 32 : index
      %swap3A_383 = tpu.vector_load %arg7[%swap3A_381, %swap3A_382] {strides = array<i32>} : memref<40x128xi32, #tpu.memory_space<vmem>>, vector<1x16xi32>,
      %swap3A_384 = vector.shape_cast %swap3A_383 : vector<1x16xi32> to vector<16xi32>
      %swap3A_385 = vector.shape_cast %select_n3A_380 : vector<16xi32> to vector<1x16xi32>
      tpu.vector_store %arg7[%swap3A_381, %swap3A_382], %swap3A_385 {strides = array<i32>} : memref<40x128xi32, #tpu.memory_space<vmem>>, vector<1x16xi32>,
      %iota3A_386 = tpu.iota {dimensions = array<i32: 0>} : vector<16xi32>
      %add3A_387 = arith.constant 10048 : i32
      %add3A_388 = vector.broadcast %add3A_387 : i32 to vector<16xi32>
      %add3A_389 = arith.addi %add3A_388, %iota3A_386 : vector<16xi32>
      %get3A_390 = arith.index_cast %scan3A_314 : i32 to index
      %get3A_391 = arith.constant 48 : index
      %get3A_392 = tpu.vector_load %arg5[%get3A_390, %get3A_391] {strides = array<i32>} : memref<40x128xi32, #tpu.memory_space<vmem>>, vector<1x16xi32>,
      %get3A_393 = vector.shape_cast %get3A_392 : vector<1x16xi32> to vector<16xi32>
      %shift_right_logical3A_394 = arith.constant 14 : i32
      %shift_right_logical3A_395 = vector.broadcast %shift_right_logical3A_394 : i32 to vector<16xi32>
      %shift_right_logical3A_396 = arith.shrui %get3A_393, %shift_right_logical3A_395 : vector<16xi32>
      %and3A_397 = arith.constant 16383 : i32
      %and3A_398 = vector.broadcast %and3A_397 : i32 to vector<16xi32>
      %and3A_399 = arith.andi %get3A_393, %and3A_398 : vector<16xi32>
      %swap3A_400 = arith.index_cast %scan3A_314 : i32 to index
      %swap3A_401 = arith.constant 48 : index
      %swap3A_402 = tpu.vector_load %arg6[%swap3A_400, %swap3A_401] {strides = array<i32>} : memref<40x128xi32, #tpu.memory_space<vmem>>, vector<1x16xi32>,
      %swap3A_403 = vector.shape_cast %swap3A_402 : vector<1x16xi32> to vector<16xi32>
      %swap3A_404 = vector.shape_cast %shift_right_logical3A_396 : vector<16xi32> to vector<1x16xi32>
      tpu.vector_store %arg6[%swap3A_400, %swap3A_401], %swap3A_404 {strides = array<i32>} : memref<40x128xi32, #tpu.memory_space<vmem>>, vector<1x16xi32>,
      %eq3A_405 = arith.cmpi eq, %shift_right_logical3A_396, %and3A_399 : vector<16xi32>
      %select_n3A_406 = arith.select %eq3A_405, %add3A_389, %and3A_399 : vector<16xi1>, vector<16xi32>
      %swap3A_407 = arith.index_cast %scan3A_314 : i32 to index
      %swap3A_408 = arith.constant 48 : index
      %swap3A_409 = tpu.vector_load %arg7[%swap3A_407, %swap3A_408] {strides = array<i32>} : memref<40x128xi32, #tpu.memory_space<vmem>>, vector<1x16xi32>,
      %swap3A_410 = vector.shape_cast %swap3A_409 : vector<1x16xi32> to vector<16xi32>
      %swap3A_411 = vector.shape_cast %select_n3A_406 : vector<16xi32> to vector<1x16xi32>
      tpu.vector_store %arg7[%swap3A_407, %swap3A_408], %swap3A_411 {strides = array<i32>} : memref<40x128xi32, #tpu.memory_space<vmem>>, vector<1x16xi32>,
      %iota3A_412 = tpu.iota {dimensions = array<i32: 0>} : vector<16xi32>
      %add3A_413 = arith.constant 10064 : i32
      %add3A_414 = vector.broadcast %add3A_413 : i32 to vector<16xi32>
      %add3A_415 = arith.addi %add3A_414, %iota3A_412 : vector<16xi32>
      %get3A_416 = arith.index_cast %scan3A_314 : i32 to index
      %get3A_417 = arith.constant 64 : index
      %get3A_418 = tpu.vector_load %arg5[%get3A_416, %get3A_417] {strides = array<i32>} : memref<40x128xi32, #tpu.memory_space<vmem>>, vector<1x16xi32>,
      %get3A_419 = vector.shape_cast %get3A_418 : vector<1x16xi32> to vector<16xi32>
      %shift_right_logical3A_420 = arith.constant 14 : i32
      %shift_right_logical3A_421 = vector.broadcast %shift_right_logical3A_420 : i32 to vector<16xi32>
      %shift_right_logical3A_422 = arith.shrui %get3A_419, %shift_right_logical3A_421 : vector<16xi32>
      %and3A_423 = arith.constant 16383 : i32
      %and3A_424 = vector.broadcast %and3A_423 : i32 to vector<16xi32>
      %and3A_425 = arith.andi %get3A_419, %and3A_424 : vector<16xi32>
      %swap3A_426 = arith.index_cast %scan3A_314 : i32 to index
      %swap3A_427 = arith.constant 64 : index
      %swap3A_428 = tpu.vector_load %arg6[%swap3A_426, %swap3A_427] {strides = array<i32>} : memref<40x128xi32, #tpu.memory_space<vmem>>, vector<1x16xi32>,
      %swap3A_429 = vector.shape_cast %swap3A_428 : vector<1x16xi32> to vector<16xi32>
      %swap3A_430 = vector.shape_cast %shift_right_logical3A_422 : vector<16xi32> to vector<1x16xi32>
      tpu.vector_store %arg6[%swap3A_426, %swap3A_427], %swap3A_430 {strides = array<i32>} : memref<40x128xi32, #tpu.memory_space<vmem>>, vector<1x16xi32>,
      %eq3A_431 = arith.cmpi eq, %shift_right_logical3A_422, %and3A_425 : vector<16xi32>
      %select_n3A_432 = arith.select %eq3A_431, %add3A_415, %and3A_425 : vector<16xi1>, vector<16xi32>
      %swap3A_433 = arith.index_cast %scan3A_314 : i32 to index
      %swap3A_434 = arith.constant 64 : index
      %swap3A_435 = tpu.vector_load %arg7[%swap3A_433, %swap3A_434] {strides = array<i32>} : memref<40x128xi32, #tpu.memory_space<vmem>>, vector<1x16xi32>,
      %swap3A_436 = vector.shape_cast %swap3A_435 : vector<1x16xi32> to vector<16xi32>
      %swap3A_437 = vector.shape_cast %select_n3A_432 : vector<16xi32> to vector<1x16xi32>
      tpu.vector_store %arg7[%swap3A_433, %swap3A_434], %swap3A_437 {strides = array<i32>} : memref<40x128xi32, #tpu.memory_space<vmem>>, vector<1x16xi32>,
      %iota3A_438 = tpu.iota {dimensions = array<i32: 0>} : vector<16xi32>
      %add3A_439 = arith.constant 10080 : i32
      %add3A_440 = vector.broadcast %add3A_439 : i32 to vector<16xi32>
      %add3A_441 = arith.addi %add3A_440, %iota3A_438 : vector<16xi32>
      %get3A_442 = arith.index_cast %scan3A_314 : i32 to index
      %get3A_443 = arith.constant 80 : index
      %get3A_444 = tpu.vector_load %arg5[%get3A_442, %get3A_443] {strides = array<i32>} : memref<40x128xi32, #tpu.memory_space<vmem>>, vector<1x16xi32>,
      %get3A_445 = vector.shape_cast %get3A_444 : vector<1x16xi32> to vector<16xi32>
      %shift_right_logical3A_446 = arith.constant 14 : i32
      %shift_right_logical3A_447 = vector.broadcast %shift_right_logical3A_446 : i32 to vector<16xi32>
      %shift_right_logical3A_448 = arith.shrui %get3A_445, %shift_right_logical3A_447 : vector<16xi32>
      %and3A_449 = arith.constant 16383 : i32
      %and3A_450 = vector.broadcast %and3A_449 : i32 to vector<16xi32>
      %and3A_451 = arith.andi %get3A_445, %and3A_450 : vector<16xi32>
      %swap3A_452 = arith.index_cast %scan3A_314 : i32 to index
      %swap3A_453 = arith.constant 80 : index
      %swap3A_454 = tpu.vector_load %arg6[%swap3A_452, %swap3A_453] {strides = array<i32>} : memref<40x128xi32, #tpu.memory_space<vmem>>, vector<1x16xi32>,
      %swap3A_455 = vector.shape_cast %swap3A_454 : vector<1x16xi32> to vector<16xi32>
      %swap3A_456 = vector.shape_cast %shift_right_logical3A_448 : vector<16xi32> to vector<1x16xi32>
      tpu.vector_store %arg6[%swap3A_452, %swap3A_453], %swap3A_456 {strides = array<i32>} : memref<40x128xi32, #tpu.memory_space<vmem>>, vector<1x16xi32>,
      %eq3A_457 = arith.cmpi eq, %shift_right_logical3A_448, %and3A_451 : vector<16xi32>
      %select_n3A_458 = arith.select %eq3A_457, %add3A_441, %and3A_451 : vector<16xi1>, vector<16xi32>
      %swap3A_459 = arith.index_cast %scan3A_314 : i32 to index
      %swap3A_460 = arith.constant 80 : index
      %swap3A_461 = tpu.vector_load %arg7[%swap3A_459, %swap3A_460] {strides = array<i32>} : memref<40x128xi32, #tpu.memory_space<vmem>>, vector<1x16xi32>,
      %swap3A_462 = vector.shape_cast %swap3A_461 : vector<1x16xi32> to vector<16xi32>
      %swap3A_463 = vector.shape_cast %select_n3A_458 : vector<16xi32> to vector<1x16xi32>
      tpu.vector_store %arg7[%swap3A_459, %swap3A_460], %swap3A_463 {strides = array<i32>} : memref<40x128xi32, #tpu.memory_space<vmem>>, vector<1x16xi32>,
      %iota3A_464 = tpu.iota {dimensions = array<i32: 0>} : vector<16xi32>
      %add3A_465 = arith.constant 10096 : i32
      %add3A_466 = vector.broadcast %add3A_465 : i32 to vector<16xi32>
      %add3A_467 = arith.addi %add3A_466, %iota3A_464 : vector<16xi32>
      %get3A_468 = arith.index_cast %scan3A_314 : i32 to index
      %get3A_469 = arith.constant 96 : index
      %get3A_470 = tpu.vector_load %arg5[%get3A_468, %get3A_469] {strides = array<i32>} : memref<40x128xi32, #tpu.memory_space<vmem>>, vector<1x16xi32>,
      %get3A_471 = vector.shape_cast %get3A_470 : vector<1x16xi32> to vector<16xi32>
      %shift_right_logical3A_472 = arith.constant 14 : i32
      %shift_right_logical3A_473 = vector.broadcast %shift_right_logical3A_472 : i32 to vector<16xi32>
      %shift_right_logical3A_474 = arith.shrui %get3A_471, %shift_right_logical3A_473 : vector<16xi32>
      %and3A_475 = arith.constant 16383 : i32
      %and3A_476 = vector.broadcast %and3A_475 : i32 to vector<16xi32>
      %and3A_477 = arith.andi %get3A_471, %and3A_476 : vector<16xi32>
      %swap3A_478 = arith.index_cast %scan3A_314 : i32 to index
      %swap3A_479 = arith.constant 96 : index
      %swap3A_480 = tpu.vector_load %arg6[%swap3A_478, %swap3A_479] {strides = array<i32>} : memref<40x128xi32, #tpu.memory_space<vmem>>, vector<1x16xi32>,
      %swap3A_481 = vector.shape_cast %swap3A_480 : vector<1x16xi32> to vector<16xi32>
      %swap3A_482 = vector.shape_cast %shift_right_logical3A_474 : vector<16xi32> to vector<1x16xi32>
      tpu.vector_store %arg6[%swap3A_478, %swap3A_479], %swap3A_482 {strides = array<i32>} : memref<40x128xi32, #tpu.memory_space<vmem>>, vector<1x16xi32>,
      %eq3A_483 = arith.cmpi eq, %shift_right_logical3A_474, %and3A_477 : vector<16xi32>
      %select_n3A_484 = arith.select %eq3A_483, %add3A_467, %and3A_477 : vector<16xi1>, vector<16xi32>
      %swap3A_485 = arith.index_cast %scan3A_314 : i32 to index
      %swap3A_486 = arith.constant 96 : index
      %swap3A_487 = tpu.vector_load %arg7[%swap3A_485, %swap3A_486] {strides = array<i32>} : memref<40x128xi32, #tpu.memory_space<vmem>>, vector<1x16xi32>,
      %swap3A_488 = vector.shape_cast %swap3A_487 : vector<1x16xi32> to vector<16xi32>
      %swap3A_489 = vector.shape_cast %select_n3A_484 : vector<16xi32> to vector<1x16xi32>
      tpu.vector_store %arg7[%swap3A_485, %swap3A_486], %swap3A_489 {strides = array<i32>} : memref<40x128xi32, #tpu.memory_space<vmem>>, vector<1x16xi32>,
      %iota3A_490 = tpu.iota {dimensions = array<i32: 0>} : vector<16xi32>
      %add3A_491 = arith.constant 10112 : i32
      %add3A_492 = vector.broadcast %add3A_491 : i32 to vector<16xi32>
      %add3A_493 = arith.addi %add3A_492, %iota3A_490 : vector<16xi32>
      %get3A_494 = arith.index_cast %scan3A_314 : i32 to index
      %get3A_495 = arith.constant 112 : index
      %get3A_496 = tpu.vector_load %arg5[%get3A_494, %get3A_495] {strides = array<i32>} : memref<40x128xi32, #tpu.memory_space<vmem>>, vector<1x16xi32>,
      %get3A_497 = vector.shape_cast %get3A_496 : vector<1x16xi32> to vector<16xi32>
      %shift_right_logical3A_498 = arith.constant 14 : i32
      %shift_right_logical3A_499 = vector.broadcast %shift_right_logical3A_498 : i32 to vector<16xi32>
      %shift_right_logical3A_500 = arith.shrui %get3A_497, %shift_right_logical3A_499 : vector<16xi32>
      %and3A_501 = arith.constant 16383 : i32
      %and3A_502 = vector.broadcast %and3A_501 : i32 to vector<16xi32>
      %and3A_503 = arith.andi %get3A_497, %and3A_502 : vector<16xi32>
      %swap3A_504 = arith.index_cast %scan3A_314 : i32 to index
      %swap3A_505 = arith.constant 112 : index
      %swap3A_506 = tpu.vector_load %arg6[%swap3A_504, %swap3A_505] {strides = array<i32>} : memref<40x128xi32, #tpu.memory_space<vmem>>, vector<1x16xi32>,
      %swap3A_507 = vector.shape_cast %swap3A_506 : vector<1x16xi32> to vector<16xi32>
      %swap3A_508 = vector.shape_cast %shift_right_logical3A_500 : vector<16xi32> to vector<1x16xi32>
      tpu.vector_store %arg6[%swap3A_504, %swap3A_505], %swap3A_508 {strides = array<i32>} : memref<40x128xi32, #tpu.memory_space<vmem>>, vector<1x16xi32>,
      %eq3A_509 = arith.cmpi eq, %shift_right_logical3A_500, %and3A_503 : vector<16xi32>
      %select_n3A_510 = arith.select %eq3A_509, %add3A_493, %and3A_503 : vector<16xi1>, vector<16xi32>
      %swap3A_511 = arith.index_cast %scan3A_314 : i32 to index
      %swap3A_512 = arith.constant 112 : index
      %swap3A_513 = tpu.vector_load %arg7[%swap3A_511, %swap3A_512] {strides = array<i32>} : memref<40x128xi32, #tpu.memory_space<vmem>>, vector<1x16xi32>,
      %swap3A_514 = vector.shape_cast %swap3A_513 : vector<1x16xi32> to vector<16xi32>
      %swap3A_515 = vector.shape_cast %select_n3A_510 : vector<16xi32> to vector<1x16xi32>
      tpu.vector_store %arg7[%swap3A_511, %swap3A_512], %swap3A_515 {strides = array<i32>} : memref<40x128xi32, #tpu.memory_space<vmem>>, vector<1x16xi32>,
    }
    %scan3A_136 = arith.constant 40 : i32
    %dma_start3A_137 = arith.constant 0 : i32
    %dma_start3A_138 = arith.constant 0 : i32
    %dma_start3A_139 = arith.constant 0 : i32
    %dma_start3A_140 = tpu.memref_slice %arg6[%dma_start3A_137, %dma_start3A_139] : memref<40x128xi32, #tpu.memory_space<vmem>> -> memref<1x128xi32, #tpu.memory_space<vmem>>
    %dma_start3A_141 = tpu.memref_squeeze %dma_start3A_140 : memref<1x128xi32, #tpu.memory_space<vmem>> -> memref<128xi32, #tpu.memory_space<vmem>>
    %dma_start3A_142 = arith.constant 0 : i32
    %dma_start3A_143 = arith.constant 0 : i32
    %dma_start3A_144 = tpu.memref_slice %arg3[%dma_start3A_142, %dma_start3A_143] : memref<10240x128xf32, #tpu.memory_space<hbm>> -> memref<10240x128xf32, #tpu.memory_space<hbm>>
    %dma_start3A_145 = tpu.memref_slice %arg10[%dma_start3A_138] : memref<2x!tpu.dma_semaphore, #tpu.memory_space<semaphore_mem>> -> memref<1x!tpu.dma_semaphore, #tpu.memory_space<semaphore_mem>>
    %dma_start3A_146 = tpu.memref_squeeze %dma_start3A_145 : memref<1x!tpu.dma_semaphore, #tpu.memory_space<semaphore_mem>> -> memref<!tpu.dma_semaphore, #tpu.memory_space<semaphore_mem>>
    tpu.enqueue_indirect_dma source(%dma_start3A_144 : memref<10240x128xf32, #tpu.memory_space<hbm>>) target(%arg8 : memref<128x128xf32, #tpu.memory_space<vmem>>) offsets(%dma_start3A_141 : memref<128xi32, #tpu.memory_space<vmem>>) semaphore(%dma_start3A_146 : memref<!tpu.dma_semaphore, #tpu.memory_space<semaphore_mem>>)
    %scan3A_147 = arith.constant 0 : i32
    %scan3A_148 = arith.constant 0 : i32
    %scan3A_149 = arith.constant 19 : i32
    %scan3A_150 = arith.addi %scan3A_148, %scan3A_149 : i32
    %scan3A_151 = arith.constant 1 : i32
    scf.for %scan3A_314 = %scan3A_148 to %scan3A_150 step %scan3A_151  : i32 {
      %mul3A_315 = arith.constant 2 : i32
      %mul3A_316 = arith.muli %scan3A_314, %mul3A_315 : i32
      %add3A_317 = arith.constant 0 : i32
      %add3A_318 = arith.addi %mul3A_316, %add3A_317 : i32
      %dma_wait3A_319 = arith.constant 0 : i32
      %dma_wait3A_320 = arith.constant 0 : i32
      %dma_wait3A_321 = arith.constant 0 : i32
      %dma_wait3A_322 = tpu.memref_slice %arg3[%dma_wait3A_320, %dma_wait3A_321] : memref<10240x128xf32, #tpu.memory_space<hbm>> -> memref<128x128xf32, #tpu.memory_space<hbm>>
      %dma_wait3A_323 = tpu.memref_slice %arg10[%dma_wait3A_319] : memref<2x!tpu.dma_semaphore, #tpu.memory_space<semaphore_mem>> -> memref<1x!tpu.dma_semaphore, #tpu.memory_space<semaphore_mem>>
      %dma_wait3A_324 = tpu.memref_squeeze %dma_wait3A_323 : memref<1x!tpu.dma_semaphore, #tpu.memory_space<semaphore_mem>> -> memref<!tpu.dma_semaphore, #tpu.memory_space<semaphore_mem>>
      %dma_wait3A_325 = arith.constant 0 : i32
      %dma_wait3A_326 = arith.constant 0 : i32
      %dma_wait3A_327 = tpu.memref_slice %arg3[%dma_wait3A_325, %dma_wait3A_326] : memref<10240x128xf32, #tpu.memory_space<hbm>> -> memref<128x128xf32, #tpu.memory_space<hbm>>
      tpu.wait_dma2 semaphore(%dma_wait3A_324 : memref<!tpu.dma_semaphore, #tpu.memory_space<semaphore_mem>>) src(%dma_wait3A_327 : memref<128x128xf32, #tpu.memory_space<hbm>>) dst(%arg8 : memref<128x128xf32, #tpu.memory_space<vmem>>)
      %add3A_328 = arith.constant 1 : i32
      %add3A_329 = arith.addi %add3A_318, %add3A_328 : i32
      %dma_start3A_330 = arith.constant 1 : i32
      %dma_start3A_331 = arith.constant 0 : i32
      %dma_start3A_332 = tpu.memref_slice %arg6[%add3A_329, %dma_start3A_331] : memref<40x128xi32, #tpu.memory_space<vmem>> -> memref<1x128xi32, #tpu.memory_space<vmem>>
      %dma_start3A_333 = tpu.memref_squeeze %dma_start3A_332 : memref<1x128xi32, #tpu.memory_space<vmem>> -> memref<128xi32, #tpu.memory_space<vmem>>
      %dma_start3A_334 = arith.constant 0 : i32
      %dma_start3A_335 = arith.constant 0 : i32
      %dma_start3A_336 = tpu.memref_slice %arg3[%dma_start3A_334, %dma_start3A_335] : memref<10240x128xf32, #tpu.memory_space<hbm>> -> memref<10240x128xf32, #tpu.memory_space<hbm>>
      %dma_start3A_337 = tpu.memref_slice %arg10[%dma_start3A_330] : memref<2x!tpu.dma_semaphore, #tpu.memory_space<semaphore_mem>> -> memref<1x!tpu.dma_semaphore, #tpu.memory_space<semaphore_mem>>
      %dma_start3A_338 = tpu.memref_squeeze %dma_start3A_337 : memref<1x!tpu.dma_semaphore, #tpu.memory_space<semaphore_mem>> -> memref<!tpu.dma_semaphore, #tpu.memory_space<semaphore_mem>>
      tpu.enqueue_indirect_dma source(%dma_start3A_336 : memref<10240x128xf32, #tpu.memory_space<hbm>>) target(%arg9 : memref<128x128xf32, #tpu.memory_space<vmem>>) offsets(%dma_start3A_333 : memref<128xi32, #tpu.memory_space<vmem>>) semaphore(%dma_start3A_338 : memref<!tpu.dma_semaphore, #tpu.memory_space<semaphore_mem>>)
      "tpu.region"() ({
        %run_scoped3A_363 = tpu.sem_alloc : memref<!tpu.dma_semaphore, #tpu.memory_space<semaphore_mem>>
        %dma_start3A_364 = arith.constant 0 : i32
        %dma_start3A_365 = tpu.memref_slice %arg7[%add3A_318, %dma_start3A_364] : memref<40x128xi32, #tpu.memory_space<vmem>> -> memref<1x128xi32, #tpu.memory_space<vmem>>
        %dma_start3A_366 = tpu.memref_squeeze %dma_start3A_365 : memref<1x128xi32, #tpu.memory_space<vmem>> -> memref<128xi32, #tpu.memory_space<vmem>>
        %dma_start3A_367 = arith.constant 0 : i32
        %dma_start3A_368 = arith.constant 0 : i32
        %dma_start3A_369 = tpu.memref_slice %arg12[%dma_start3A_367, %dma_start3A_368] : memref<10240x128xf32, #tpu.memory_space<vmem_shared>> -> memref<10240x128xf32, #tpu.memory_space<vmem_shared>>
        tpu.enqueue_indirect_dma source(%arg8 : memref<128x128xf32, #tpu.memory_space<vmem>>) target(%dma_start3A_369 : memref<10240x128xf32, #tpu.memory_space<vmem_shared>>) offsets(%dma_start3A_366 : memref<128xi32, #tpu.memory_space<vmem>>) semaphore(%run_scoped3A_363 : memref<!tpu.dma_semaphore, #tpu.memory_space<semaphore_mem>>) {add = true}
        %dma_wait3A_370 = arith.constant 0 : i32
        %dma_wait3A_371 = tpu.memref_slice %arg7[%add3A_318, %dma_wait3A_370] : memref<40x128xi32, #tpu.memory_space<vmem>> -> memref<1x128xi32, #tpu.memory_space<vmem>>
        %dma_wait3A_372 = tpu.memref_squeeze %dma_wait3A_371 : memref<1x128xi32, #tpu.memory_space<vmem>> -> memref<128xi32, #tpu.memory_space<vmem>>
        %dma_wait3A_373 = arith.constant 0 : i32
        %dma_wait3A_374 = arith.constant 0 : i32
        %dma_wait3A_375 = tpu.memref_slice %arg12[%dma_wait3A_373, %dma_wait3A_374] : memref<10240x128xf32, #tpu.memory_space<vmem_shared>> -> memref<10240x128xf32, #tpu.memory_space<vmem_shared>>
        tpu.wait_indirect_dma semaphore(%run_scoped3A_363 : memref<!tpu.dma_semaphore, #tpu.memory_space<semaphore_mem>>) src(%arg8 : memref<128x128xf32, #tpu.memory_space<vmem>>) dst(%dma_wait3A_375 : memref<10240x128xf32, #tpu.memory_space<vmem_shared>>)
        tpu.yield
      }) : () -> ()
      %mul3A_339 = arith.constant 2 : i32
      %mul3A_340 = arith.muli %scan3A_314, %mul3A_339 : i32
      %add3A_341 = arith.constant 1 : i32
      %add3A_342 = arith.addi %mul3A_340, %add3A_341 : i32
      %dma_wait3A_343 = arith.constant 1 : i32
      %dma_wait3A_344 = arith.constant 0 : i32
      %dma_wait3A_345 = arith.constant 0 : i32
      %dma_wait3A_346 = tpu.memref_slice %arg3[%dma_wait3A_344, %dma_wait3A_345] : memref<10240x128xf32, #tpu.memory_space<hbm>> -> memref<128x128xf32, #tpu.memory_space<hbm>>
      %dma_wait3A_347 = tpu.memref_slice %arg10[%dma_wait3A_343] : memref<2x!tpu.dma_semaphore, #tpu.memory_space<semaphore_mem>> -> memref<1x!tpu.dma_semaphore, #tpu.memory_space<semaphore_mem>>
      %dma_wait3A_348 = tpu.memref_squeeze %dma_wait3A_347 : memref<1x!tpu.dma_semaphore, #tpu.memory_space<semaphore_mem>> -> memref<!tpu.dma_semaphore, #tpu.memory_space<semaphore_mem>>
      %dma_wait3A_349 = arith.constant 0 : i32
      %dma_wait3A_350 = arith.constant 0 : i32
      %dma_wait3A_351 = tpu.memref_slice %arg3[%dma_wait3A_349, %dma_wait3A_350] : memref<10240x128xf32, #tpu.memory_space<hbm>> -> memref<128x128xf32, #tpu.memory_space<hbm>>
      tpu.wait_dma2 semaphore(%dma_wait3A_348 : memref<!tpu.dma_semaphore, #tpu.memory_space<semaphore_mem>>) src(%dma_wait3A_351 : memref<128x128xf32, #tpu.memory_space<hbm>>) dst(%arg9 : memref<128x128xf32, #tpu.memory_space<vmem>>)
      %add3A_352 = arith.constant 1 : i32
      %add3A_353 = arith.addi %add3A_342, %add3A_352 : i32
      %dma_start3A_354 = arith.constant 0 : i32
      %dma_start3A_355 = arith.constant 0 : i32
      %dma_start3A_356 = tpu.memref_slice %arg6[%add3A_353, %dma_start3A_355] : memref<40x128xi32, #tpu.memory_space<vmem>> -> memref<1x128xi32, #tpu.memory_space<vmem>>
      %dma_start3A_357 = tpu.memref_squeeze %dma_start3A_356 : memref<1x128xi32, #tpu.memory_space<vmem>> -> memref<128xi32, #tpu.memory_space<vmem>>
      %dma_start3A_358 = arith.constant 0 : i32
      %dma_start3A_359 = arith.constant 0 : i32
      %dma_start3A_360 = tpu.memref_slice %arg3[%dma_start3A_358, %dma_start3A_359] : memref<10240x128xf32, #tpu.memory_space<hbm>> -> memref<10240x128xf32, #tpu.memory_space<hbm>>
      %dma_start3A_361 = tpu.memref_slice %arg10[%dma_start3A_354] : memref<2x!tpu.dma_semaphore, #tpu.memory_space<semaphore_mem>> -> memref<1x!tpu.dma_semaphore, #tpu.memory_space<semaphore_mem>>
      %dma_start3A_362 = tpu.memref_squeeze %dma_start3A_361 : memref<1x!tpu.dma_semaphore, #tpu.memory_space<semaphore_mem>> -> memref<!tpu.dma_semaphore, #tpu.memory_space<semaphore_mem>>
      tpu.enqueue_indirect_dma source(%dma_start3A_360 : memref<10240x128xf32, #tpu.memory_space<hbm>>) target(%arg8 : memref<128x128xf32, #tpu.memory_space<vmem>>) offsets(%dma_start3A_357 : memref<128xi32, #tpu.memory_space<vmem>>) semaphore(%dma_start3A_362 : memref<!tpu.dma_semaphore, #tpu.memory_space<semaphore_mem>>)
      "tpu.region"() ({
        %run_scoped3A_363 = tpu.sem_alloc : memref<!tpu.dma_semaphore, #tpu.memory_space<semaphore_mem>>
        %dma_start3A_364 = arith.constant 0 : i32
        %dma_start3A_365 = tpu.memref_slice %arg7[%add3A_342, %dma_start3A_364] : memref<40x128xi32, #tpu.memory_space<vmem>> -> memref<1x128xi32, #tpu.memory_space<vmem>>
        %dma_start3A_366 = tpu.memref_squeeze %dma_start3A_365 : memref<1x128xi32, #tpu.memory_space<vmem>> -> memref<128xi32, #tpu.memory_space<vmem>>
        %dma_start3A_367 = arith.constant 0 : i32
        %dma_start3A_368 = arith.constant 0 : i32
        %dma_start3A_369 = tpu.memref_slice %arg12[%dma_start3A_367, %dma_start3A_368] : memref<10240x128xf32, #tpu.memory_space<vmem_shared>> -> memref<10240x128xf32, #tpu.memory_space<vmem_shared>>
        tpu.enqueue_indirect_dma source(%arg9 : memref<128x128xf32, #tpu.memory_space<vmem>>) target(%dma_start3A_369 : memref<10240x128xf32, #tpu.memory_space<vmem_shared>>) offsets(%dma_start3A_366 : memref<128xi32, #tpu.memory_space<vmem>>) semaphore(%run_scoped3A_363 : memref<!tpu.dma_semaphore, #tpu.memory_space<semaphore_mem>>) {add = true}
        %dma_wait3A_370 = arith.constant 0 : i32
        %dma_wait3A_371 = tpu.memref_slice %arg7[%add3A_342, %dma_wait3A_370] : memref<40x128xi32, #tpu.memory_space<vmem>> -> memref<1x128xi32, #tpu.memory_space<vmem>>
        %dma_wait3A_372 = tpu.memref_squeeze %dma_wait3A_371 : memref<1x128xi32, #tpu.memory_space<vmem>> -> memref<128xi32, #tpu.memory_space<vmem>>
        %dma_wait3A_373 = arith.constant 0 : i32
        %dma_wait3A_374 = arith.constant 0 : i32
        %dma_wait3A_375 = tpu.memref_slice %arg12[%dma_wait3A_373, %dma_wait3A_374] : memref<10240x128xf32, #tpu.memory_space<vmem_shared>> -> memref<10240x128xf32, #tpu.memory_space<vmem_shared>>
        tpu.wait_indirect_dma semaphore(%run_scoped3A_363 : memref<!tpu.dma_semaphore, #tpu.memory_space<semaphore_mem>>) src(%arg9 : memref<128x128xf32, #tpu.memory_space<vmem>>) dst(%dma_wait3A_375 : memref<10240x128xf32, #tpu.memory_space<vmem_shared>>)
        tpu.yield
      }) : () -> ()
    }
    %scan3A_152 = arith.constant 19 : i32
    %dma_wait3A_153 = arith.constant 0 : i32
    %dma_wait3A_154 = arith.constant 0 : i32
    %dma_wait3A_155 = arith.constant 0 : i32
    %dma_wait3A_156 = tpu.memref_slice %arg3[%dma_wait3A_154, %dma_wait3A_155] : memref<10240x128xf32, #tpu.memory_space<hbm>> -> memref<128x128xf32, #tpu.memory_space<hbm>>
    %dma_wait3A_157 = tpu.memref_slice %arg10[%dma_wait3A_153] : memref<2x!tpu.dma_semaphore, #tpu.memory_space<semaphore_mem>> -> memref<1x!tpu.dma_semaphore, #tpu.memory_space<semaphore_mem>>
    %dma_wait3A_158 = tpu.memref_squeeze %dma_wait3A_157 : memref<1x!tpu.dma_semaphore, #tpu.memory_space<semaphore_mem>> -> memref<!tpu.dma_semaphore, #tpu.memory_space<semaphore_mem>>
    %dma_wait3A_159 = arith.constant 0 : i32
    %dma_wait3A_160 = arith.constant 0 : i32
    %dma_wait3A_161 = tpu.memref_slice %arg3[%dma_wait3A_159, %dma_wait3A_160] : memref<10240x128xf32, #tpu.memory_space<hbm>> -> memref<128x128xf32, #tpu.memory_space<hbm>>
    tpu.wait_dma2 semaphore(%dma_wait3A_158 : memref<!tpu.dma_semaphore, #tpu.memory_space<semaphore_mem>>) src(%dma_wait3A_161 : memref<128x128xf32, #tpu.memory_space<hbm>>) dst(%arg8 : memref<128x128xf32, #tpu.memory_space<vmem>>)
    %dma_start3A_162 = arith.constant 39 : i32
    %dma_start3A_163 = arith.constant 1 : i32
    %dma_start3A_164 = arith.constant 0 : i32
    %dma_start3A_165 = tpu.memref_slice %arg6[%dma_start3A_162, %dma_start3A_164] : memref<40x128xi32, #tpu.memory_space<vmem>> -> memref<1x128xi32, #tpu.memory_space<vmem>>
    %dma_start3A_166 = tpu.memref_squeeze %dma_start3A_165 : memref<1x128xi32, #tpu.memory_space<vmem>> -> memref<128xi32, #tpu.memory_space<vmem>>
    %dma_start3A_167 = arith.constant 0 : i32
    %dma_start3A_168 = arith.constant 0 : i32
    %dma_start3A_169 = tpu.memref_slice %arg3[%dma_start3A_167, %dma_start3A_168] : memref<10240x128xf32, #tpu.memory_space<hbm>> -> memref<10240x128xf32, #tpu.memory_space<hbm>>
    %dma_start3A_170 = tpu.memref_slice %arg10[%dma_start3A_163] : memref<2x!tpu.dma_semaphore, #tpu.memory_space<semaphore_mem>> -> memref<1x!tpu.dma_semaphore, #tpu.memory_space<semaphore_mem>>
    %dma_start3A_171 = tpu.memref_squeeze %dma_start3A_170 : memref<1x!tpu.dma_semaphore, #tpu.memory_space<semaphore_mem>> -> memref<!tpu.dma_semaphore, #tpu.memory_space<semaphore_mem>>
    tpu.enqueue_indirect_dma source(%dma_start3A_169 : memref<10240x128xf32, #tpu.memory_space<hbm>>) target(%arg9 : memref<128x128xf32, #tpu.memory_space<vmem>>) offsets(%dma_start3A_166 : memref<128xi32, #tpu.memory_space<vmem>>) semaphore(%dma_start3A_171 : memref<!tpu.dma_semaphore, #tpu.memory_space<semaphore_mem>>)
    %run_scoped3A_172 = arith.constant 38 : i32
    "tpu.region"() ({
      %run_scoped3A_314 = tpu.sem_alloc : memref<!tpu.dma_semaphore, #tpu.memory_space<semaphore_mem>>
      %dma_start3A_315 = arith.constant 0 : i32
      %dma_start3A_316 = tpu.memref_slice %arg7[%run_scoped3A_172, %dma_start3A_315] : memref<40x128xi32, #tpu.memory_space<vmem>> -> memref<1x128xi32, #tpu.memory_space<vmem>>
      %dma_start3A_317 = tpu.memref_squeeze %dma_start3A_316 : memref<1x128xi32, #tpu.memory_space<vmem>> -> memref<128xi32, #tpu.memory_space<vmem>>
      %dma_start3A_318 = arith.constant 0 : i32
      %dma_start3A_319 = arith.constant 0 : i32
      %dma_start3A_320 = tpu.memref_slice %arg12[%dma_start3A_318, %dma_start3A_319] : memref<10240x128xf32, #tpu.memory_space<vmem_shared>> -> memref<10240x128xf32, #tpu.memory_space<vmem_shared>>
      tpu.enqueue_indirect_dma source(%arg8 : memref<128x128xf32, #tpu.memory_space<vmem>>) target(%dma_start3A_320 : memref<10240x128xf32, #tpu.memory_space<vmem_shared>>) offsets(%dma_start3A_317 : memref<128xi32, #tpu.memory_space<vmem>>) semaphore(%run_scoped3A_314 : memref<!tpu.dma_semaphore, #tpu.memory_space<semaphore_mem>>) {add = true}
      %dma_wait3A_321 = arith.constant 0 : i32
      %dma_wait3A_322 = tpu.memref_slice %arg7[%run_scoped3A_172, %dma_wait3A_321] : memref<40x128xi32, #tpu.memory_space<vmem>> -> memref<1x128xi32, #tpu.memory_space<vmem>>
      %dma_wait3A_323 = tpu.memref_squeeze %dma_wait3A_322 : memref<1x128xi32, #tpu.memory_space<vmem>> -> memref<128xi32, #tpu.memory_space<vmem>>
      %dma_wait3A_324 = arith.constant 0 : i32
      %dma_wait3A_325 = arith.constant 0 : i32
      %dma_wait3A_326 = tpu.memref_slice %arg12[%dma_wait3A_324, %dma_wait3A_325] : memref<10240x128xf32, #tpu.memory_space<vmem_shared>> -> memref<10240x128xf32, #tpu.memory_space<vmem_shared>>
      tpu.wait_indirect_dma semaphore(%run_scoped3A_314 : memref<!tpu.dma_semaphore, #tpu.memory_space<semaphore_mem>>) src(%arg8 : memref<128x128xf32, #tpu.memory_space<vmem>>) dst(%dma_wait3A_326 : memref<10240x128xf32, #tpu.memory_space<vmem_shared>>)
      tpu.yield
    }) : () -> ()
    %dma_wait3A_173 = arith.constant 1 : i32
    %dma_wait3A_174 = arith.constant 0 : i32
    %dma_wait3A_175 = arith.constant 0 : i32
    %dma_wait3A_176 = tpu.memref_slice %arg3[%dma_wait3A_174, %dma_wait3A_175] : memref<10240x128xf32, #tpu.memory_space<hbm>> -> memref<128x128xf32, #tpu.memory_space<hbm>>
    %dma_wait3A_177 = tpu.memref_slice %arg10[%dma_wait3A_173] : memref<2x!tpu.dma_semaphore, #tpu.memory_space<semaphore_mem>> -> memref<1x!tpu.dma_semaphore, #tpu.memory_space<semaphore_mem>>
    %dma_wait3A_178 = tpu.memref_squeeze %dma_wait3A_177 : memref<1x!tpu.dma_semaphore, #tpu.memory_space<semaphore_mem>> -> memref<!tpu.dma_semaphore, #tpu.memory_space<semaphore_mem>>
    %dma_wait3A_179 = arith.constant 0 : i32
    %dma_wait3A_180 = arith.constant 0 : i32
    %dma_wait3A_181 = tpu.memref_slice %arg3[%dma_wait3A_179, %dma_wait3A_180] : memref<10240x128xf32, #tpu.memory_space<hbm>> -> memref<128x128xf32, #tpu.memory_space<hbm>>
    tpu.wait_dma2 semaphore(%dma_wait3A_178 : memref<!tpu.dma_semaphore, #tpu.memory_space<semaphore_mem>>) src(%dma_wait3A_181 : memref<128x128xf32, #tpu.memory_space<hbm>>) dst(%arg9 : memref<128x128xf32, #tpu.memory_space<vmem>>)
    %run_scoped3A_182 = arith.constant 39 : i32
    "tpu.region"() ({
      %run_scoped3A_314 = tpu.sem_alloc : memref<!tpu.dma_semaphore, #tpu.memory_space<semaphore_mem>>
      %dma_start3A_315 = arith.constant 0 : i32
      %dma_start3A_316 = tpu.memref_slice %arg7[%run_scoped3A_182, %dma_start3A_315] : memref<40x128xi32, #tpu.memory_space<vmem>> -> memref<1x128xi32, #tpu.memory_space<vmem>>
      %dma_start3A_317 = tpu.memref_squeeze %dma_start3A_316 : memref<1x128xi32, #tpu.memory_space<vmem>> -> memref<128xi32, #tpu.memory_space<vmem>>
      %dma_start3A_318 = arith.constant 0 : i32
      %dma_start3A_319 = arith.constant 0 : i32
      %dma_start3A_320 = tpu.memref_slice %arg12[%dma_start3A_318, %dma_start3A_319] : memref<10240x128xf32, #tpu.memory_space<vmem_shared>> -> memref<10240x128xf32, #tpu.memory_space<vmem_shared>>
      tpu.enqueue_indirect_dma source(%arg9 : memref<128x128xf32, #tpu.memory_space<vmem>>) target(%dma_start3A_320 : memref<10240x128xf32, #tpu.memory_space<vmem_shared>>) offsets(%dma_start3A_317 : memref<128xi32, #tpu.memory_space<vmem>>) semaphore(%run_scoped3A_314 : memref<!tpu.dma_semaphore, #tpu.memory_space<semaphore_mem>>) {add = true}
      %dma_wait3A_321 = arith.constant 0 : i32
      %dma_wait3A_322 = tpu.memref_slice %arg7[%run_scoped3A_182, %dma_wait3A_321] : memref<40x128xi32, #tpu.memory_space<vmem>> -> memref<1x128xi32, #tpu.memory_space<vmem>>
      %dma_wait3A_323 = tpu.memref_squeeze %dma_wait3A_322 : memref<1x128xi32, #tpu.memory_space<vmem>> -> memref<128xi32, #tpu.memory_space<vmem>>
      %dma_wait3A_324 = arith.constant 0 : i32
      %dma_wait3A_325 = arith.constant 0 : i32
      %dma_wait3A_326 = tpu.memref_slice %arg12[%dma_wait3A_324, %dma_wait3A_325] : memref<10240x128xf32, #tpu.memory_space<vmem_shared>> -> memref<10240x128xf32, #tpu.memory_space<vmem_shared>>
      tpu.wait_indirect_dma semaphore(%run_scoped3A_314 : memref<!tpu.dma_semaphore, #tpu.memory_space<semaphore_mem>>) src(%arg9 : memref<128x128xf32, #tpu.memory_space<vmem>>) dst(%dma_wait3A_326 : memref<10240x128xf32, #tpu.memory_space<vmem_shared>>)
      tpu.yield
    }) : () -> ()
    %barrier3A_183 = arith.constant 0 : index
    tpu.barrier barrier_id(%barrier3A_183)
    %mul3A_184 = arith.constant 640 : i32
    %mul3A_185 = arith.muli %arg1, %mul3A_184 : i32
    %add3A_186 = arith.constant 0 : i32
    %add3A_187 = arith.addi %mul3A_185, %add3A_186 : i32
    "tpu.region"() ({
      %run_scoped3A_314 = tpu.sem_alloc : memref<!tpu.dma_semaphore, #tpu.memory_space<semaphore_mem>>
      %dma_start3A_315 = arith.constant 0 : i32
      %dma_start3A_316 = tpu.memref_slice %arg12[%add3A_187, %dma_start3A_315] : memref<10240x128xf32, #tpu.memory_space<vmem_shared>> -> memref<128x128xf32, #tpu.memory_space<vmem_shared>>
      %dma_start3A_317 = arith.constant 0 : i32
      %dma_start3A_318 = tpu.memref_slice %arg12[%add3A_187, %dma_start3A_317] : memref<10240x128xf32, #tpu.memory_space<vmem_shared>> -> memref<128x128xf32, #tpu.memory_space<vmem_shared>>
      tpu.enqueue_dma source(%dma_start3A_318 : memref<128x128xf32, #tpu.memory_space<vmem_shared>>) target(%arg8 : memref<128x128xf32, #tpu.memory_space<vmem>>) target_semaphore(%run_scoped3A_314 : memref<!tpu.dma_semaphore, #tpu.memory_space<semaphore_mem>>)
      %dma_wait3A_319 = arith.constant 0 : i32
      %dma_wait3A_320 = tpu.memref_slice %arg12[%add3A_187, %dma_wait3A_319] : memref<10240x128xf32, #tpu.memory_space<vmem_shared>> -> memref<128x128xf32, #tpu.memory_space<vmem_shared>>
      %dma_wait3A_321 = arith.constant 0 : i32
      %dma_wait3A_322 = tpu.memref_slice %arg12[%add3A_187, %dma_wait3A_321] : memref<10240x128xf32, #tpu.memory_space<vmem_shared>> -> memref<128x128xf32, #tpu.memory_space<vmem_shared>>
      tpu.wait_dma2 semaphore(%run_scoped3A_314 : memref<!tpu.dma_semaphore, #tpu.memory_space<semaphore_mem>>) src(%dma_wait3A_322 : memref<128x128xf32, #tpu.memory_space<vmem_shared>>) dst(%arg8 : memref<128x128xf32, #tpu.memory_space<vmem>>)
      tpu.yield
    }) : () -> ()
    %mul3A_188 = arith.constant 640 : i32
    %mul3A_189 = arith.muli %arg1, %mul3A_188 : i32
    %add3A_190 = arith.constant 0 : i32
    %add3A_191 = arith.addi %mul3A_189, %add3A_190 : i32
    %dma_start3A_192 = arith.constant 0 : i32
    %dma_start3A_193 = arith.constant 0 : i32
    %dma_start3A_194 = tpu.memref_slice %arg4[%arg0, %add3A_191, %dma_start3A_193] : memref<2x10240x128xf32, #tpu.memory_space<hbm>> -> memref<1x128x128xf32, #tpu.memory_space<hbm>>
    %dma_start3A_195 = tpu.memref_squeeze %dma_start3A_194 : memref<1x128x128xf32, #tpu.memory_space<hbm>> -> memref<128x128xf32, #tpu.memory_space<hbm>>
    %dma_start3A_196 = tpu.memref_slice %arg10[%dma_start3A_192] : memref<2x!tpu.dma_semaphore, #tpu.memory_space<semaphore_mem>> -> memref<1x!tpu.dma_semaphore, #tpu.memory_space<semaphore_mem>>
    %dma_start3A_197 = tpu.memref_squeeze %dma_start3A_196 : memref<1x!tpu.dma_semaphore, #tpu.memory_space<semaphore_mem>> -> memref<!tpu.dma_semaphore, #tpu.memory_space<semaphore_mem>>
    %dma_start3A_198 = arith.constant 0 : i32
    %dma_start3A_199 = tpu.memref_slice %arg4[%arg0, %add3A_191, %dma_start3A_198] : memref<2x10240x128xf32, #tpu.memory_space<hbm>> -> memref<1x128x128xf32, #tpu.memory_space<hbm>>
    %dma_start3A_200 = tpu.memref_squeeze %dma_start3A_199 : memref<1x128x128xf32, #tpu.memory_space<hbm>> -> memref<128x128xf32, #tpu.memory_space<hbm>>
    tpu.enqueue_dma source(%arg8 : memref<128x128xf32, #tpu.memory_space<vmem>>) target(%dma_start3A_200 : memref<128x128xf32, #tpu.memory_space<hbm>>) target_semaphore(%dma_start3A_197 : memref<!tpu.dma_semaphore, #tpu.memory_space<semaphore_mem>>)
    %mul3A_201 = arith.constant 640 : i32
    %mul3A_202 = arith.muli %arg1, %mul3A_201 : i32
    %add3A_203 = arith.constant 128 : i32
    %add3A_204 = arith.addi %mul3A_202, %add3A_203 : i32
    "tpu.region"() ({
      %run_scoped3A_314 = tpu.sem_alloc : memref<!tpu.dma_semaphore, #tpu.memory_space<semaphore_mem>>
      %dma_start3A_315 = arith.constant 0 : i32
      %dma_start3A_316 = tpu.memref_slice %arg12[%add3A_204, %dma_start3A_315] : memref<10240x128xf32, #tpu.memory_space<vmem_shared>> -> memref<128x128xf32, #tpu.memory_space<vmem_shared>>
      %dma_start3A_317 = arith.constant 0 : i32
      %dma_start3A_318 = tpu.memref_slice %arg12[%add3A_204, %dma_start3A_317] : memref<10240x128xf32, #tpu.memory_space<vmem_shared>> -> memref<128x128xf32, #tpu.memory_space<vmem_shared>>
      tpu.enqueue_dma source(%dma_start3A_318 : memref<128x128xf32, #tpu.memory_space<vmem_shared>>) target(%arg9 : memref<128x128xf32, #tpu.memory_space<vmem>>) target_semaphore(%run_scoped3A_314 : memref<!tpu.dma_semaphore, #tpu.memory_space<semaphore_mem>>)
      %dma_wait3A_319 = arith.constant 0 : i32
      %dma_wait3A_320 = tpu.memref_slice %arg12[%add3A_204, %dma_wait3A_319] : memref<10240x128xf32, #tpu.memory_space<vmem_shared>> -> memref<128x128xf32, #tpu.memory_space<vmem_shared>>
      %dma_wait3A_321 = arith.constant 0 : i32
      %dma_wait3A_322 = tpu.memref_slice %arg12[%add3A_204, %dma_wait3A_321] : memref<10240x128xf32, #tpu.memory_space<vmem_shared>> -> memref<128x128xf32, #tpu.memory_space<vmem_shared>>
      tpu.wait_dma2 semaphore(%run_scoped3A_314 : memref<!tpu.dma_semaphore, #tpu.memory_space<semaphore_mem>>) src(%dma_wait3A_322 : memref<128x128xf32, #tpu.memory_space<vmem_shared>>) dst(%arg9 : memref<128x128xf32, #tpu.memory_space<vmem>>)
      tpu.yield
    }) : () -> ()
    %mul3A_205 = arith.constant 640 : i32
    %mul3A_206 = arith.muli %arg1, %mul3A_205 : i32
    %add3A_207 = arith.constant 128 : i32
    %add3A_208 = arith.addi %mul3A_206, %add3A_207 : i32
    %dma_start3A_209 = arith.constant 1 : i32
    %dma_start3A_210 = arith.constant 0 : i32
    %dma_start3A_211 = tpu.memref_slice %arg4[%arg0, %add3A_208, %dma_start3A_210] : memref<2x10240x128xf32, #tpu.memory_space<hbm>> -> memref<1x128x128xf32, #tpu.memory_space<hbm>>
    %dma_start3A_212 = tpu.memref_squeeze %dma_start3A_211 : memref<1x128x128xf32, #tpu.memory_space<hbm>> -> memref<128x128xf32, #tpu.memory_space<hbm>>
    %dma_start3A_213 = tpu.memref_slice %arg10[%dma_start3A_209] : memref<2x!tpu.dma_semaphore, #tpu.memory_space<semaphore_mem>> -> memref<1x!tpu.dma_semaphore, #tpu.memory_space<semaphore_mem>>
    %dma_start3A_214 = tpu.memref_squeeze %dma_start3A_213 : memref<1x!tpu.dma_semaphore, #tpu.memory_space<semaphore_mem>> -> memref<!tpu.dma_semaphore, #tpu.memory_space<semaphore_mem>>
    %dma_start3A_215 = arith.constant 0 : i32
    %dma_start3A_216 = tpu.memref_slice %arg4[%arg0, %add3A_208, %dma_start3A_215] : memref<2x10240x128xf32, #tpu.memory_space<hbm>> -> memref<1x128x128xf32, #tpu.memory_space<hbm>>
    %dma_start3A_217 = tpu.memref_squeeze %dma_start3A_216 : memref<1x128x128xf32, #tpu.memory_space<hbm>> -> memref<128x128xf32, #tpu.memory_space<hbm>>
    tpu.enqueue_dma source(%arg9 : memref<128x128xf32, #tpu.memory_space<vmem>>) target(%dma_start3A_217 : memref<128x128xf32, #tpu.memory_space<hbm>>) target_semaphore(%dma_start3A_214 : memref<!tpu.dma_semaphore, #tpu.memory_space<semaphore_mem>>)
    %dma_wait3A_218 = arith.constant 0 : i32
    %dma_wait3A_219 = arith.constant 0 : i32
    %dma_wait3A_220 = arith.constant 0 : i32
    %dma_wait3A_221 = tpu.memref_slice %arg3[%dma_wait3A_219, %dma_wait3A_220] : memref<10240x128xf32, #tpu.memory_space<hbm>> -> memref<128x128xf32, #tpu.memory_space<hbm>>
    %dma_wait3A_222 = tpu.memref_slice %arg10[%dma_wait3A_218] : memref<2x!tpu.dma_semaphore, #tpu.memory_space<semaphore_mem>> -> memref<1x!tpu.dma_semaphore, #tpu.memory_space<semaphore_mem>>
    %dma_wait3A_223 = tpu.memref_squeeze %dma_wait3A_222 : memref<1x!tpu.dma_semaphore, #tpu.memory_space<semaphore_mem>> -> memref<!tpu.dma_semaphore, #tpu.memory_space<semaphore_mem>>
    %dma_wait3A_224 = arith.constant 0 : i32
    %dma_wait3A_225 = arith.constant 0 : i32
    %dma_wait3A_226 = tpu.memref_slice %arg3[%dma_wait3A_224, %dma_wait3A_225] : memref<10240x128xf32, #tpu.memory_space<hbm>> -> memref<128x128xf32, #tpu.memory_space<hbm>>
    tpu.wait_dma2 semaphore(%dma_wait3A_223 : memref<!tpu.dma_semaphore, #tpu.memory_space<semaphore_mem>>) src(%dma_wait3A_226 : memref<128x128xf32, #tpu.memory_space<hbm>>) dst(%arg8 : memref<128x128xf32, #tpu.memory_space<vmem>>)
    %mul3A_227 = arith.constant 640 : i32
    %mul3A_228 = arith.muli %arg1, %mul3A_227 : i32
    %add3A_229 = arith.constant 256 : i32
    %add3A_230 = arith.addi %mul3A_228, %add3A_229 : i32
    "tpu.region"() ({
      %run_scoped3A_314 = tpu.sem_alloc : memref<!tpu.dma_semaphore, #tpu.memory_space<semaphore_mem>>
      %dma_start3A_315 = arith.constant 0 : i32
      %dma_start3A_316 = tpu.memref_slice %arg12[%add3A_230, %dma_start3A_315] : memref<10240x128xf32, #tpu.memory_space<vmem_shared>> -> memref<128x128xf32, #tpu.memory_space<vmem_shared>>
      %dma_start3A_317 = arith.constant 0 : i32
      %dma_start3A_318 = tpu.memref_slice %arg12[%add3A_230, %dma_start3A_317] : memref<10240x128xf32, #tpu.memory_space<vmem_shared>> -> memref<128x128xf32, #tpu.memory_space<vmem_shared>>
      tpu.enqueue_dma source(%dma_start3A_318 : memref<128x128xf32, #tpu.memory_space<vmem_shared>>) target(%arg8 : memref<128x128xf32, #tpu.memory_space<vmem>>) target_semaphore(%run_scoped3A_314 : memref<!tpu.dma_semaphore, #tpu.memory_space<semaphore_mem>>)
      %dma_wait3A_319 = arith.constant 0 : i32
      %dma_wait3A_320 = tpu.memref_slice %arg12[%add3A_230, %dma_wait3A_319] : memref<10240x128xf32, #tpu.memory_space<vmem_shared>> -> memref<128x128xf32, #tpu.memory_space<vmem_shared>>
      %dma_wait3A_321 = arith.constant 0 : i32
      %dma_wait3A_322 = tpu.memref_slice %arg12[%add3A_230, %dma_wait3A_321] : memref<10240x128xf32, #tpu.memory_space<vmem_shared>> -> memref<128x128xf32, #tpu.memory_space<vmem_shared>>
      tpu.wait_dma2 semaphore(%run_scoped3A_314 : memref<!tpu.dma_semaphore, #tpu.memory_space<semaphore_mem>>) src(%dma_wait3A_322 : memref<128x128xf32, #tpu.memory_space<vmem_shared>>) dst(%arg8 : memref<128x128xf32, #tpu.memory_space<vmem>>)
      tpu.yield
    }) : () -> ()
    %mul3A_231 = arith.constant 640 : i32
    %mul3A_232 = arith.muli %arg1, %mul3A_231 : i32
    %add3A_233 = arith.constant 256 : i32
    %add3A_234 = arith.addi %mul3A_232, %add3A_233 : i32
    %dma_start3A_235 = arith.constant 0 : i32
    %dma_start3A_236 = arith.constant 0 : i32
    %dma_start3A_237 = tpu.memref_slice %arg4[%arg0, %add3A_234, %dma_start3A_236] : memref<2x10240x128xf32, #tpu.memory_space<hbm>> -> memref<1x128x128xf32, #tpu.memory_space<hbm>>
    %dma_start3A_238 = tpu.memref_squeeze %dma_start3A_237 : memref<1x128x128xf32, #tpu.memory_space<hbm>> -> memref<128x128xf32, #tpu.memory_space<hbm>>
    %dma_start3A_239 = tpu.memref_slice %arg10[%dma_start3A_235] : memref<2x!tpu.dma_semaphore, #tpu.memory_space<semaphore_mem>> -> memref<1x!tpu.dma_semaphore, #tpu.memory_space<semaphore_mem>>
    %dma_start3A_240 = tpu.memref_squeeze %dma_start3A_239 : memref<1x!tpu.dma_semaphore, #tpu.memory_space<semaphore_mem>> -> memref<!tpu.dma_semaphore, #tpu.memory_space<semaphore_mem>>
    %dma_start3A_241 = arith.constant 0 : i32
    %dma_start3A_242 = tpu.memref_slice %arg4[%arg0, %add3A_234, %dma_start3A_241] : memref<2x10240x128xf32, #tpu.memory_space<hbm>> -> memref<1x128x128xf32, #tpu.memory_space<hbm>>
    %dma_start3A_243 = tpu.memref_squeeze %dma_start3A_242 : memref<1x128x128xf32, #tpu.memory_space<hbm>> -> memref<128x128xf32, #tpu.memory_space<hbm>>
    tpu.enqueue_dma source(%arg8 : memref<128x128xf32, #tpu.memory_space<vmem>>) target(%dma_start3A_243 : memref<128x128xf32, #tpu.memory_space<hbm>>) target_semaphore(%dma_start3A_240 : memref<!tpu.dma_semaphore, #tpu.memory_space<semaphore_mem>>)
    %dma_wait3A_244 = arith.constant 1 : i32
    %dma_wait3A_245 = arith.constant 0 : i32
    %dma_wait3A_246 = arith.constant 0 : i32
    %dma_wait3A_247 = tpu.memref_slice %arg3[%dma_wait3A_245, %dma_wait3A_246] : memref<10240x128xf32, #tpu.memory_space<hbm>> -> memref<128x128xf32, #tpu.memory_space<hbm>>
    %dma_wait3A_248 = tpu.memref_slice %arg10[%dma_wait3A_244] : memref<2x!tpu.dma_semaphore, #tpu.memory_space<semaphore_mem>> -> memref<1x!tpu.dma_semaphore, #tpu.memory_space<semaphore_mem>>
    %dma_wait3A_249 = tpu.memref_squeeze %dma_wait3A_248 : memref<1x!tpu.dma_semaphore, #tpu.memory_space<semaphore_mem>> -> memref<!tpu.dma_semaphore, #tpu.memory_space<semaphore_mem>>
    %dma_wait3A_250 = arith.constant 0 : i32
    %dma_wait3A_251 = arith.constant 0 : i32
    %dma_wait3A_252 = tpu.memref_slice %arg3[%dma_wait3A_250, %dma_wait3A_251] : memref<10240x128xf32, #tpu.memory_space<hbm>> -> memref<128x128xf32, #tpu.memory_space<hbm>>
    tpu.wait_dma2 semaphore(%dma_wait3A_249 : memref<!tpu.dma_semaphore, #tpu.memory_space<semaphore_mem>>) src(%dma_wait3A_252 : memref<128x128xf32, #tpu.memory_space<hbm>>) dst(%arg9 : memref<128x128xf32, #tpu.memory_space<vmem>>)
    %mul3A_253 = arith.constant 640 : i32
    %mul3A_254 = arith.muli %arg1, %mul3A_253 : i32
    %add3A_255 = arith.constant 384 : i32
    %add3A_256 = arith.addi %mul3A_254, %add3A_255 : i32
    "tpu.region"() ({
      %run_scoped3A_314 = tpu.sem_alloc : memref<!tpu.dma_semaphore, #tpu.memory_space<semaphore_mem>>
      %dma_start3A_315 = arith.constant 0 : i32
      %dma_start3A_316 = tpu.memref_slice %arg12[%add3A_256, %dma_start3A_315] : memref<10240x128xf32, #tpu.memory_space<vmem_shared>> -> memref<128x128xf32, #tpu.memory_space<vmem_shared>>
      %dma_start3A_317 = arith.constant 0 : i32
      %dma_start3A_318 = tpu.memref_slice %arg12[%add3A_256, %dma_start3A_317] : memref<10240x128xf32, #tpu.memory_space<vmem_shared>> -> memref<128x128xf32, #tpu.memory_space<vmem_shared>>
      tpu.enqueue_dma source(%dma_start3A_318 : memref<128x128xf32, #tpu.memory_space<vmem_shared>>) target(%arg9 : memref<128x128xf32, #tpu.memory_space<vmem>>) target_semaphore(%run_scoped3A_314 : memref<!tpu.dma_semaphore, #tpu.memory_space<semaphore_mem>>)
      %dma_wait3A_319 = arith.constant 0 : i32
      %dma_wait3A_320 = tpu.memref_slice %arg12[%add3A_256, %dma_wait3A_319] : memref<10240x128xf32, #tpu.memory_space<vmem_shared>> -> memref<128x128xf32, #tpu.memory_space<vmem_shared>>
      %dma_wait3A_321 = arith.constant 0 : i32
      %dma_wait3A_322 = tpu.memref_slice %arg12[%add3A_256, %dma_wait3A_321] : memref<10240x128xf32, #tpu.memory_space<vmem_shared>> -> memref<128x128xf32, #tpu.memory_space<vmem_shared>>
      tpu.wait_dma2 semaphore(%run_scoped3A_314 : memref<!tpu.dma_semaphore, #tpu.memory_space<semaphore_mem>>) src(%dma_wait3A_322 : memref<128x128xf32, #tpu.memory_space<vmem_shared>>) dst(%arg9 : memref<128x128xf32, #tpu.memory_space<vmem>>)
      tpu.yield
    }) : () -> ()
    %mul3A_257 = arith.constant 640 : i32
    %mul3A_258 = arith.muli %arg1, %mul3A_257 : i32
    %add3A_259 = arith.constant 384 : i32
    %add3A_260 = arith.addi %mul3A_258, %add3A_259 : i32
    %dma_start3A_261 = arith.constant 1 : i32
    %dma_start3A_262 = arith.constant 0 : i32
    %dma_start3A_263 = tpu.memref_slice %arg4[%arg0, %add3A_260, %dma_start3A_262] : memref<2x10240x128xf32, #tpu.memory_space<hbm>> -> memref<1x128x128xf32, #tpu.memory_space<hbm>>
    %dma_start3A_264 = tpu.memref_squeeze %dma_start3A_263 : memref<1x128x128xf32, #tpu.memory_space<hbm>> -> memref<128x128xf32, #tpu.memory_space<hbm>>
    %dma_start3A_265 = tpu.memref_slice %arg10[%dma_start3A_261] : memref<2x!tpu.dma_semaphore, #tpu.memory_space<semaphore_mem>> -> memref<1x!tpu.dma_semaphore, #tpu.memory_space<semaphore_mem>>
    %dma_start3A_266 = tpu.memref_squeeze %dma_start3A_265 : memref<1x!tpu.dma_semaphore, #tpu.memory_space<semaphore_mem>> -> memref<!tpu.dma_semaphore, #tpu.memory_space<semaphore_mem>>
    %dma_start3A_267 = arith.constant 0 : i32
    %dma_start3A_268 = tpu.memref_slice %arg4[%arg0, %add3A_260, %dma_start3A_267] : memref<2x10240x128xf32, #tpu.memory_space<hbm>> -> memref<1x128x128xf32, #tpu.memory_space<hbm>>
    %dma_start3A_269 = tpu.memref_squeeze %dma_start3A_268 : memref<1x128x128xf32, #tpu.memory_space<hbm>> -> memref<128x128xf32, #tpu.memory_space<hbm>>
    tpu.enqueue_dma source(%arg9 : memref<128x128xf32, #tpu.memory_space<vmem>>) target(%dma_start3A_269 : memref<128x128xf32, #tpu.memory_space<hbm>>) target_semaphore(%dma_start3A_266 : memref<!tpu.dma_semaphore, #tpu.memory_space<semaphore_mem>>)
    %dma_wait3A_270 = arith.constant 0 : i32
    %dma_wait3A_271 = arith.constant 0 : i32
    %dma_wait3A_272 = arith.constant 0 : i32
    %dma_wait3A_273 = tpu.memref_slice %arg3[%dma_wait3A_271, %dma_wait3A_272] : memref<10240x128xf32, #tpu.memory_space<hbm>> -> memref<128x128xf32, #tpu.memory_space<hbm>>
    %dma_wait3A_274 = tpu.memref_slice %arg10[%dma_wait3A_270] : memref<2x!tpu.dma_semaphore, #tpu.memory_space<semaphore_mem>> -> memref<1x!tpu.dma_semaphore, #tpu.memory_space<semaphore_mem>>
    %dma_wait3A_275 = tpu.memref_squeeze %dma_wait3A_274 : memref<1x!tpu.dma_semaphore, #tpu.memory_space<semaphore_mem>> -> memref<!tpu.dma_semaphore, #tpu.memory_space<semaphore_mem>>
    %dma_wait3A_276 = arith.constant 0 : i32
    %dma_wait3A_277 = arith.constant 0 : i32
    %dma_wait3A_278 = tpu.memref_slice %arg3[%dma_wait3A_276, %dma_wait3A_277] : memref<10240x128xf32, #tpu.memory_space<hbm>> -> memref<128x128xf32, #tpu.memory_space<hbm>>
    tpu.wait_dma2 semaphore(%dma_wait3A_275 : memref<!tpu.dma_semaphore, #tpu.memory_space<semaphore_mem>>) src(%dma_wait3A_278 : memref<128x128xf32, #tpu.memory_space<hbm>>) dst(%arg8 : memref<128x128xf32, #tpu.memory_space<vmem>>)
    %mul3A_279 = arith.constant 640 : i32
    %mul3A_280 = arith.muli %arg1, %mul3A_279 : i32
    %add3A_281 = arith.constant 512 : i32
    %add3A_282 = arith.addi %mul3A_280, %add3A_281 : i32
    "tpu.region"() ({
      %run_scoped3A_314 = tpu.sem_alloc : memref<!tpu.dma_semaphore, #tpu.memory_space<semaphore_mem>>
      %dma_start3A_315 = arith.constant 0 : i32
      %dma_start3A_316 = tpu.memref_slice %arg12[%add3A_282, %dma_start3A_315] : memref<10240x128xf32, #tpu.memory_space<vmem_shared>> -> memref<128x128xf32, #tpu.memory_space<vmem_shared>>
      %dma_start3A_317 = arith.constant 0 : i32
      %dma_start3A_318 = tpu.memref_slice %arg12[%add3A_282, %dma_start3A_317] : memref<10240x128xf32, #tpu.memory_space<vmem_shared>> -> memref<128x128xf32, #tpu.memory_space<vmem_shared>>
      tpu.enqueue_dma source(%dma_start3A_318 : memref<128x128xf32, #tpu.memory_space<vmem_shared>>) target(%arg8 : memref<128x128xf32, #tpu.memory_space<vmem>>) target_semaphore(%run_scoped3A_314 : memref<!tpu.dma_semaphore, #tpu.memory_space<semaphore_mem>>)
      %dma_wait3A_319 = arith.constant 0 : i32
      %dma_wait3A_320 = tpu.memref_slice %arg12[%add3A_282, %dma_wait3A_319] : memref<10240x128xf32, #tpu.memory_space<vmem_shared>> -> memref<128x128xf32, #tpu.memory_space<vmem_shared>>
      %dma_wait3A_321 = arith.constant 0 : i32
      %dma_wait3A_322 = tpu.memref_slice %arg12[%add3A_282, %dma_wait3A_321] : memref<10240x128xf32, #tpu.memory_space<vmem_shared>> -> memref<128x128xf32, #tpu.memory_space<vmem_shared>>
      tpu.wait_dma2 semaphore(%run_scoped3A_314 : memref<!tpu.dma_semaphore, #tpu.memory_space<semaphore_mem>>) src(%dma_wait3A_322 : memref<128x128xf32, #tpu.memory_space<vmem_shared>>) dst(%arg8 : memref<128x128xf32, #tpu.memory_space<vmem>>)
      tpu.yield
    }) : () -> ()
    %mul3A_283 = arith.constant 640 : i32
    %mul3A_284 = arith.muli %arg1, %mul3A_283 : i32
    %add3A_285 = arith.constant 512 : i32
    %add3A_286 = arith.addi %mul3A_284, %add3A_285 : i32
    %dma_start3A_287 = arith.constant 0 : i32
    %dma_start3A_288 = arith.constant 0 : i32
    %dma_start3A_289 = tpu.memref_slice %arg4[%arg0, %add3A_286, %dma_start3A_288] : memref<2x10240x128xf32, #tpu.memory_space<hbm>> -> memref<1x128x128xf32, #tpu.memory_space<hbm>>
    %dma_start3A_290 = tpu.memref_squeeze %dma_start3A_289 : memref<1x128x128xf32, #tpu.memory_space<hbm>> -> memref<128x128xf32, #tpu.memory_space<hbm>>
    %dma_start3A_291 = tpu.memref_slice %arg10[%dma_start3A_287] : memref<2x!tpu.dma_semaphore, #tpu.memory_space<semaphore_mem>> -> memref<1x!tpu.dma_semaphore, #tpu.memory_space<semaphore_mem>>
    %dma_start3A_292 = tpu.memref_squeeze %dma_start3A_291 : memref<1x!tpu.dma_semaphore, #tpu.memory_space<semaphore_mem>> -> memref<!tpu.dma_semaphore, #tpu.memory_space<semaphore_mem>>
    %dma_start3A_293 = arith.constant 0 : i32
    %dma_start3A_294 = tpu.memref_slice %arg4[%arg0, %add3A_286, %dma_start3A_293] : memref<2x10240x128xf32, #tpu.memory_space<hbm>> -> memref<1x128x128xf32, #tpu.memory_space<hbm>>
    %dma_start3A_295 = tpu.memref_squeeze %dma_start3A_294 : memref<1x128x128xf32, #tpu.memory_space<hbm>> -> memref<128x128xf32, #tpu.memory_space<hbm>>
    tpu.enqueue_dma source(%arg8 : memref<128x128xf32, #tpu.memory_space<vmem>>) target(%dma_start3A_295 : memref<128x128xf32, #tpu.memory_space<hbm>>) target_semaphore(%dma_start3A_292 : memref<!tpu.dma_semaphore, #tpu.memory_space<semaphore_mem>>)
    %dma_wait3A_296 = arith.constant 1 : i32
    %dma_wait3A_297 = arith.constant 0 : i32
    %dma_wait3A_298 = arith.constant 0 : i32
    %dma_wait3A_299 = tpu.memref_slice %arg3[%dma_wait3A_297, %dma_wait3A_298] : memref<10240x128xf32, #tpu.memory_space<hbm>> -> memref<128x128xf32, #tpu.memory_space<hbm>>
    %dma_wait3A_300 = tpu.memref_slice %arg10[%dma_wait3A_296] : memref<2x!tpu.dma_semaphore, #tpu.memory_space<semaphore_mem>> -> memref<1x!tpu.dma_semaphore, #tpu.memory_space<semaphore_mem>>
    %dma_wait3A_301 = tpu.memref_squeeze %dma_wait3A_300 : memref<1x!tpu.dma_semaphore, #tpu.memory_space<semaphore_mem>> -> memref<!tpu.dma_semaphore, #tpu.memory_space<semaphore_mem>>
    %dma_wait3A_302 = arith.constant 0 : i32
    %dma_wait3A_303 = arith.constant 0 : i32
    %dma_wait3A_304 = tpu.memref_slice %arg3[%dma_wait3A_302, %dma_wait3A_303] : memref<10240x128xf32, #tpu.memory_space<hbm>> -> memref<128x128xf32, #tpu.memory_space<hbm>>
    tpu.wait_dma2 semaphore(%dma_wait3A_301 : memref<!tpu.dma_semaphore, #tpu.memory_space<semaphore_mem>>) src(%dma_wait3A_304 : memref<128x128xf32, #tpu.memory_space<hbm>>) dst(%arg9 : memref<128x128xf32, #tpu.memory_space<vmem>>)
    %dma_wait3A_305 = arith.constant 0 : i32
    %dma_wait3A_306 = arith.constant 0 : i32
    %dma_wait3A_307 = arith.constant 0 : i32
    %dma_wait3A_308 = tpu.memref_slice %arg3[%dma_wait3A_306, %dma_wait3A_307] : memref<10240x128xf32, #tpu.memory_space<hbm>> -> memref<128x128xf32, #tpu.memory_space<hbm>>
    %dma_wait3A_309 = tpu.memref_slice %arg10[%dma_wait3A_305] : memref<2x!tpu.dma_semaphore, #tpu.memory_space<semaphore_mem>> -> memref<1x!tpu.dma_semaphore, #tpu.memory_space<semaphore_mem>>
    %dma_wait3A_310 = tpu.memref_squeeze %dma_wait3A_309 : memref<1x!tpu.dma_semaphore, #tpu.memory_space<semaphore_mem>> -> memref<!tpu.dma_semaphore, #tpu.memory_space<semaphore_mem>>
    %dma_wait3A_311 = arith.constant 0 : i32
    %dma_wait3A_312 = arith.constant 0 : i32
    %dma_wait3A_313 = tpu.memref_slice %arg3[%dma_wait3A_311, %dma_wait3A_312] : memref<10240x128xf32, #tpu.memory_space<hbm>> -> memref<128x128xf32, #tpu.memory_space<hbm>>
    tpu.wait_dma2 semaphore(%dma_wait3A_310 : memref<!tpu.dma_semaphore, #tpu.memory_space<semaphore_mem>>) src(%dma_wait3A_313 : memref<128x128xf32, #tpu.memory_space<hbm>>) dst(%arg8 : memref<128x128xf32, #tpu.memory_space<vmem>>)
    return
  }
}

#map = affine_map<(d0, d1) -> (0, 0)>
#map1 = affine_map<(d0, d1) -> (0, 0, 0)>
module attributes {stable_mosaic.version = 14 : i64} {
  func.func @_deg_body(%arg0: i32, %arg1: i32, %arg2: memref<2560x128xi32, #tpu.memory_space<hbm>>, %arg3: memref<2x1x10240xf32, #tpu.memory_space<hbm>>, %arg4: memref<80x128xi32, #tpu.memory_space<vmem>>, %arg5: memref<80x128xi32, #tpu.memory_space<vmem>>, %arg6: memref<80x128xf32, #tpu.memory_space<vmem>>, %arg7: memref<640xf32, #tpu.memory_space<vmem>>, %arg8: memref<2x!tpu.dma_semaphore, #tpu.memory_space<semaphore_mem>>, %arg9: memref<10240xf32, #tpu.memory_space<vmem_shared>>) attributes {dimension_semantics = [#tpu.dimension_semantics<core_parallel>, #tpu.dimension_semantics<subcore_parallel>], iteration_bounds = array<i64: 2, 16>, scalar_prefetch = 0 : i64, scratch_operands = 6 : i64, tpu.core_type = #tpu.core_type<sc_vector_subcore>, window_params = [{transform_indices = #map}, {transform_indices = #map1}]} {
    %mul3A = arith.constant 16 : i32
    %mul3A_0 = arith.muli %arg0, %mul3A : i32
    %add3A = arith.addi %mul3A_0, %arg1 : i32
    %mul3A_1 = arith.constant 80 : i32
    %mul3A_2 = arith.muli %add3A, %mul3A_1 : i32
    "tpu.region"() ({
      %run_scoped3A_362 = tpu.sem_alloc : memref<!tpu.dma_semaphore, #tpu.memory_space<semaphore_mem>>
      %dma_start3A = arith.constant 0 : i32
      %dma_start3A_363 = tpu.memref_slice %arg2[%mul3A_2, %dma_start3A] : memref<2560x128xi32, #tpu.memory_space<hbm>> -> memref<80x128xi32, #tpu.memory_space<hbm>>
      %dma_start3A_364 = arith.constant 0 : i32
      %dma_start3A_365 = tpu.memref_slice %arg2[%mul3A_2, %dma_start3A_364] : memref<2560x128xi32, #tpu.memory_space<hbm>> -> memref<80x128xi32, #tpu.memory_space<hbm>>
      tpu.enqueue_dma source(%dma_start3A_365 : memref<80x128xi32, #tpu.memory_space<hbm>>) target(%arg4 : memref<80x128xi32, #tpu.memory_space<vmem>>) target_semaphore(%run_scoped3A_362 : memref<!tpu.dma_semaphore, #tpu.memory_space<semaphore_mem>>)
      %dma_wait3A_366 = arith.constant 0 : i32
      %dma_wait3A_367 = tpu.memref_slice %arg2[%mul3A_2, %dma_wait3A_366] : memref<2560x128xi32, #tpu.memory_space<hbm>> -> memref<80x128xi32, #tpu.memory_space<hbm>>
      %dma_wait3A_368 = arith.constant 0 : i32
      %dma_wait3A_369 = tpu.memref_slice %arg2[%mul3A_2, %dma_wait3A_368] : memref<2560x128xi32, #tpu.memory_space<hbm>> -> memref<80x128xi32, #tpu.memory_space<hbm>>
      tpu.wait_dma2 semaphore(%run_scoped3A_362 : memref<!tpu.dma_semaphore, #tpu.memory_space<semaphore_mem>>) src(%dma_wait3A_369 : memref<80x128xi32, #tpu.memory_space<hbm>>) dst(%arg4 : memref<80x128xi32, #tpu.memory_space<vmem>>)
      tpu.yield
    }) : () -> ()
    %broadcast_in_dim3A = arith.constant 0.000000e+00 : f32
    %broadcast_in_dim3A_3 = vector.broadcast %broadcast_in_dim3A : f32 to vector<16xf32>
    %swap3A = arith.constant 0 : index
    %swap3A_4 = tpu.vector_load %arg7[%swap3A] {strides = array<i32>} : memref<640xf32, #tpu.memory_space<vmem>>, vector<16xf32>,
    %swap3A_5 = vector.shape_cast %swap3A_4 : vector<16xf32> to vector<16xf32>
    %swap3A_6 = vector.shape_cast %broadcast_in_dim3A_3 : vector<16xf32> to vector<16xf32>
    tpu.vector_store %arg7[%swap3A], %swap3A_6 {strides = array<i32>} : memref<640xf32, #tpu.memory_space<vmem>>, vector<16xf32>,
    %broadcast_in_dim3A_7 = arith.constant 0.000000e+00 : f32
    %broadcast_in_dim3A_8 = vector.broadcast %broadcast_in_dim3A_7 : f32 to vector<16xf32>
    %swap3A_9 = arith.constant 16 : index
    %swap3A_10 = tpu.vector_load %arg7[%swap3A_9] {strides = array<i32>} : memref<640xf32, #tpu.memory_space<vmem>>, vector<16xf32>,
    %swap3A_11 = vector.shape_cast %swap3A_10 : vector<16xf32> to vector<16xf32>
    %swap3A_12 = vector.shape_cast %broadcast_in_dim3A_8 : vector<16xf32> to vector<16xf32>
    tpu.vector_store %arg7[%swap3A_9], %swap3A_12 {strides = array<i32>} : memref<640xf32, #tpu.memory_space<vmem>>, vector<16xf32>,
    %broadcast_in_dim3A_13 = arith.constant 0.000000e+00 : f32
    %broadcast_in_dim3A_14 = vector.broadcast %broadcast_in_dim3A_13 : f32 to vector<16xf32>
    %swap3A_15 = arith.constant 32 : index
    %swap3A_16 = tpu.vector_load %arg7[%swap3A_15] {strides = array<i32>} : memref<640xf32, #tpu.memory_space<vmem>>, vector<16xf32>,
    %swap3A_17 = vector.shape_cast %swap3A_16 : vector<16xf32> to vector<16xf32>
    %swap3A_18 = vector.shape_cast %broadcast_in_dim3A_14 : vector<16xf32> to vector<16xf32>
    tpu.vector_store %arg7[%swap3A_15], %swap3A_18 {strides = array<i32>} : memref<640xf32, #tpu.memory_space<vmem>>, vector<16xf32>,
    %broadcast_in_dim3A_19 = arith.constant 0.000000e+00 : f32
    %broadcast_in_dim3A_20 = vector.broadcast %broadcast_in_dim3A_19 : f32 to vector<16xf32>
    %swap3A_21 = arith.constant 48 : index
    %swap3A_22 = tpu.vector_load %arg7[%swap3A_21] {strides = array<i32>} : memref<640xf32, #tpu.memory_space<vmem>>, vector<16xf32>,
    %swap3A_23 = vector.shape_cast %swap3A_22 : vector<16xf32> to vector<16xf32>
    %swap3A_24 = vector.shape_cast %broadcast_in_dim3A_20 : vector<16xf32> to vector<16xf32>
    tpu.vector_store %arg7[%swap3A_21], %swap3A_24 {strides = array<i32>} : memref<640xf32, #tpu.memory_space<vmem>>, vector<16xf32>,
    %broadcast_in_dim3A_25 = arith.constant 0.000000e+00 : f32
    %broadcast_in_dim3A_26 = vector.broadcast %broadcast_in_dim3A_25 : f32 to vector<16xf32>
    %swap3A_27 = arith.constant 64 : index
    %swap3A_28 = tpu.vector_load %arg7[%swap3A_27] {strides = array<i32>} : memref<640xf32, #tpu.memory_space<vmem>>, vector<16xf32>,
    %swap3A_29 = vector.shape_cast %swap3A_28 : vector<16xf32> to vector<16xf32>
    %swap3A_30 = vector.shape_cast %broadcast_in_dim3A_26 : vector<16xf32> to vector<16xf32>
    tpu.vector_store %arg7[%swap3A_27], %swap3A_30 {strides = array<i32>} : memref<640xf32, #tpu.memory_space<vmem>>, vector<16xf32>,
    %broadcast_in_dim3A_31 = arith.constant 0.000000e+00 : f32
    %broadcast_in_dim3A_32 = vector.broadcast %broadcast_in_dim3A_31 : f32 to vector<16xf32>
    %swap3A_33 = arith.constant 80 : index
    %swap3A_34 = tpu.vector_load %arg7[%swap3A_33] {strides = array<i32>} : memref<640xf32, #tpu.memory_space<vmem>>, vector<16xf32>,
    %swap3A_35 = vector.shape_cast %swap3A_34 : vector<16xf32> to vector<16xf32>
    %swap3A_36 = vector.shape_cast %broadcast_in_dim3A_32 : vector<16xf32> to vector<16xf32>
    tpu.vector_store %arg7[%swap3A_33], %swap3A_36 {strides = array<i32>} : memref<640xf32, #tpu.memory_space<vmem>>, vector<16xf32>,
    %broadcast_in_dim3A_37 = arith.constant 0.000000e+00 : f32
    %broadcast_in_dim3A_38 = vector.broadcast %broadcast_in_dim3A_37 : f32 to vector<16xf32>
    %swap3A_39 = arith.constant 96 : index
    %swap3A_40 = tpu.vector_load %arg7[%swap3A_39] {strides = array<i32>} : memref<640xf32, #tpu.memory_space<vmem>>, vector<16xf32>,
    %swap3A_41 = vector.shape_cast %swap3A_40 : vector<16xf32> to vector<16xf32>
    %swap3A_42 = vector.shape_cast %broadcast_in_dim3A_38 : vector<16xf32> to vector<16xf32>
    tpu.vector_store %arg7[%swap3A_39], %swap3A_42 {strides = array<i32>} : memref<640xf32, #tpu.memory_space<vmem>>, vector<16xf32>,
    %broadcast_in_dim3A_43 = arith.constant 0.000000e+00 : f32
    %broadcast_in_dim3A_44 = vector.broadcast %broadcast_in_dim3A_43 : f32 to vector<16xf32>
    %swap3A_45 = arith.constant 112 : index
    %swap3A_46 = tpu.vector_load %arg7[%swap3A_45] {strides = array<i32>} : memref<640xf32, #tpu.memory_space<vmem>>, vector<16xf32>,
    %swap3A_47 = vector.shape_cast %swap3A_46 : vector<16xf32> to vector<16xf32>
    %swap3A_48 = vector.shape_cast %broadcast_in_dim3A_44 : vector<16xf32> to vector<16xf32>
    tpu.vector_store %arg7[%swap3A_45], %swap3A_48 {strides = array<i32>} : memref<640xf32, #tpu.memory_space<vmem>>, vector<16xf32>,
    %broadcast_in_dim3A_49 = arith.constant 0.000000e+00 : f32
    %broadcast_in_dim3A_50 = vector.broadcast %broadcast_in_dim3A_49 : f32 to vector<16xf32>
    %swap3A_51 = arith.constant 128 : index
    %swap3A_52 = tpu.vector_load %arg7[%swap3A_51] {strides = array<i32>} : memref<640xf32, #tpu.memory_space<vmem>>, vector<16xf32>,
    %swap3A_53 = vector.shape_cast %swap3A_52 : vector<16xf32> to vector<16xf32>
    %swap3A_54 = vector.shape_cast %broadcast_in_dim3A_50 : vector<16xf32> to vector<16xf32>
    tpu.vector_store %arg7[%swap3A_51], %swap3A_54 {strides = array<i32>} : memref<640xf32, #tpu.memory_space<vmem>>, vector<16xf32>,
    %broadcast_in_dim3A_55 = arith.constant 0.000000e+00 : f32
    %broadcast_in_dim3A_56 = vector.broadcast %broadcast_in_dim3A_55 : f32 to vector<16xf32>
    %swap3A_57 = arith.constant 144 : index
    %swap3A_58 = tpu.vector_load %arg7[%swap3A_57] {strides = array<i32>} : memref<640xf32, #tpu.memory_space<vmem>>, vector<16xf32>,
    %swap3A_59 = vector.shape_cast %swap3A_58 : vector<16xf32> to vector<16xf32>
    %swap3A_60 = vector.shape_cast %broadcast_in_dim3A_56 : vector<16xf32> to vector<16xf32>
    tpu.vector_store %arg7[%swap3A_57], %swap3A_60 {strides = array<i32>} : memref<640xf32, #tpu.memory_space<vmem>>, vector<16xf32>,
    %broadcast_in_dim3A_61 = arith.constant 0.000000e+00 : f32
    %broadcast_in_dim3A_62 = vector.broadcast %broadcast_in_dim3A_61 : f32 to vector<16xf32>
    %swap3A_63 = arith.constant 160 : index
    %swap3A_64 = tpu.vector_load %arg7[%swap3A_63] {strides = array<i32>} : memref<640xf32, #tpu.memory_space<vmem>>, vector<16xf32>,
    %swap3A_65 = vector.shape_cast %swap3A_64 : vector<16xf32> to vector<16xf32>
    %swap3A_66 = vector.shape_cast %broadcast_in_dim3A_62 : vector<16xf32> to vector<16xf32>
    tpu.vector_store %arg7[%swap3A_63], %swap3A_66 {strides = array<i32>} : memref<640xf32, #tpu.memory_space<vmem>>, vector<16xf32>,
    %broadcast_in_dim3A_67 = arith.constant 0.000000e+00 : f32
    %broadcast_in_dim3A_68 = vector.broadcast %broadcast_in_dim3A_67 : f32 to vector<16xf32>
    %swap3A_69 = arith.constant 176 : index
    %swap3A_70 = tpu.vector_load %arg7[%swap3A_69] {strides = array<i32>} : memref<640xf32, #tpu.memory_space<vmem>>, vector<16xf32>,
    %swap3A_71 = vector.shape_cast %swap3A_70 : vector<16xf32> to vector<16xf32>
    %swap3A_72 = vector.shape_cast %broadcast_in_dim3A_68 : vector<16xf32> to vector<16xf32>
    tpu.vector_store %arg7[%swap3A_69], %swap3A_72 {strides = array<i32>} : memref<640xf32, #tpu.memory_space<vmem>>, vector<16xf32>,
    %broadcast_in_dim3A_73 = arith.constant 0.000000e+00 : f32
    %broadcast_in_dim3A_74 = vector.broadcast %broadcast_in_dim3A_73 : f32 to vector<16xf32>
    %swap3A_75 = arith.constant 192 : index
    %swap3A_76 = tpu.vector_load %arg7[%swap3A_75] {strides = array<i32>} : memref<640xf32, #tpu.memory_space<vmem>>, vector<16xf32>,
    %swap3A_77 = vector.shape_cast %swap3A_76 : vector<16xf32> to vector<16xf32>
    %swap3A_78 = vector.shape_cast %broadcast_in_dim3A_74 : vector<16xf32> to vector<16xf32>
    tpu.vector_store %arg7[%swap3A_75], %swap3A_78 {strides = array<i32>} : memref<640xf32, #tpu.memory_space<vmem>>, vector<16xf32>,
    %broadcast_in_dim3A_79 = arith.constant 0.000000e+00 : f32
    %broadcast_in_dim3A_80 = vector.broadcast %broadcast_in_dim3A_79 : f32 to vector<16xf32>
    %swap3A_81 = arith.constant 208 : index
    %swap3A_82 = tpu.vector_load %arg7[%swap3A_81] {strides = array<i32>} : memref<640xf32, #tpu.memory_space<vmem>>, vector<16xf32>,
    %swap3A_83 = vector.shape_cast %swap3A_82 : vector<16xf32> to vector<16xf32>
    %swap3A_84 = vector.shape_cast %broadcast_in_dim3A_80 : vector<16xf32> to vector<16xf32>
    tpu.vector_store %arg7[%swap3A_81], %swap3A_84 {strides = array<i32>} : memref<640xf32, #tpu.memory_space<vmem>>, vector<16xf32>,
    %broadcast_in_dim3A_85 = arith.constant 0.000000e+00 : f32
    %broadcast_in_dim3A_86 = vector.broadcast %broadcast_in_dim3A_85 : f32 to vector<16xf32>
    %swap3A_87 = arith.constant 224 : index
    %swap3A_88 = tpu.vector_load %arg7[%swap3A_87] {strides = array<i32>} : memref<640xf32, #tpu.memory_space<vmem>>, vector<16xf32>,
    %swap3A_89 = vector.shape_cast %swap3A_88 : vector<16xf32> to vector<16xf32>
    %swap3A_90 = vector.shape_cast %broadcast_in_dim3A_86 : vector<16xf32> to vector<16xf32>
    tpu.vector_store %arg7[%swap3A_87], %swap3A_90 {strides = array<i32>} : memref<640xf32, #tpu.memory_space<vmem>>, vector<16xf32>,
    %broadcast_in_dim3A_91 = arith.constant 0.000000e+00 : f32
    %broadcast_in_dim3A_92 = vector.broadcast %broadcast_in_dim3A_91 : f32 to vector<16xf32>
    %swap3A_93 = arith.constant 240 : index
    %swap3A_94 = tpu.vector_load %arg7[%swap3A_93] {strides = array<i32>} : memref<640xf32, #tpu.memory_space<vmem>>, vector<16xf32>,
    %swap3A_95 = vector.shape_cast %swap3A_94 : vector<16xf32> to vector<16xf32>
    %swap3A_96 = vector.shape_cast %broadcast_in_dim3A_92 : vector<16xf32> to vector<16xf32>
    tpu.vector_store %arg7[%swap3A_93], %swap3A_96 {strides = array<i32>} : memref<640xf32, #tpu.memory_space<vmem>>, vector<16xf32>,
    %broadcast_in_dim3A_97 = arith.constant 0.000000e+00 : f32
    %broadcast_in_dim3A_98 = vector.broadcast %broadcast_in_dim3A_97 : f32 to vector<16xf32>
    %swap3A_99 = arith.constant 256 : index
    %swap3A_100 = tpu.vector_load %arg7[%swap3A_99] {strides = array<i32>} : memref<640xf32, #tpu.memory_space<vmem>>, vector<16xf32>,
    %swap3A_101 = vector.shape_cast %swap3A_100 : vector<16xf32> to vector<16xf32>
    %swap3A_102 = vector.shape_cast %broadcast_in_dim3A_98 : vector<16xf32> to vector<16xf32>
    tpu.vector_store %arg7[%swap3A_99], %swap3A_102 {strides = array<i32>} : memref<640xf32, #tpu.memory_space<vmem>>, vector<16xf32>,
    %broadcast_in_dim3A_103 = arith.constant 0.000000e+00 : f32
    %broadcast_in_dim3A_104 = vector.broadcast %broadcast_in_dim3A_103 : f32 to vector<16xf32>
    %swap3A_105 = arith.constant 272 : index
    %swap3A_106 = tpu.vector_load %arg7[%swap3A_105] {strides = array<i32>} : memref<640xf32, #tpu.memory_space<vmem>>, vector<16xf32>,
    %swap3A_107 = vector.shape_cast %swap3A_106 : vector<16xf32> to vector<16xf32>
    %swap3A_108 = vector.shape_cast %broadcast_in_dim3A_104 : vector<16xf32> to vector<16xf32>
    tpu.vector_store %arg7[%swap3A_105], %swap3A_108 {strides = array<i32>} : memref<640xf32, #tpu.memory_space<vmem>>, vector<16xf32>,
    %broadcast_in_dim3A_109 = arith.constant 0.000000e+00 : f32
    %broadcast_in_dim3A_110 = vector.broadcast %broadcast_in_dim3A_109 : f32 to vector<16xf32>
    %swap3A_111 = arith.constant 288 : index
    %swap3A_112 = tpu.vector_load %arg7[%swap3A_111] {strides = array<i32>} : memref<640xf32, #tpu.memory_space<vmem>>, vector<16xf32>,
    %swap3A_113 = vector.shape_cast %swap3A_112 : vector<16xf32> to vector<16xf32>
    %swap3A_114 = vector.shape_cast %broadcast_in_dim3A_110 : vector<16xf32> to vector<16xf32>
    tpu.vector_store %arg7[%swap3A_111], %swap3A_114 {strides = array<i32>} : memref<640xf32, #tpu.memory_space<vmem>>, vector<16xf32>,
    %broadcast_in_dim3A_115 = arith.constant 0.000000e+00 : f32
    %broadcast_in_dim3A_116 = vector.broadcast %broadcast_in_dim3A_115 : f32 to vector<16xf32>
    %swap3A_117 = arith.constant 304 : index
    %swap3A_118 = tpu.vector_load %arg7[%swap3A_117] {strides = array<i32>} : memref<640xf32, #tpu.memory_space<vmem>>, vector<16xf32>,
    %swap3A_119 = vector.shape_cast %swap3A_118 : vector<16xf32> to vector<16xf32>
    %swap3A_120 = vector.shape_cast %broadcast_in_dim3A_116 : vector<16xf32> to vector<16xf32>
    tpu.vector_store %arg7[%swap3A_117], %swap3A_120 {strides = array<i32>} : memref<640xf32, #tpu.memory_space<vmem>>, vector<16xf32>,
    %broadcast_in_dim3A_121 = arith.constant 0.000000e+00 : f32
    %broadcast_in_dim3A_122 = vector.broadcast %broadcast_in_dim3A_121 : f32 to vector<16xf32>
    %swap3A_123 = arith.constant 320 : index
    %swap3A_124 = tpu.vector_load %arg7[%swap3A_123] {strides = array<i32>} : memref<640xf32, #tpu.memory_space<vmem>>, vector<16xf32>,
    %swap3A_125 = vector.shape_cast %swap3A_124 : vector<16xf32> to vector<16xf32>
    %swap3A_126 = vector.shape_cast %broadcast_in_dim3A_122 : vector<16xf32> to vector<16xf32>
    tpu.vector_store %arg7[%swap3A_123], %swap3A_126 {strides = array<i32>} : memref<640xf32, #tpu.memory_space<vmem>>, vector<16xf32>,
    %broadcast_in_dim3A_127 = arith.constant 0.000000e+00 : f32
    %broadcast_in_dim3A_128 = vector.broadcast %broadcast_in_dim3A_127 : f32 to vector<16xf32>
    %swap3A_129 = arith.constant 336 : index
    %swap3A_130 = tpu.vector_load %arg7[%swap3A_129] {strides = array<i32>} : memref<640xf32, #tpu.memory_space<vmem>>, vector<16xf32>,
    %swap3A_131 = vector.shape_cast %swap3A_130 : vector<16xf32> to vector<16xf32>
    %swap3A_132 = vector.shape_cast %broadcast_in_dim3A_128 : vector<16xf32> to vector<16xf32>
    tpu.vector_store %arg7[%swap3A_129], %swap3A_132 {strides = array<i32>} : memref<640xf32, #tpu.memory_space<vmem>>, vector<16xf32>,
    %broadcast_in_dim3A_133 = arith.constant 0.000000e+00 : f32
    %broadcast_in_dim3A_134 = vector.broadcast %broadcast_in_dim3A_133 : f32 to vector<16xf32>
    %swap3A_135 = arith.constant 352 : index
    %swap3A_136 = tpu.vector_load %arg7[%swap3A_135] {strides = array<i32>} : memref<640xf32, #tpu.memory_space<vmem>>, vector<16xf32>,
    %swap3A_137 = vector.shape_cast %swap3A_136 : vector<16xf32> to vector<16xf32>
    %swap3A_138 = vector.shape_cast %broadcast_in_dim3A_134 : vector<16xf32> to vector<16xf32>
    tpu.vector_store %arg7[%swap3A_135], %swap3A_138 {strides = array<i32>} : memref<640xf32, #tpu.memory_space<vmem>>, vector<16xf32>,
    %broadcast_in_dim3A_139 = arith.constant 0.000000e+00 : f32
    %broadcast_in_dim3A_140 = vector.broadcast %broadcast_in_dim3A_139 : f32 to vector<16xf32>
    %swap3A_141 = arith.constant 368 : index
    %swap3A_142 = tpu.vector_load %arg7[%swap3A_141] {strides = array<i32>} : memref<640xf32, #tpu.memory_space<vmem>>, vector<16xf32>,
    %swap3A_143 = vector.shape_cast %swap3A_142 : vector<16xf32> to vector<16xf32>
    %swap3A_144 = vector.shape_cast %broadcast_in_dim3A_140 : vector<16xf32> to vector<16xf32>
    tpu.vector_store %arg7[%swap3A_141], %swap3A_144 {strides = array<i32>} : memref<640xf32, #tpu.memory_space<vmem>>, vector<16xf32>,
    %broadcast_in_dim3A_145 = arith.constant 0.000000e+00 : f32
    %broadcast_in_dim3A_146 = vector.broadcast %broadcast_in_dim3A_145 : f32 to vector<16xf32>
    %swap3A_147 = arith.constant 384 : index
    %swap3A_148 = tpu.vector_load %arg7[%swap3A_147] {strides = array<i32>} : memref<640xf32, #tpu.memory_space<vmem>>, vector<16xf32>,
    %swap3A_149 = vector.shape_cast %swap3A_148 : vector<16xf32> to vector<16xf32>
    %swap3A_150 = vector.shape_cast %broadcast_in_dim3A_146 : vector<16xf32> to vector<16xf32>
    tpu.vector_store %arg7[%swap3A_147], %swap3A_150 {strides = array<i32>} : memref<640xf32, #tpu.memory_space<vmem>>, vector<16xf32>,
    %broadcast_in_dim3A_151 = arith.constant 0.000000e+00 : f32
    %broadcast_in_dim3A_152 = vector.broadcast %broadcast_in_dim3A_151 : f32 to vector<16xf32>
    %swap3A_153 = arith.constant 400 : index
    %swap3A_154 = tpu.vector_load %arg7[%swap3A_153] {strides = array<i32>} : memref<640xf32, #tpu.memory_space<vmem>>, vector<16xf32>,
    %swap3A_155 = vector.shape_cast %swap3A_154 : vector<16xf32> to vector<16xf32>
    %swap3A_156 = vector.shape_cast %broadcast_in_dim3A_152 : vector<16xf32> to vector<16xf32>
    tpu.vector_store %arg7[%swap3A_153], %swap3A_156 {strides = array<i32>} : memref<640xf32, #tpu.memory_space<vmem>>, vector<16xf32>,
    %broadcast_in_dim3A_157 = arith.constant 0.000000e+00 : f32
    %broadcast_in_dim3A_158 = vector.broadcast %broadcast_in_dim3A_157 : f32 to vector<16xf32>
    %swap3A_159 = arith.constant 416 : index
    %swap3A_160 = tpu.vector_load %arg7[%swap3A_159] {strides = array<i32>} : memref<640xf32, #tpu.memory_space<vmem>>, vector<16xf32>,
    %swap3A_161 = vector.shape_cast %swap3A_160 : vector<16xf32> to vector<16xf32>
    %swap3A_162 = vector.shape_cast %broadcast_in_dim3A_158 : vector<16xf32> to vector<16xf32>
    tpu.vector_store %arg7[%swap3A_159], %swap3A_162 {strides = array<i32>} : memref<640xf32, #tpu.memory_space<vmem>>, vector<16xf32>,
    %broadcast_in_dim3A_163 = arith.constant 0.000000e+00 : f32
    %broadcast_in_dim3A_164 = vector.broadcast %broadcast_in_dim3A_163 : f32 to vector<16xf32>
    %swap3A_165 = arith.constant 432 : index
    %swap3A_166 = tpu.vector_load %arg7[%swap3A_165] {strides = array<i32>} : memref<640xf32, #tpu.memory_space<vmem>>, vector<16xf32>,
    %swap3A_167 = vector.shape_cast %swap3A_166 : vector<16xf32> to vector<16xf32>
    %swap3A_168 = vector.shape_cast %broadcast_in_dim3A_164 : vector<16xf32> to vector<16xf32>
    tpu.vector_store %arg7[%swap3A_165], %swap3A_168 {strides = array<i32>} : memref<640xf32, #tpu.memory_space<vmem>>, vector<16xf32>,
    %broadcast_in_dim3A_169 = arith.constant 0.000000e+00 : f32
    %broadcast_in_dim3A_170 = vector.broadcast %broadcast_in_dim3A_169 : f32 to vector<16xf32>
    %swap3A_171 = arith.constant 448 : index
    %swap3A_172 = tpu.vector_load %arg7[%swap3A_171] {strides = array<i32>} : memref<640xf32, #tpu.memory_space<vmem>>, vector<16xf32>,
    %swap3A_173 = vector.shape_cast %swap3A_172 : vector<16xf32> to vector<16xf32>
    %swap3A_174 = vector.shape_cast %broadcast_in_dim3A_170 : vector<16xf32> to vector<16xf32>
    tpu.vector_store %arg7[%swap3A_171], %swap3A_174 {strides = array<i32>} : memref<640xf32, #tpu.memory_space<vmem>>, vector<16xf32>,
    %broadcast_in_dim3A_175 = arith.constant 0.000000e+00 : f32
    %broadcast_in_dim3A_176 = vector.broadcast %broadcast_in_dim3A_175 : f32 to vector<16xf32>
    %swap3A_177 = arith.constant 464 : index
    %swap3A_178 = tpu.vector_load %arg7[%swap3A_177] {strides = array<i32>} : memref<640xf32, #tpu.memory_space<vmem>>, vector<16xf32>,
    %swap3A_179 = vector.shape_cast %swap3A_178 : vector<16xf32> to vector<16xf32>
    %swap3A_180 = vector.shape_cast %broadcast_in_dim3A_176 : vector<16xf32> to vector<16xf32>
    tpu.vector_store %arg7[%swap3A_177], %swap3A_180 {strides = array<i32>} : memref<640xf32, #tpu.memory_space<vmem>>, vector<16xf32>,
    %broadcast_in_dim3A_181 = arith.constant 0.000000e+00 : f32
    %broadcast_in_dim3A_182 = vector.broadcast %broadcast_in_dim3A_181 : f32 to vector<16xf32>
    %swap3A_183 = arith.constant 480 : index
    %swap3A_184 = tpu.vector_load %arg7[%swap3A_183] {strides = array<i32>} : memref<640xf32, #tpu.memory_space<vmem>>, vector<16xf32>,
    %swap3A_185 = vector.shape_cast %swap3A_184 : vector<16xf32> to vector<16xf32>
    %swap3A_186 = vector.shape_cast %broadcast_in_dim3A_182 : vector<16xf32> to vector<16xf32>
    tpu.vector_store %arg7[%swap3A_183], %swap3A_186 {strides = array<i32>} : memref<640xf32, #tpu.memory_space<vmem>>, vector<16xf32>,
    %broadcast_in_dim3A_187 = arith.constant 0.000000e+00 : f32
    %broadcast_in_dim3A_188 = vector.broadcast %broadcast_in_dim3A_187 : f32 to vector<16xf32>
    %swap3A_189 = arith.constant 496 : index
    %swap3A_190 = tpu.vector_load %arg7[%swap3A_189] {strides = array<i32>} : memref<640xf32, #tpu.memory_space<vmem>>, vector<16xf32>,
    %swap3A_191 = vector.shape_cast %swap3A_190 : vector<16xf32> to vector<16xf32>
    %swap3A_192 = vector.shape_cast %broadcast_in_dim3A_188 : vector<16xf32> to vector<16xf32>
    tpu.vector_store %arg7[%swap3A_189], %swap3A_192 {strides = array<i32>} : memref<640xf32, #tpu.memory_space<vmem>>, vector<16xf32>,
    %broadcast_in_dim3A_193 = arith.constant 0.000000e+00 : f32
    %broadcast_in_dim3A_194 = vector.broadcast %broadcast_in_dim3A_193 : f32 to vector<16xf32>
    %swap3A_195 = arith.constant 512 : index
    %swap3A_196 = tpu.vector_load %arg7[%swap3A_195] {strides = array<i32>} : memref<640xf32, #tpu.memory_space<vmem>>, vector<16xf32>,
    %swap3A_197 = vector.shape_cast %swap3A_196 : vector<16xf32> to vector<16xf32>
    %swap3A_198 = vector.shape_cast %broadcast_in_dim3A_194 : vector<16xf32> to vector<16xf32>
    tpu.vector_store %arg7[%swap3A_195], %swap3A_198 {strides = array<i32>} : memref<640xf32, #tpu.memory_space<vmem>>, vector<16xf32>,
    %broadcast_in_dim3A_199 = arith.constant 0.000000e+00 : f32
    %broadcast_in_dim3A_200 = vector.broadcast %broadcast_in_dim3A_199 : f32 to vector<16xf32>
    %swap3A_201 = arith.constant 528 : index
    %swap3A_202 = tpu.vector_load %arg7[%swap3A_201] {strides = array<i32>} : memref<640xf32, #tpu.memory_space<vmem>>, vector<16xf32>,
    %swap3A_203 = vector.shape_cast %swap3A_202 : vector<16xf32> to vector<16xf32>
    %swap3A_204 = vector.shape_cast %broadcast_in_dim3A_200 : vector<16xf32> to vector<16xf32>
    tpu.vector_store %arg7[%swap3A_201], %swap3A_204 {strides = array<i32>} : memref<640xf32, #tpu.memory_space<vmem>>, vector<16xf32>,
    %broadcast_in_dim3A_205 = arith.constant 0.000000e+00 : f32
    %broadcast_in_dim3A_206 = vector.broadcast %broadcast_in_dim3A_205 : f32 to vector<16xf32>
    %swap3A_207 = arith.constant 544 : index
    %swap3A_208 = tpu.vector_load %arg7[%swap3A_207] {strides = array<i32>} : memref<640xf32, #tpu.memory_space<vmem>>, vector<16xf32>,
    %swap3A_209 = vector.shape_cast %swap3A_208 : vector<16xf32> to vector<16xf32>
    %swap3A_210 = vector.shape_cast %broadcast_in_dim3A_206 : vector<16xf32> to vector<16xf32>
    tpu.vector_store %arg7[%swap3A_207], %swap3A_210 {strides = array<i32>} : memref<640xf32, #tpu.memory_space<vmem>>, vector<16xf32>,
    %broadcast_in_dim3A_211 = arith.constant 0.000000e+00 : f32
    %broadcast_in_dim3A_212 = vector.broadcast %broadcast_in_dim3A_211 : f32 to vector<16xf32>
    %swap3A_213 = arith.constant 560 : index
    %swap3A_214 = tpu.vector_load %arg7[%swap3A_213] {strides = array<i32>} : memref<640xf32, #tpu.memory_space<vmem>>, vector<16xf32>,
    %swap3A_215 = vector.shape_cast %swap3A_214 : vector<16xf32> to vector<16xf32>
    %swap3A_216 = vector.shape_cast %broadcast_in_dim3A_212 : vector<16xf32> to vector<16xf32>
    tpu.vector_store %arg7[%swap3A_213], %swap3A_216 {strides = array<i32>} : memref<640xf32, #tpu.memory_space<vmem>>, vector<16xf32>,
    %broadcast_in_dim3A_217 = arith.constant 0.000000e+00 : f32
    %broadcast_in_dim3A_218 = vector.broadcast %broadcast_in_dim3A_217 : f32 to vector<16xf32>
    %swap3A_219 = arith.constant 576 : index
    %swap3A_220 = tpu.vector_load %arg7[%swap3A_219] {strides = array<i32>} : memref<640xf32, #tpu.memory_space<vmem>>, vector<16xf32>,
    %swap3A_221 = vector.shape_cast %swap3A_220 : vector<16xf32> to vector<16xf32>
    %swap3A_222 = vector.shape_cast %broadcast_in_dim3A_218 : vector<16xf32> to vector<16xf32>
    tpu.vector_store %arg7[%swap3A_219], %swap3A_222 {strides = array<i32>} : memref<640xf32, #tpu.memory_space<vmem>>, vector<16xf32>,
    %broadcast_in_dim3A_223 = arith.constant 0.000000e+00 : f32
    %broadcast_in_dim3A_224 = vector.broadcast %broadcast_in_dim3A_223 : f32 to vector<16xf32>
    %swap3A_225 = arith.constant 592 : index
    %swap3A_226 = tpu.vector_load %arg7[%swap3A_225] {strides = array<i32>} : memref<640xf32, #tpu.memory_space<vmem>>, vector<16xf32>,
    %swap3A_227 = vector.shape_cast %swap3A_226 : vector<16xf32> to vector<16xf32>
    %swap3A_228 = vector.shape_cast %broadcast_in_dim3A_224 : vector<16xf32> to vector<16xf32>
    tpu.vector_store %arg7[%swap3A_225], %swap3A_228 {strides = array<i32>} : memref<640xf32, #tpu.memory_space<vmem>>, vector<16xf32>,
    %broadcast_in_dim3A_229 = arith.constant 0.000000e+00 : f32
    %broadcast_in_dim3A_230 = vector.broadcast %broadcast_in_dim3A_229 : f32 to vector<16xf32>
    %swap3A_231 = arith.constant 608 : index
    %swap3A_232 = tpu.vector_load %arg7[%swap3A_231] {strides = array<i32>} : memref<640xf32, #tpu.memory_space<vmem>>, vector<16xf32>,
    %swap3A_233 = vector.shape_cast %swap3A_232 : vector<16xf32> to vector<16xf32>
    %swap3A_234 = vector.shape_cast %broadcast_in_dim3A_230 : vector<16xf32> to vector<16xf32>
    tpu.vector_store %arg7[%swap3A_231], %swap3A_234 {strides = array<i32>} : memref<640xf32, #tpu.memory_space<vmem>>, vector<16xf32>,
    %broadcast_in_dim3A_235 = arith.constant 0.000000e+00 : f32
    %broadcast_in_dim3A_236 = vector.broadcast %broadcast_in_dim3A_235 : f32 to vector<16xf32>
    %swap3A_237 = arith.constant 624 : index
    %swap3A_238 = tpu.vector_load %arg7[%swap3A_237] {strides = array<i32>} : memref<640xf32, #tpu.memory_space<vmem>>, vector<16xf32>,
    %swap3A_239 = vector.shape_cast %swap3A_238 : vector<16xf32> to vector<16xf32>
    %swap3A_240 = vector.shape_cast %broadcast_in_dim3A_236 : vector<16xf32> to vector<16xf32>
    tpu.vector_store %arg7[%swap3A_237], %swap3A_240 {strides = array<i32>} : memref<640xf32, #tpu.memory_space<vmem>>, vector<16xf32>,
    %mul3A_241 = arith.constant 640 : i32
    %mul3A_242 = arith.muli %arg1, %mul3A_241 : i32
    "tpu.region"() ({
      %run_scoped3A_362 = tpu.sem_alloc : memref<!tpu.dma_semaphore, #tpu.memory_space<semaphore_mem>>
      %dma_start3A = tpu.memref_slice %arg9[%mul3A_242] : memref<10240xf32, #tpu.memory_space<vmem_shared>> -> memref<640xf32, #tpu.memory_space<vmem_shared>>
      %dma_start3A_363 = tpu.memref_slice %arg9[%mul3A_242] : memref<10240xf32, #tpu.memory_space<vmem_shared>> -> memref<640xf32, #tpu.memory_space<vmem_shared>>
      tpu.enqueue_dma source(%arg7 : memref<640xf32, #tpu.memory_space<vmem>>) target(%dma_start3A_363 : memref<640xf32, #tpu.memory_space<vmem_shared>>) target_semaphore(%run_scoped3A_362 : memref<!tpu.dma_semaphore, #tpu.memory_space<semaphore_mem>>)
      %dma_wait3A_364 = tpu.memref_slice %arg9[%mul3A_242] : memref<10240xf32, #tpu.memory_space<vmem_shared>> -> memref<640xf32, #tpu.memory_space<vmem_shared>>
      %dma_wait3A_365 = tpu.memref_slice %arg9[%mul3A_242] : memref<10240xf32, #tpu.memory_space<vmem_shared>> -> memref<640xf32, #tpu.memory_space<vmem_shared>>
      tpu.wait_dma2 semaphore(%run_scoped3A_362 : memref<!tpu.dma_semaphore, #tpu.memory_space<semaphore_mem>>) src(%arg7 : memref<640xf32, #tpu.memory_space<vmem>>) dst(%dma_wait3A_365 : memref<640xf32, #tpu.memory_space<vmem_shared>>)
      tpu.yield
    }) : () -> ()
    %scan3A = arith.constant 0 : i32
    %scan3A_243 = arith.constant 0 : i32
    %scan3A_244 = arith.constant 80 : i32
    %scan3A_245 = arith.addi %scan3A_243, %scan3A_244 : i32
    %scan3A_246 = arith.constant 1 : i32
    scf.for %scan3A_362 = %scan3A_243 to %scan3A_245 step %scan3A_246  : i32 {
      %get3A = arith.index_cast %scan3A_362 : i32 to index
      %get3A_363 = arith.constant 0 : index
      %get3A_364 = tpu.vector_load %arg4[%get3A, %get3A_363] {strides = array<i32>} : memref<80x128xi32, #tpu.memory_space<vmem>>, vector<1x16xi32>,
      %get3A_365 = vector.shape_cast %get3A_364 : vector<1x16xi32> to vector<16xi32>
      %shift_right_logical3A = arith.constant 14 : i32
      %shift_right_logical3A_366 = vector.broadcast %shift_right_logical3A : i32 to vector<16xi32>
      %shift_right_logical3A_367 = arith.shrui %get3A_365, %shift_right_logical3A_366 : vector<16xi32>
      %and3A = arith.constant 16383 : i32
      %and3A_368 = vector.broadcast %and3A : i32 to vector<16xi32>
      %and3A_369 = arith.andi %get3A_365, %and3A_368 : vector<16xi32>
      %swap3A_370 = arith.index_cast %scan3A_362 : i32 to index
      %swap3A_371 = arith.constant 0 : index
      %swap3A_372 = tpu.vector_load %arg5[%swap3A_370, %swap3A_371] {strides = array<i32>} : memref<80x128xi32, #tpu.memory_space<vmem>>, vector<1x16xi32>,
      %swap3A_373 = vector.shape_cast %swap3A_372 : vector<1x16xi32> to vector<16xi32>
      %swap3A_374 = vector.shape_cast %and3A_369 : vector<16xi32> to vector<1x16xi32>
      tpu.vector_store %arg5[%swap3A_370, %swap3A_371], %swap3A_374 {strides = array<i32>} : memref<80x128xi32, #tpu.memory_space<vmem>>, vector<1x16xi32>,
      %ne3A = arith.cmpi ne, %shift_right_logical3A_367, %and3A_369 : vector<16xi32>
      %broadcast_in_dim3A_375 = arith.constant 1.000000e+00 : f32
      %broadcast_in_dim3A_376 = vector.broadcast %broadcast_in_dim3A_375 : f32 to vector<16xf32>
      %broadcast_in_dim3A_377 = arith.constant 0.000000e+00 : f32
      %broadcast_in_dim3A_378 = vector.broadcast %broadcast_in_dim3A_377 : f32 to vector<16xf32>
      %select_n3A = arith.select %ne3A, %broadcast_in_dim3A_376, %broadcast_in_dim3A_378 : vector<16xi1>, vector<16xf32>
      %swap3A_379 = arith.index_cast %scan3A_362 : i32 to index
      %swap3A_380 = arith.constant 0 : index
      %swap3A_381 = tpu.vector_load %arg6[%swap3A_379, %swap3A_380] {strides = array<i32>} : memref<80x128xf32, #tpu.memory_space<vmem>>, vector<1x16xf32>,
      %swap3A_382 = vector.shape_cast %swap3A_381 : vector<1x16xf32> to vector<16xf32>
      %swap3A_383 = vector.shape_cast %select_n3A : vector<16xf32> to vector<1x16xf32>
      tpu.vector_store %arg6[%swap3A_379, %swap3A_380], %swap3A_383 {strides = array<i32>} : memref<80x128xf32, #tpu.memory_space<vmem>>, vector<1x16xf32>,
      %get3A_384 = arith.index_cast %scan3A_362 : i32 to index
      %get3A_385 = arith.constant 16 : index
      %get3A_386 = tpu.vector_load %arg4[%get3A_384, %get3A_385] {strides = array<i32>} : memref<80x128xi32, #tpu.memory_space<vmem>>, vector<1x16xi32>,
      %get3A_387 = vector.shape_cast %get3A_386 : vector<1x16xi32> to vector<16xi32>
      %shift_right_logical3A_388 = arith.constant 14 : i32
      %shift_right_logical3A_389 = vector.broadcast %shift_right_logical3A_388 : i32 to vector<16xi32>
      %shift_right_logical3A_390 = arith.shrui %get3A_387, %shift_right_logical3A_389 : vector<16xi32>
      %and3A_391 = arith.constant 16383 : i32
      %and3A_392 = vector.broadcast %and3A_391 : i32 to vector<16xi32>
      %and3A_393 = arith.andi %get3A_387, %and3A_392 : vector<16xi32>
      %swap3A_394 = arith.index_cast %scan3A_362 : i32 to index
      %swap3A_395 = arith.constant 16 : index
      %swap3A_396 = tpu.vector_load %arg5[%swap3A_394, %swap3A_395] {strides = array<i32>} : memref<80x128xi32, #tpu.memory_space<vmem>>, vector<1x16xi32>,
      %swap3A_397 = vector.shape_cast %swap3A_396 : vector<1x16xi32> to vector<16xi32>
      %swap3A_398 = vector.shape_cast %and3A_393 : vector<16xi32> to vector<1x16xi32>
      tpu.vector_store %arg5[%swap3A_394, %swap3A_395], %swap3A_398 {strides = array<i32>} : memref<80x128xi32, #tpu.memory_space<vmem>>, vector<1x16xi32>,
      %ne3A_399 = arith.cmpi ne, %shift_right_logical3A_390, %and3A_393 : vector<16xi32>
      %broadcast_in_dim3A_400 = arith.constant 1.000000e+00 : f32
      %broadcast_in_dim3A_401 = vector.broadcast %broadcast_in_dim3A_400 : f32 to vector<16xf32>
      %broadcast_in_dim3A_402 = arith.constant 0.000000e+00 : f32
      %broadcast_in_dim3A_403 = vector.broadcast %broadcast_in_dim3A_402 : f32 to vector<16xf32>
      %select_n3A_404 = arith.select %ne3A_399, %broadcast_in_dim3A_401, %broadcast_in_dim3A_403 : vector<16xi1>, vector<16xf32>
      %swap3A_405 = arith.index_cast %scan3A_362 : i32 to index
      %swap3A_406 = arith.constant 16 : index
      %swap3A_407 = tpu.vector_load %arg6[%swap3A_405, %swap3A_406] {strides = array<i32>} : memref<80x128xf32, #tpu.memory_space<vmem>>, vector<1x16xf32>,
      %swap3A_408 = vector.shape_cast %swap3A_407 : vector<1x16xf32> to vector<16xf32>
      %swap3A_409 = vector.shape_cast %select_n3A_404 : vector<16xf32> to vector<1x16xf32>
      tpu.vector_store %arg6[%swap3A_405, %swap3A_406], %swap3A_409 {strides = array<i32>} : memref<80x128xf32, #tpu.memory_space<vmem>>, vector<1x16xf32>,
      %get3A_410 = arith.index_cast %scan3A_362 : i32 to index
      %get3A_411 = arith.constant 32 : index
      %get3A_412 = tpu.vector_load %arg4[%get3A_410, %get3A_411] {strides = array<i32>} : memref<80x128xi32, #tpu.memory_space<vmem>>, vector<1x16xi32>,
      %get3A_413 = vector.shape_cast %get3A_412 : vector<1x16xi32> to vector<16xi32>
      %shift_right_logical3A_414 = arith.constant 14 : i32
      %shift_right_logical3A_415 = vector.broadcast %shift_right_logical3A_414 : i32 to vector<16xi32>
      %shift_right_logical3A_416 = arith.shrui %get3A_413, %shift_right_logical3A_415 : vector<16xi32>
      %and3A_417 = arith.constant 16383 : i32
      %and3A_418 = vector.broadcast %and3A_417 : i32 to vector<16xi32>
      %and3A_419 = arith.andi %get3A_413, %and3A_418 : vector<16xi32>
      %swap3A_420 = arith.index_cast %scan3A_362 : i32 to index
      %swap3A_421 = arith.constant 32 : index
      %swap3A_422 = tpu.vector_load %arg5[%swap3A_420, %swap3A_421] {strides = array<i32>} : memref<80x128xi32, #tpu.memory_space<vmem>>, vector<1x16xi32>,
      %swap3A_423 = vector.shape_cast %swap3A_422 : vector<1x16xi32> to vector<16xi32>
      %swap3A_424 = vector.shape_cast %and3A_419 : vector<16xi32> to vector<1x16xi32>
      tpu.vector_store %arg5[%swap3A_420, %swap3A_421], %swap3A_424 {strides = array<i32>} : memref<80x128xi32, #tpu.memory_space<vmem>>, vector<1x16xi32>,
      %ne3A_425 = arith.cmpi ne, %shift_right_logical3A_416, %and3A_419 : vector<16xi32>
      %broadcast_in_dim3A_426 = arith.constant 1.000000e+00 : f32
      %broadcast_in_dim3A_427 = vector.broadcast %broadcast_in_dim3A_426 : f32 to vector<16xf32>
      %broadcast_in_dim3A_428 = arith.constant 0.000000e+00 : f32
      %broadcast_in_dim3A_429 = vector.broadcast %broadcast_in_dim3A_428 : f32 to vector<16xf32>
      %select_n3A_430 = arith.select %ne3A_425, %broadcast_in_dim3A_427, %broadcast_in_dim3A_429 : vector<16xi1>, vector<16xf32>
      %swap3A_431 = arith.index_cast %scan3A_362 : i32 to index
      %swap3A_432 = arith.constant 32 : index
      %swap3A_433 = tpu.vector_load %arg6[%swap3A_431, %swap3A_432] {strides = array<i32>} : memref<80x128xf32, #tpu.memory_space<vmem>>, vector<1x16xf32>,
      %swap3A_434 = vector.shape_cast %swap3A_433 : vector<1x16xf32> to vector<16xf32>
      %swap3A_435 = vector.shape_cast %select_n3A_430 : vector<16xf32> to vector<1x16xf32>
      tpu.vector_store %arg6[%swap3A_431, %swap3A_432], %swap3A_435 {strides = array<i32>} : memref<80x128xf32, #tpu.memory_space<vmem>>, vector<1x16xf32>,
      %get3A_436 = arith.index_cast %scan3A_362 : i32 to index
      %get3A_437 = arith.constant 48 : index
      %get3A_438 = tpu.vector_load %arg4[%get3A_436, %get3A_437] {strides = array<i32>} : memref<80x128xi32, #tpu.memory_space<vmem>>, vector<1x16xi32>,
      %get3A_439 = vector.shape_cast %get3A_438 : vector<1x16xi32> to vector<16xi32>
      %shift_right_logical3A_440 = arith.constant 14 : i32
      %shift_right_logical3A_441 = vector.broadcast %shift_right_logical3A_440 : i32 to vector<16xi32>
      %shift_right_logical3A_442 = arith.shrui %get3A_439, %shift_right_logical3A_441 : vector<16xi32>
      %and3A_443 = arith.constant 16383 : i32
      %and3A_444 = vector.broadcast %and3A_443 : i32 to vector<16xi32>
      %and3A_445 = arith.andi %get3A_439, %and3A_444 : vector<16xi32>
      %swap3A_446 = arith.index_cast %scan3A_362 : i32 to index
      %swap3A_447 = arith.constant 48 : index
      %swap3A_448 = tpu.vector_load %arg5[%swap3A_446, %swap3A_447] {strides = array<i32>} : memref<80x128xi32, #tpu.memory_space<vmem>>, vector<1x16xi32>,
      %swap3A_449 = vector.shape_cast %swap3A_448 : vector<1x16xi32> to vector<16xi32>
      %swap3A_450 = vector.shape_cast %and3A_445 : vector<16xi32> to vector<1x16xi32>
      tpu.vector_store %arg5[%swap3A_446, %swap3A_447], %swap3A_450 {strides = array<i32>} : memref<80x128xi32, #tpu.memory_space<vmem>>, vector<1x16xi32>,
      %ne3A_451 = arith.cmpi ne, %shift_right_logical3A_442, %and3A_445 : vector<16xi32>
      %broadcast_in_dim3A_452 = arith.constant 1.000000e+00 : f32
      %broadcast_in_dim3A_453 = vector.broadcast %broadcast_in_dim3A_452 : f32 to vector<16xf32>
      %broadcast_in_dim3A_454 = arith.constant 0.000000e+00 : f32
      %broadcast_in_dim3A_455 = vector.broadcast %broadcast_in_dim3A_454 : f32 to vector<16xf32>
      %select_n3A_456 = arith.select %ne3A_451, %broadcast_in_dim3A_453, %broadcast_in_dim3A_455 : vector<16xi1>, vector<16xf32>
      %swap3A_457 = arith.index_cast %scan3A_362 : i32 to index
      %swap3A_458 = arith.constant 48 : index
      %swap3A_459 = tpu.vector_load %arg6[%swap3A_457, %swap3A_458] {strides = array<i32>} : memref<80x128xf32, #tpu.memory_space<vmem>>, vector<1x16xf32>,
      %swap3A_460 = vector.shape_cast %swap3A_459 : vector<1x16xf32> to vector<16xf32>
      %swap3A_461 = vector.shape_cast %select_n3A_456 : vector<16xf32> to vector<1x16xf32>
      tpu.vector_store %arg6[%swap3A_457, %swap3A_458], %swap3A_461 {strides = array<i32>} : memref<80x128xf32, #tpu.memory_space<vmem>>, vector<1x16xf32>,
      %get3A_462 = arith.index_cast %scan3A_362 : i32 to index
      %get3A_463 = arith.constant 64 : index
      %get3A_464 = tpu.vector_load %arg4[%get3A_462, %get3A_463] {strides = array<i32>} : memref<80x128xi32, #tpu.memory_space<vmem>>, vector<1x16xi32>,
      %get3A_465 = vector.shape_cast %get3A_464 : vector<1x16xi32> to vector<16xi32>
      %shift_right_logical3A_466 = arith.constant 14 : i32
      %shift_right_logical3A_467 = vector.broadcast %shift_right_logical3A_466 : i32 to vector<16xi32>
      %shift_right_logical3A_468 = arith.shrui %get3A_465, %shift_right_logical3A_467 : vector<16xi32>
      %and3A_469 = arith.constant 16383 : i32
      %and3A_470 = vector.broadcast %and3A_469 : i32 to vector<16xi32>
      %and3A_471 = arith.andi %get3A_465, %and3A_470 : vector<16xi32>
      %swap3A_472 = arith.index_cast %scan3A_362 : i32 to index
      %swap3A_473 = arith.constant 64 : index
      %swap3A_474 = tpu.vector_load %arg5[%swap3A_472, %swap3A_473] {strides = array<i32>} : memref<80x128xi32, #tpu.memory_space<vmem>>, vector<1x16xi32>,
      %swap3A_475 = vector.shape_cast %swap3A_474 : vector<1x16xi32> to vector<16xi32>
      %swap3A_476 = vector.shape_cast %and3A_471 : vector<16xi32> to vector<1x16xi32>
      tpu.vector_store %arg5[%swap3A_472, %swap3A_473], %swap3A_476 {strides = array<i32>} : memref<80x128xi32, #tpu.memory_space<vmem>>, vector<1x16xi32>,
      %ne3A_477 = arith.cmpi ne, %shift_right_logical3A_468, %and3A_471 : vector<16xi32>
      %broadcast_in_dim3A_478 = arith.constant 1.000000e+00 : f32
      %broadcast_in_dim3A_479 = vector.broadcast %broadcast_in_dim3A_478 : f32 to vector<16xf32>
      %broadcast_in_dim3A_480 = arith.constant 0.000000e+00 : f32
      %broadcast_in_dim3A_481 = vector.broadcast %broadcast_in_dim3A_480 : f32 to vector<16xf32>
      %select_n3A_482 = arith.select %ne3A_477, %broadcast_in_dim3A_479, %broadcast_in_dim3A_481 : vector<16xi1>, vector<16xf32>
      %swap3A_483 = arith.index_cast %scan3A_362 : i32 to index
      %swap3A_484 = arith.constant 64 : index
      %swap3A_485 = tpu.vector_load %arg6[%swap3A_483, %swap3A_484] {strides = array<i32>} : memref<80x128xf32, #tpu.memory_space<vmem>>, vector<1x16xf32>,
      %swap3A_486 = vector.shape_cast %swap3A_485 : vector<1x16xf32> to vector<16xf32>
      %swap3A_487 = vector.shape_cast %select_n3A_482 : vector<16xf32> to vector<1x16xf32>
      tpu.vector_store %arg6[%swap3A_483, %swap3A_484], %swap3A_487 {strides = array<i32>} : memref<80x128xf32, #tpu.memory_space<vmem>>, vector<1x16xf32>,
      %get3A_488 = arith.index_cast %scan3A_362 : i32 to index
      %get3A_489 = arith.constant 80 : index
      %get3A_490 = tpu.vector_load %arg4[%get3A_488, %get3A_489] {strides = array<i32>} : memref<80x128xi32, #tpu.memory_space<vmem>>, vector<1x16xi32>,
      %get3A_491 = vector.shape_cast %get3A_490 : vector<1x16xi32> to vector<16xi32>
      %shift_right_logical3A_492 = arith.constant 14 : i32
      %shift_right_logical3A_493 = vector.broadcast %shift_right_logical3A_492 : i32 to vector<16xi32>
      %shift_right_logical3A_494 = arith.shrui %get3A_491, %shift_right_logical3A_493 : vector<16xi32>
      %and3A_495 = arith.constant 16383 : i32
      %and3A_496 = vector.broadcast %and3A_495 : i32 to vector<16xi32>
      %and3A_497 = arith.andi %get3A_491, %and3A_496 : vector<16xi32>
      %swap3A_498 = arith.index_cast %scan3A_362 : i32 to index
      %swap3A_499 = arith.constant 80 : index
      %swap3A_500 = tpu.vector_load %arg5[%swap3A_498, %swap3A_499] {strides = array<i32>} : memref<80x128xi32, #tpu.memory_space<vmem>>, vector<1x16xi32>,
      %swap3A_501 = vector.shape_cast %swap3A_500 : vector<1x16xi32> to vector<16xi32>
      %swap3A_502 = vector.shape_cast %and3A_497 : vector<16xi32> to vector<1x16xi32>
      tpu.vector_store %arg5[%swap3A_498, %swap3A_499], %swap3A_502 {strides = array<i32>} : memref<80x128xi32, #tpu.memory_space<vmem>>, vector<1x16xi32>,
      %ne3A_503 = arith.cmpi ne, %shift_right_logical3A_494, %and3A_497 : vector<16xi32>
      %broadcast_in_dim3A_504 = arith.constant 1.000000e+00 : f32
      %broadcast_in_dim3A_505 = vector.broadcast %broadcast_in_dim3A_504 : f32 to vector<16xf32>
      %broadcast_in_dim3A_506 = arith.constant 0.000000e+00 : f32
      %broadcast_in_dim3A_507 = vector.broadcast %broadcast_in_dim3A_506 : f32 to vector<16xf32>
      %select_n3A_508 = arith.select %ne3A_503, %broadcast_in_dim3A_505, %broadcast_in_dim3A_507 : vector<16xi1>, vector<16xf32>
      %swap3A_509 = arith.index_cast %scan3A_362 : i32 to index
      %swap3A_510 = arith.constant 80 : index
      %swap3A_511 = tpu.vector_load %arg6[%swap3A_509, %swap3A_510] {strides = array<i32>} : memref<80x128xf32, #tpu.memory_space<vmem>>, vector<1x16xf32>,
      %swap3A_512 = vector.shape_cast %swap3A_511 : vector<1x16xf32> to vector<16xf32>
      %swap3A_513 = vector.shape_cast %select_n3A_508 : vector<16xf32> to vector<1x16xf32>
      tpu.vector_store %arg6[%swap3A_509, %swap3A_510], %swap3A_513 {strides = array<i32>} : memref<80x128xf32, #tpu.memory_space<vmem>>, vector<1x16xf32>,
      %get3A_514 = arith.index_cast %scan3A_362 : i32 to index
      %get3A_515 = arith.constant 96 : index
      %get3A_516 = tpu.vector_load %arg4[%get3A_514, %get3A_515] {strides = array<i32>} : memref<80x128xi32, #tpu.memory_space<vmem>>, vector<1x16xi32>,
      %get3A_517 = vector.shape_cast %get3A_516 : vector<1x16xi32> to vector<16xi32>
      %shift_right_logical3A_518 = arith.constant 14 : i32
      %shift_right_logical3A_519 = vector.broadcast %shift_right_logical3A_518 : i32 to vector<16xi32>
      %shift_right_logical3A_520 = arith.shrui %get3A_517, %shift_right_logical3A_519 : vector<16xi32>
      %and3A_521 = arith.constant 16383 : i32
      %and3A_522 = vector.broadcast %and3A_521 : i32 to vector<16xi32>
      %and3A_523 = arith.andi %get3A_517, %and3A_522 : vector<16xi32>
      %swap3A_524 = arith.index_cast %scan3A_362 : i32 to index
      %swap3A_525 = arith.constant 96 : index
      %swap3A_526 = tpu.vector_load %arg5[%swap3A_524, %swap3A_525] {strides = array<i32>} : memref<80x128xi32, #tpu.memory_space<vmem>>, vector<1x16xi32>,
      %swap3A_527 = vector.shape_cast %swap3A_526 : vector<1x16xi32> to vector<16xi32>
      %swap3A_528 = vector.shape_cast %and3A_523 : vector<16xi32> to vector<1x16xi32>
      tpu.vector_store %arg5[%swap3A_524, %swap3A_525], %swap3A_528 {strides = array<i32>} : memref<80x128xi32, #tpu.memory_space<vmem>>, vector<1x16xi32>,
      %ne3A_529 = arith.cmpi ne, %shift_right_logical3A_520, %and3A_523 : vector<16xi32>
      %broadcast_in_dim3A_530 = arith.constant 1.000000e+00 : f32
      %broadcast_in_dim3A_531 = vector.broadcast %broadcast_in_dim3A_530 : f32 to vector<16xf32>
      %broadcast_in_dim3A_532 = arith.constant 0.000000e+00 : f32
      %broadcast_in_dim3A_533 = vector.broadcast %broadcast_in_dim3A_532 : f32 to vector<16xf32>
      %select_n3A_534 = arith.select %ne3A_529, %broadcast_in_dim3A_531, %broadcast_in_dim3A_533 : vector<16xi1>, vector<16xf32>
      %swap3A_535 = arith.index_cast %scan3A_362 : i32 to index
      %swap3A_536 = arith.constant 96 : index
      %swap3A_537 = tpu.vector_load %arg6[%swap3A_535, %swap3A_536] {strides = array<i32>} : memref<80x128xf32, #tpu.memory_space<vmem>>, vector<1x16xf32>,
      %swap3A_538 = vector.shape_cast %swap3A_537 : vector<1x16xf32> to vector<16xf32>
      %swap3A_539 = vector.shape_cast %select_n3A_534 : vector<16xf32> to vector<1x16xf32>
      tpu.vector_store %arg6[%swap3A_535, %swap3A_536], %swap3A_539 {strides = array<i32>} : memref<80x128xf32, #tpu.memory_space<vmem>>, vector<1x16xf32>,
      %get3A_540 = arith.index_cast %scan3A_362 : i32 to index
      %get3A_541 = arith.constant 112 : index
      %get3A_542 = tpu.vector_load %arg4[%get3A_540, %get3A_541] {strides = array<i32>} : memref<80x128xi32, #tpu.memory_space<vmem>>, vector<1x16xi32>,
      %get3A_543 = vector.shape_cast %get3A_542 : vector<1x16xi32> to vector<16xi32>
      %shift_right_logical3A_544 = arith.constant 14 : i32
      %shift_right_logical3A_545 = vector.broadcast %shift_right_logical3A_544 : i32 to vector<16xi32>
      %shift_right_logical3A_546 = arith.shrui %get3A_543, %shift_right_logical3A_545 : vector<16xi32>
      %and3A_547 = arith.constant 16383 : i32
      %and3A_548 = vector.broadcast %and3A_547 : i32 to vector<16xi32>
      %and3A_549 = arith.andi %get3A_543, %and3A_548 : vector<16xi32>
      %swap3A_550 = arith.index_cast %scan3A_362 : i32 to index
      %swap3A_551 = arith.constant 112 : index
      %swap3A_552 = tpu.vector_load %arg5[%swap3A_550, %swap3A_551] {strides = array<i32>} : memref<80x128xi32, #tpu.memory_space<vmem>>, vector<1x16xi32>,
      %swap3A_553 = vector.shape_cast %swap3A_552 : vector<1x16xi32> to vector<16xi32>
      %swap3A_554 = vector.shape_cast %and3A_549 : vector<16xi32> to vector<1x16xi32>
      tpu.vector_store %arg5[%swap3A_550, %swap3A_551], %swap3A_554 {strides = array<i32>} : memref<80x128xi32, #tpu.memory_space<vmem>>, vector<1x16xi32>,
      %ne3A_555 = arith.cmpi ne, %shift_right_logical3A_546, %and3A_549 : vector<16xi32>
      %broadcast_in_dim3A_556 = arith.constant 1.000000e+00 : f32
      %broadcast_in_dim3A_557 = vector.broadcast %broadcast_in_dim3A_556 : f32 to vector<16xf32>
      %broadcast_in_dim3A_558 = arith.constant 0.000000e+00 : f32
      %broadcast_in_dim3A_559 = vector.broadcast %broadcast_in_dim3A_558 : f32 to vector<16xf32>
      %select_n3A_560 = arith.select %ne3A_555, %broadcast_in_dim3A_557, %broadcast_in_dim3A_559 : vector<16xi1>, vector<16xf32>
      %swap3A_561 = arith.index_cast %scan3A_362 : i32 to index
      %swap3A_562 = arith.constant 112 : index
      %swap3A_563 = tpu.vector_load %arg6[%swap3A_561, %swap3A_562] {strides = array<i32>} : memref<80x128xf32, #tpu.memory_space<vmem>>, vector<1x16xf32>,
      %swap3A_564 = vector.shape_cast %swap3A_563 : vector<1x16xf32> to vector<16xf32>
      %swap3A_565 = vector.shape_cast %select_n3A_560 : vector<16xf32> to vector<1x16xf32>
      tpu.vector_store %arg6[%swap3A_561, %swap3A_562], %swap3A_565 {strides = array<i32>} : memref<80x128xf32, #tpu.memory_space<vmem>>, vector<1x16xf32>,
    }
    %scan3A_247 = arith.constant 80 : i32
    %barrier3A = arith.constant 0 : index
    tpu.barrier barrier_id(%barrier3A)
    %scan3A_248 = arith.constant 0 : i32
    %scan3A_249 = arith.constant 0 : i32
    %scan3A_250 = arith.constant 0 : i32
    %scan3A_251 = arith.constant 16 : i32
    %scan3A_252 = arith.addi %scan3A_250, %scan3A_251 : i32
    %scan3A_253 = arith.constant 1 : i32
    scf.for %scan3A_362 = %scan3A_250 to %scan3A_252 step %scan3A_253  : i32 {
      %add3A_363 = arith.constant 0 : i32
      %add3A_364 = arith.addi %add3A_363, %scan3A_362 : i32
      %dma_start3A = arith.constant 0 : i32
      %dma_start3A_365 = tpu.memref_slice %arg6[%add3A_364, %dma_start3A] : memref<80x128xf32, #tpu.memory_space<vmem>> -> memref<1x128xf32, #tpu.memory_space<vmem>>
      %dma_start3A_366 = tpu.memref_squeeze %dma_start3A_365 : memref<1x128xf32, #tpu.memory_space<vmem>> -> memref<128xf32, #tpu.memory_space<vmem>>
      %dma_start3A_367 = arith.constant 0 : i32
      %dma_start3A_368 = tpu.memref_slice %arg5[%add3A_364, %dma_start3A_367] : memref<80x128xi32, #tpu.memory_space<vmem>> -> memref<1x128xi32, #tpu.memory_space<vmem>>
      %dma_start3A_369 = tpu.memref_squeeze %dma_start3A_368 : memref<1x128xi32, #tpu.memory_space<vmem>> -> memref<128xi32, #tpu.memory_space<vmem>>
      %dma_start3A_370 = arith.constant 0 : i32
      %dma_start3A_371 = tpu.memref_slice %arg9[%dma_start3A_370] : memref<10240xf32, #tpu.memory_space<vmem_shared>> -> memref<10240xf32, #tpu.memory_space<vmem_shared>>
      %dma_start3A_372 = tpu.memref_slice %arg8[%scan3A_249] : memref<2x!tpu.dma_semaphore, #tpu.memory_space<semaphore_mem>> -> memref<1x!tpu.dma_semaphore, #tpu.memory_space<semaphore_mem>>
      %dma_start3A_373 = tpu.memref_squeeze %dma_start3A_372 : memref<1x!tpu.dma_semaphore, #tpu.memory_space<semaphore_mem>> -> memref<!tpu.dma_semaphore, #tpu.memory_space<semaphore_mem>>
      tpu.enqueue_indirect_dma source(%dma_start3A_366 : memref<128xf32, #tpu.memory_space<vmem>>) target(%dma_start3A_371 : memref<10240xf32, #tpu.memory_space<vmem_shared>>) offsets(%dma_start3A_369 : memref<128xi32, #tpu.memory_space<vmem>>) semaphore(%dma_start3A_373 : memref<!tpu.dma_semaphore, #tpu.memory_space<semaphore_mem>>) {add = true}
    }
    %scan3A_254 = arith.constant 16 : i32
    %scan3A_255 = arith.constant 0 : i32
    %scan3A_256 = arith.constant 1 : i32
    %scan3A_257 = arith.constant 0 : i32
    %scan3A_258 = arith.constant 16 : i32
    %scan3A_259 = arith.addi %scan3A_257, %scan3A_258 : i32
    %scan3A_260 = arith.constant 1 : i32
    scf.for %scan3A_362 = %scan3A_257 to %scan3A_259 step %scan3A_260  : i32 {
      %add3A_363 = arith.constant 16 : i32
      %add3A_364 = arith.addi %add3A_363, %scan3A_362 : i32
      %dma_start3A = arith.constant 0 : i32
      %dma_start3A_365 = tpu.memref_slice %arg6[%add3A_364, %dma_start3A] : memref<80x128xf32, #tpu.memory_space<vmem>> -> memref<1x128xf32, #tpu.memory_space<vmem>>
      %dma_start3A_366 = tpu.memref_squeeze %dma_start3A_365 : memref<1x128xf32, #tpu.memory_space<vmem>> -> memref<128xf32, #tpu.memory_space<vmem>>
      %dma_start3A_367 = arith.constant 0 : i32
      %dma_start3A_368 = tpu.memref_slice %arg5[%add3A_364, %dma_start3A_367] : memref<80x128xi32, #tpu.memory_space<vmem>> -> memref<1x128xi32, #tpu.memory_space<vmem>>
      %dma_start3A_369 = tpu.memref_squeeze %dma_start3A_368 : memref<1x128xi32, #tpu.memory_space<vmem>> -> memref<128xi32, #tpu.memory_space<vmem>>
      %dma_start3A_370 = arith.constant 0 : i32
      %dma_start3A_371 = tpu.memref_slice %arg9[%dma_start3A_370] : memref<10240xf32, #tpu.memory_space<vmem_shared>> -> memref<10240xf32, #tpu.memory_space<vmem_shared>>
      %dma_start3A_372 = tpu.memref_slice %arg8[%scan3A_256] : memref<2x!tpu.dma_semaphore, #tpu.memory_space<semaphore_mem>> -> memref<1x!tpu.dma_semaphore, #tpu.memory_space<semaphore_mem>>
      %dma_start3A_373 = tpu.memref_squeeze %dma_start3A_372 : memref<1x!tpu.dma_semaphore, #tpu.memory_space<semaphore_mem>> -> memref<!tpu.dma_semaphore, #tpu.memory_space<semaphore_mem>>
      tpu.enqueue_indirect_dma source(%dma_start3A_366 : memref<128xf32, #tpu.memory_space<vmem>>) target(%dma_start3A_371 : memref<10240xf32, #tpu.memory_space<vmem_shared>>) offsets(%dma_start3A_369 : memref<128xi32, #tpu.memory_space<vmem>>) semaphore(%dma_start3A_373 : memref<!tpu.dma_semaphore, #tpu.memory_space<semaphore_mem>>) {add = true}
    }
    %scan3A_261 = arith.constant 16 : i32
    %dma_wait3A = arith.constant 0 : i32
    %dma_wait3A_262 = arith.constant 0 : i32
    %dma_wait3A_263 = arith.constant 0 : i32
    %dma_wait3A_264 = tpu.memref_slice %arg5[%dma_wait3A_262, %dma_wait3A_263] : memref<80x128xi32, #tpu.memory_space<vmem>> -> memref<16x128xi32, #tpu.memory_space<vmem>>
    %dma_wait3A_265 = arith.constant 0 : i32
    %dma_wait3A_266 = arith.constant 0 : i32
    %dma_wait3A_267 = tpu.memref_slice %arg2[%dma_wait3A_265, %dma_wait3A_266] : memref<2560x128xi32, #tpu.memory_space<hbm>> -> memref<16x128xi32, #tpu.memory_space<hbm>>
    %dma_wait3A_268 = tpu.memref_slice %arg8[%dma_wait3A] : memref<2x!tpu.dma_semaphore, #tpu.memory_space<semaphore_mem>> -> memref<1x!tpu.dma_semaphore, #tpu.memory_space<semaphore_mem>>
    %dma_wait3A_269 = tpu.memref_squeeze %dma_wait3A_268 : memref<1x!tpu.dma_semaphore, #tpu.memory_space<semaphore_mem>> -> memref<!tpu.dma_semaphore, #tpu.memory_space<semaphore_mem>>
    %dma_wait3A_270 = arith.constant 0 : i32
    %dma_wait3A_271 = arith.constant 0 : i32
    %dma_wait3A_272 = tpu.memref_slice %arg5[%dma_wait3A_270, %dma_wait3A_271] : memref<80x128xi32, #tpu.memory_space<vmem>> -> memref<16x128xi32, #tpu.memory_space<vmem>>
    %dma_wait3A_273 = arith.constant 0 : i32
    %dma_wait3A_274 = arith.constant 0 : i32
    %dma_wait3A_275 = tpu.memref_slice %arg2[%dma_wait3A_273, %dma_wait3A_274] : memref<2560x128xi32, #tpu.memory_space<hbm>> -> memref<16x128xi32, #tpu.memory_space<hbm>>
    tpu.wait_dma2 semaphore(%dma_wait3A_269 : memref<!tpu.dma_semaphore, #tpu.memory_space<semaphore_mem>>) src(%dma_wait3A_275 : memref<16x128xi32, #tpu.memory_space<hbm>>) dst(%dma_wait3A_272 : memref<16x128xi32, #tpu.memory_space<vmem>>)
    %scan3A_276 = arith.constant 0 : i32
    %scan3A_277 = arith.constant 0 : i32
    %scan3A_278 = arith.constant 0 : i32
    %scan3A_279 = arith.constant 16 : i32
    %scan3A_280 = arith.addi %scan3A_278, %scan3A_279 : i32
    %scan3A_281 = arith.constant 1 : i32
    scf.for %scan3A_362 = %scan3A_278 to %scan3A_280 step %scan3A_281  : i32 {
      %add3A_363 = arith.constant 32 : i32
      %add3A_364 = arith.addi %add3A_363, %scan3A_362 : i32
      %dma_start3A = arith.constant 0 : i32
      %dma_start3A_365 = tpu.memref_slice %arg6[%add3A_364, %dma_start3A] : memref<80x128xf32, #tpu.memory_space<vmem>> -> memref<1x128xf32, #tpu.memory_space<vmem>>
      %dma_start3A_366 = tpu.memref_squeeze %dma_start3A_365 : memref<1x128xf32, #tpu.memory_space<vmem>> -> memref<128xf32, #tpu.memory_space<vmem>>
      %dma_start3A_367 = arith.constant 0 : i32
      %dma_start3A_368 = tpu.memref_slice %arg5[%add3A_364, %dma_start3A_367] : memref<80x128xi32, #tpu.memory_space<vmem>> -> memref<1x128xi32, #tpu.memory_space<vmem>>
      %dma_start3A_369 = tpu.memref_squeeze %dma_start3A_368 : memref<1x128xi32, #tpu.memory_space<vmem>> -> memref<128xi32, #tpu.memory_space<vmem>>
      %dma_start3A_370 = arith.constant 0 : i32
      %dma_start3A_371 = tpu.memref_slice %arg9[%dma_start3A_370] : memref<10240xf32, #tpu.memory_space<vmem_shared>> -> memref<10240xf32, #tpu.memory_space<vmem_shared>>
      %dma_start3A_372 = tpu.memref_slice %arg8[%scan3A_277] : memref<2x!tpu.dma_semaphore, #tpu.memory_space<semaphore_mem>> -> memref<1x!tpu.dma_semaphore, #tpu.memory_space<semaphore_mem>>
      %dma_start3A_373 = tpu.memref_squeeze %dma_start3A_372 : memref<1x!tpu.dma_semaphore, #tpu.memory_space<semaphore_mem>> -> memref<!tpu.dma_semaphore, #tpu.memory_space<semaphore_mem>>
      tpu.enqueue_indirect_dma source(%dma_start3A_366 : memref<128xf32, #tpu.memory_space<vmem>>) target(%dma_start3A_371 : memref<10240xf32, #tpu.memory_space<vmem_shared>>) offsets(%dma_start3A_369 : memref<128xi32, #tpu.memory_space<vmem>>) semaphore(%dma_start3A_373 : memref<!tpu.dma_semaphore, #tpu.memory_space<semaphore_mem>>) {add = true}
    }
    %scan3A_282 = arith.constant 16 : i32
    %dma_wait3A_283 = arith.constant 1 : i32
    %dma_wait3A_284 = arith.constant 0 : i32
    %dma_wait3A_285 = arith.constant 0 : i32
    %dma_wait3A_286 = tpu.memref_slice %arg5[%dma_wait3A_284, %dma_wait3A_285] : memref<80x128xi32, #tpu.memory_space<vmem>> -> memref<16x128xi32, #tpu.memory_space<vmem>>
    %dma_wait3A_287 = arith.constant 0 : i32
    %dma_wait3A_288 = arith.constant 0 : i32
    %dma_wait3A_289 = tpu.memref_slice %arg2[%dma_wait3A_287, %dma_wait3A_288] : memref<2560x128xi32, #tpu.memory_space<hbm>> -> memref<16x128xi32, #tpu.memory_space<hbm>>
    %dma_wait3A_290 = tpu.memref_slice %arg8[%dma_wait3A_283] : memref<2x!tpu.dma_semaphore, #tpu.memory_space<semaphore_mem>> -> memref<1x!tpu.dma_semaphore, #tpu.memory_space<semaphore_mem>>
    %dma_wait3A_291 = tpu.memref_squeeze %dma_wait3A_290 : memref<1x!tpu.dma_semaphore, #tpu.memory_space<semaphore_mem>> -> memref<!tpu.dma_semaphore, #tpu.memory_space<semaphore_mem>>
    %dma_wait3A_292 = arith.constant 0 : i32
    %dma_wait3A_293 = arith.constant 0 : i32
    %dma_wait3A_294 = tpu.memref_slice %arg5[%dma_wait3A_292, %dma_wait3A_293] : memref<80x128xi32, #tpu.memory_space<vmem>> -> memref<16x128xi32, #tpu.memory_space<vmem>>
    %dma_wait3A_295 = arith.constant 0 : i32
    %dma_wait3A_296 = arith.constant 0 : i32
    %dma_wait3A_297 = tpu.memref_slice %arg2[%dma_wait3A_295, %dma_wait3A_296] : memref<2560x128xi32, #tpu.memory_space<hbm>> -> memref<16x128xi32, #tpu.memory_space<hbm>>
    tpu.wait_dma2 semaphore(%dma_wait3A_291 : memref<!tpu.dma_semaphore, #tpu.memory_space<semaphore_mem>>) src(%dma_wait3A_297 : memref<16x128xi32, #tpu.memory_space<hbm>>) dst(%dma_wait3A_294 : memref<16x128xi32, #tpu.memory_space<vmem>>)
    %scan3A_298 = arith.constant 0 : i32
    %scan3A_299 = arith.constant 1 : i32
    %scan3A_300 = arith.constant 0 : i32
    %scan3A_301 = arith.constant 16 : i32
    %scan3A_302 = arith.addi %scan3A_300, %scan3A_301 : i32
    %scan3A_303 = arith.constant 1 : i32
    scf.for %scan3A_362 = %scan3A_300 to %scan3A_302 step %scan3A_303  : i32 {
      %add3A_363 = arith.constant 48 : i32
      %add3A_364 = arith.addi %add3A_363, %scan3A_362 : i32
      %dma_start3A = arith.constant 0 : i32
      %dma_start3A_365 = tpu.memref_slice %arg6[%add3A_364, %dma_start3A] : memref<80x128xf32, #tpu.memory_space<vmem>> -> memref<1x128xf32, #tpu.memory_space<vmem>>
      %dma_start3A_366 = tpu.memref_squeeze %dma_start3A_365 : memref<1x128xf32, #tpu.memory_space<vmem>> -> memref<128xf32, #tpu.memory_space<vmem>>
      %dma_start3A_367 = arith.constant 0 : i32
      %dma_start3A_368 = tpu.memref_slice %arg5[%add3A_364, %dma_start3A_367] : memref<80x128xi32, #tpu.memory_space<vmem>> -> memref<1x128xi32, #tpu.memory_space<vmem>>
      %dma_start3A_369 = tpu.memref_squeeze %dma_start3A_368 : memref<1x128xi32, #tpu.memory_space<vmem>> -> memref<128xi32, #tpu.memory_space<vmem>>
      %dma_start3A_370 = arith.constant 0 : i32
      %dma_start3A_371 = tpu.memref_slice %arg9[%dma_start3A_370] : memref<10240xf32, #tpu.memory_space<vmem_shared>> -> memref<10240xf32, #tpu.memory_space<vmem_shared>>
      %dma_start3A_372 = tpu.memref_slice %arg8[%scan3A_299] : memref<2x!tpu.dma_semaphore, #tpu.memory_space<semaphore_mem>> -> memref<1x!tpu.dma_semaphore, #tpu.memory_space<semaphore_mem>>
      %dma_start3A_373 = tpu.memref_squeeze %dma_start3A_372 : memref<1x!tpu.dma_semaphore, #tpu.memory_space<semaphore_mem>> -> memref<!tpu.dma_semaphore, #tpu.memory_space<semaphore_mem>>
      tpu.enqueue_indirect_dma source(%dma_start3A_366 : memref<128xf32, #tpu.memory_space<vmem>>) target(%dma_start3A_371 : memref<10240xf32, #tpu.memory_space<vmem_shared>>) offsets(%dma_start3A_369 : memref<128xi32, #tpu.memory_space<vmem>>) semaphore(%dma_start3A_373 : memref<!tpu.dma_semaphore, #tpu.memory_space<semaphore_mem>>) {add = true}
    }
    %scan3A_304 = arith.constant 16 : i32
    %dma_wait3A_305 = arith.constant 0 : i32
    %dma_wait3A_306 = arith.constant 0 : i32
    %dma_wait3A_307 = arith.constant 0 : i32
    %dma_wait3A_308 = tpu.memref_slice %arg5[%dma_wait3A_306, %dma_wait3A_307] : memref<80x128xi32, #tpu.memory_space<vmem>> -> memref<16x128xi32, #tpu.memory_space<vmem>>
    %dma_wait3A_309 = arith.constant 0 : i32
    %dma_wait3A_310 = arith.constant 0 : i32
    %dma_wait3A_311 = tpu.memref_slice %arg2[%dma_wait3A_309, %dma_wait3A_310] : memref<2560x128xi32, #tpu.memory_space<hbm>> -> memref<16x128xi32, #tpu.memory_space<hbm>>
    %dma_wait3A_312 = tpu.memref_slice %arg8[%dma_wait3A_305] : memref<2x!tpu.dma_semaphore, #tpu.memory_space<semaphore_mem>> -> memref<1x!tpu.dma_semaphore, #tpu.memory_space<semaphore_mem>>
    %dma_wait3A_313 = tpu.memref_squeeze %dma_wait3A_312 : memref<1x!tpu.dma_semaphore, #tpu.memory_space<semaphore_mem>> -> memref<!tpu.dma_semaphore, #tpu.memory_space<semaphore_mem>>
    %dma_wait3A_314 = arith.constant 0 : i32
    %dma_wait3A_315 = arith.constant 0 : i32
    %dma_wait3A_316 = tpu.memref_slice %arg5[%dma_wait3A_314, %dma_wait3A_315] : memref<80x128xi32, #tpu.memory_space<vmem>> -> memref<16x128xi32, #tpu.memory_space<vmem>>
    %dma_wait3A_317 = arith.constant 0 : i32
    %dma_wait3A_318 = arith.constant 0 : i32
    %dma_wait3A_319 = tpu.memref_slice %arg2[%dma_wait3A_317, %dma_wait3A_318] : memref<2560x128xi32, #tpu.memory_space<hbm>> -> memref<16x128xi32, #tpu.memory_space<hbm>>
    tpu.wait_dma2 semaphore(%dma_wait3A_313 : memref<!tpu.dma_semaphore, #tpu.memory_space<semaphore_mem>>) src(%dma_wait3A_319 : memref<16x128xi32, #tpu.memory_space<hbm>>) dst(%dma_wait3A_316 : memref<16x128xi32, #tpu.memory_space<vmem>>)
    %scan3A_320 = arith.constant 0 : i32
    %scan3A_321 = arith.constant 0 : i32
    %scan3A_322 = arith.constant 0 : i32
    %scan3A_323 = arith.constant 16 : i32
    %scan3A_324 = arith.addi %scan3A_322, %scan3A_323 : i32
    %scan3A_325 = arith.constant 1 : i32
    scf.for %scan3A_362 = %scan3A_322 to %scan3A_324 step %scan3A_325  : i32 {
      %add3A_363 = arith.constant 64 : i32
      %add3A_364 = arith.addi %add3A_363, %scan3A_362 : i32
      %dma_start3A = arith.constant 0 : i32
      %dma_start3A_365 = tpu.memref_slice %arg6[%add3A_364, %dma_start3A] : memref<80x128xf32, #tpu.memory_space<vmem>> -> memref<1x128xf32, #tpu.memory_space<vmem>>
      %dma_start3A_366 = tpu.memref_squeeze %dma_start3A_365 : memref<1x128xf32, #tpu.memory_space<vmem>> -> memref<128xf32, #tpu.memory_space<vmem>>
      %dma_start3A_367 = arith.constant 0 : i32
      %dma_start3A_368 = tpu.memref_slice %arg5[%add3A_364, %dma_start3A_367] : memref<80x128xi32, #tpu.memory_space<vmem>> -> memref<1x128xi32, #tpu.memory_space<vmem>>
      %dma_start3A_369 = tpu.memref_squeeze %dma_start3A_368 : memref<1x128xi32, #tpu.memory_space<vmem>> -> memref<128xi32, #tpu.memory_space<vmem>>
      %dma_start3A_370 = arith.constant 0 : i32
      %dma_start3A_371 = tpu.memref_slice %arg9[%dma_start3A_370] : memref<10240xf32, #tpu.memory_space<vmem_shared>> -> memref<10240xf32, #tpu.memory_space<vmem_shared>>
      %dma_start3A_372 = tpu.memref_slice %arg8[%scan3A_321] : memref<2x!tpu.dma_semaphore, #tpu.memory_space<semaphore_mem>> -> memref<1x!tpu.dma_semaphore, #tpu.memory_space<semaphore_mem>>
      %dma_start3A_373 = tpu.memref_squeeze %dma_start3A_372 : memref<1x!tpu.dma_semaphore, #tpu.memory_space<semaphore_mem>> -> memref<!tpu.dma_semaphore, #tpu.memory_space<semaphore_mem>>
      tpu.enqueue_indirect_dma source(%dma_start3A_366 : memref<128xf32, #tpu.memory_space<vmem>>) target(%dma_start3A_371 : memref<10240xf32, #tpu.memory_space<vmem_shared>>) offsets(%dma_start3A_369 : memref<128xi32, #tpu.memory_space<vmem>>) semaphore(%dma_start3A_373 : memref<!tpu.dma_semaphore, #tpu.memory_space<semaphore_mem>>) {add = true}
    }
    %scan3A_326 = arith.constant 16 : i32
    %dma_wait3A_327 = arith.constant 1 : i32
    %dma_wait3A_328 = arith.constant 0 : i32
    %dma_wait3A_329 = arith.constant 0 : i32
    %dma_wait3A_330 = tpu.memref_slice %arg5[%dma_wait3A_328, %dma_wait3A_329] : memref<80x128xi32, #tpu.memory_space<vmem>> -> memref<16x128xi32, #tpu.memory_space<vmem>>
    %dma_wait3A_331 = arith.constant 0 : i32
    %dma_wait3A_332 = arith.constant 0 : i32
    %dma_wait3A_333 = tpu.memref_slice %arg2[%dma_wait3A_331, %dma_wait3A_332] : memref<2560x128xi32, #tpu.memory_space<hbm>> -> memref<16x128xi32, #tpu.memory_space<hbm>>
    %dma_wait3A_334 = tpu.memref_slice %arg8[%dma_wait3A_327] : memref<2x!tpu.dma_semaphore, #tpu.memory_space<semaphore_mem>> -> memref<1x!tpu.dma_semaphore, #tpu.memory_space<semaphore_mem>>
    %dma_wait3A_335 = tpu.memref_squeeze %dma_wait3A_334 : memref<1x!tpu.dma_semaphore, #tpu.memory_space<semaphore_mem>> -> memref<!tpu.dma_semaphore, #tpu.memory_space<semaphore_mem>>
    %dma_wait3A_336 = arith.constant 0 : i32
    %dma_wait3A_337 = arith.constant 0 : i32
    %dma_wait3A_338 = tpu.memref_slice %arg5[%dma_wait3A_336, %dma_wait3A_337] : memref<80x128xi32, #tpu.memory_space<vmem>> -> memref<16x128xi32, #tpu.memory_space<vmem>>
    %dma_wait3A_339 = arith.constant 0 : i32
    %dma_wait3A_340 = arith.constant 0 : i32
    %dma_wait3A_341 = tpu.memref_slice %arg2[%dma_wait3A_339, %dma_wait3A_340] : memref<2560x128xi32, #tpu.memory_space<hbm>> -> memref<16x128xi32, #tpu.memory_space<hbm>>
    tpu.wait_dma2 semaphore(%dma_wait3A_335 : memref<!tpu.dma_semaphore, #tpu.memory_space<semaphore_mem>>) src(%dma_wait3A_341 : memref<16x128xi32, #tpu.memory_space<hbm>>) dst(%dma_wait3A_338 : memref<16x128xi32, #tpu.memory_space<vmem>>)
    %dma_wait3A_342 = arith.constant 0 : i32
    %dma_wait3A_343 = arith.constant 0 : i32
    %dma_wait3A_344 = arith.constant 0 : i32
    %dma_wait3A_345 = tpu.memref_slice %arg5[%dma_wait3A_343, %dma_wait3A_344] : memref<80x128xi32, #tpu.memory_space<vmem>> -> memref<16x128xi32, #tpu.memory_space<vmem>>
    %dma_wait3A_346 = arith.constant 0 : i32
    %dma_wait3A_347 = arith.constant 0 : i32
    %dma_wait3A_348 = tpu.memref_slice %arg2[%dma_wait3A_346, %dma_wait3A_347] : memref<2560x128xi32, #tpu.memory_space<hbm>> -> memref<16x128xi32, #tpu.memory_space<hbm>>
    %dma_wait3A_349 = tpu.memref_slice %arg8[%dma_wait3A_342] : memref<2x!tpu.dma_semaphore, #tpu.memory_space<semaphore_mem>> -> memref<1x!tpu.dma_semaphore, #tpu.memory_space<semaphore_mem>>
    %dma_wait3A_350 = tpu.memref_squeeze %dma_wait3A_349 : memref<1x!tpu.dma_semaphore, #tpu.memory_space<semaphore_mem>> -> memref<!tpu.dma_semaphore, #tpu.memory_space<semaphore_mem>>
    %dma_wait3A_351 = arith.constant 0 : i32
    %dma_wait3A_352 = arith.constant 0 : i32
    %dma_wait3A_353 = tpu.memref_slice %arg5[%dma_wait3A_351, %dma_wait3A_352] : memref<80x128xi32, #tpu.memory_space<vmem>> -> memref<16x128xi32, #tpu.memory_space<vmem>>
    %dma_wait3A_354 = arith.constant 0 : i32
    %dma_wait3A_355 = arith.constant 0 : i32
    %dma_wait3A_356 = tpu.memref_slice %arg2[%dma_wait3A_354, %dma_wait3A_355] : memref<2560x128xi32, #tpu.memory_space<hbm>> -> memref<16x128xi32, #tpu.memory_space<hbm>>
    tpu.wait_dma2 semaphore(%dma_wait3A_350 : memref<!tpu.dma_semaphore, #tpu.memory_space<semaphore_mem>>) src(%dma_wait3A_356 : memref<16x128xi32, #tpu.memory_space<hbm>>) dst(%dma_wait3A_353 : memref<16x128xi32, #tpu.memory_space<vmem>>)
    %barrier3A_357 = arith.constant 0 : index
    tpu.barrier barrier_id(%barrier3A_357)
    %mul3A_358 = arith.constant 640 : i32
    %mul3A_359 = arith.muli %arg1, %mul3A_358 : i32
    "tpu.region"() ({
      %run_scoped3A_362 = tpu.sem_alloc : memref<!tpu.dma_semaphore, #tpu.memory_space<semaphore_mem>>
      %dma_start3A = tpu.memref_slice %arg9[%mul3A_359] : memref<10240xf32, #tpu.memory_space<vmem_shared>> -> memref<640xf32, #tpu.memory_space<vmem_shared>>
      %dma_start3A_363 = tpu.memref_slice %arg9[%mul3A_359] : memref<10240xf32, #tpu.memory_space<vmem_shared>> -> memref<640xf32, #tpu.memory_space<vmem_shared>>
      tpu.enqueue_dma source(%dma_start3A_363 : memref<640xf32, #tpu.memory_space<vmem_shared>>) target(%arg7 : memref<640xf32, #tpu.memory_space<vmem>>) target_semaphore(%run_scoped3A_362 : memref<!tpu.dma_semaphore, #tpu.memory_space<semaphore_mem>>)
      %dma_wait3A_364 = tpu.memref_slice %arg9[%mul3A_359] : memref<10240xf32, #tpu.memory_space<vmem_shared>> -> memref<640xf32, #tpu.memory_space<vmem_shared>>
      %dma_wait3A_365 = tpu.memref_slice %arg9[%mul3A_359] : memref<10240xf32, #tpu.memory_space<vmem_shared>> -> memref<640xf32, #tpu.memory_space<vmem_shared>>
      tpu.wait_dma2 semaphore(%run_scoped3A_362 : memref<!tpu.dma_semaphore, #tpu.memory_space<semaphore_mem>>) src(%dma_wait3A_365 : memref<640xf32, #tpu.memory_space<vmem_shared>>) dst(%arg7 : memref<640xf32, #tpu.memory_space<vmem>>)
      tpu.yield
    }) : () -> ()
    %mul3A_360 = arith.constant 640 : i32
    %mul3A_361 = arith.muli %arg1, %mul3A_360 : i32
    %run_scoped3A = arith.constant 0 : i32
    "tpu.region"() ({
      %run_scoped3A_362 = tpu.sem_alloc : memref<!tpu.dma_semaphore, #tpu.memory_space<semaphore_mem>>
      %dma_start3A = tpu.memref_slice %arg3[%arg0, %run_scoped3A, %mul3A_361] : memref<2x1x10240xf32, #tpu.memory_space<hbm>> -> memref<1x1x640xf32, #tpu.memory_space<hbm>>
      %dma_start3A_363 = tpu.memref_squeeze %dma_start3A : memref<1x1x640xf32, #tpu.memory_space<hbm>> -> memref<640xf32, #tpu.memory_space<hbm>>
      %dma_start3A_364 = tpu.memref_slice %arg3[%arg0, %run_scoped3A, %mul3A_361] : memref<2x1x10240xf32, #tpu.memory_space<hbm>> -> memref<1x1x640xf32, #tpu.memory_space<hbm>>
      %dma_start3A_365 = tpu.memref_squeeze %dma_start3A_364 : memref<1x1x640xf32, #tpu.memory_space<hbm>> -> memref<640xf32, #tpu.memory_space<hbm>>
      tpu.enqueue_dma source(%arg7 : memref<640xf32, #tpu.memory_space<vmem>>) target(%dma_start3A_365 : memref<640xf32, #tpu.memory_space<hbm>>) target_semaphore(%run_scoped3A_362 : memref<!tpu.dma_semaphore, #tpu.memory_space<semaphore_mem>>)
      %dma_wait3A_366 = tpu.memref_slice %arg3[%arg0, %run_scoped3A, %mul3A_361] : memref<2x1x10240xf32, #tpu.memory_space<hbm>> -> memref<1x1x640xf32, #tpu.memory_space<hbm>>
      %dma_wait3A_367 = tpu.memref_squeeze %dma_wait3A_366 : memref<1x1x640xf32, #tpu.memory_space<hbm>> -> memref<640xf32, #tpu.memory_space<hbm>>
      %dma_wait3A_368 = tpu.memref_slice %arg3[%arg0, %run_scoped3A, %mul3A_361] : memref<2x1x10240xf32, #tpu.memory_space<hbm>> -> memref<1x1x640xf32, #tpu.memory_space<hbm>>
      %dma_wait3A_369 = tpu.memref_squeeze %dma_wait3A_368 : memref<1x1x640xf32, #tpu.memory_space<hbm>> -> memref<640xf32, #tpu.memory_space<hbm>>
      tpu.wait_dma2 semaphore(%run_scoped3A_362 : memref<!tpu.dma_semaphore, #tpu.memory_space<semaphore_mem>>) src(%arg7 : memref<640xf32, #tpu.memory_space<vmem>>) dst(%dma_wait3A_369 : memref<640xf32, #tpu.memory_space<hbm>>)
      tpu.yield
    }) : () -> ()
    return
  }
}

module attributes {stable_mosaic.version = 14 : i64} {
  func.func @_pack_body(%arg0: i32, %arg1: memref<2x320x128xi32, #tpu.memory_space<vmem>>, %arg2: memref<320x128xi32, #tpu.memory_space<vmem>>) attributes {dimension_semantics = [#tpu.dimension_semantics<arbitrary>], iteration_bounds = array<i64: 8>, scalar_prefetch = 0 : i64, scratch_operands = 0 : i64, tpu.core_type = #tpu.core_type<tc>, window_params = [{transform_indices = @transform_0, window_bounds = array<i64: 2, 320, 128>}, {transform_indices = @transform_1, window_bounds = array<i64: 320, 128>}]} {
    %get3A = arith.constant 0 : index
    %get3A_0 = arith.constant 0 : index
    %get3A_1 = arith.constant 0 : index
    %get3A_2 = vector.load %arg1[%get3A, %get3A_0, %get3A_1] : memref<2x320x128xi32, #tpu.memory_space<vmem>>, vector<1x320x128xi32>
    %get3A_3 = vector.shape_cast %get3A_2 : vector<1x320x128xi32> to vector<320x128xi32>
    %get3A_4 = arith.constant 1 : index
    %get3A_5 = arith.constant 0 : index
    %get3A_6 = arith.constant 0 : index
    %get3A_7 = vector.load %arg1[%get3A_4, %get3A_5, %get3A_6] : memref<2x320x128xi32, #tpu.memory_space<vmem>>, vector<1x320x128xi32>
    %get3A_8 = vector.shape_cast %get3A_7 : vector<1x320x128xi32> to vector<320x128xi32>
    %mul3A = arith.constant 320 : i32
    %mul3A_9 = arith.muli %arg0, %mul3A : i32
    %iota3A = tpu.iota {dimensions = array<i32: 0>} : vector<320x128xi32>
    %add3A = vector.broadcast %mul3A_9 : i32 to vector<320x128xi32>
    %add3A_10 = arith.addi %add3A, %iota3A : vector<320x128xi32>
    %mul3A_11 = arith.constant 128 : i32
    %mul3A_12 = vector.broadcast %mul3A_11 : i32 to vector<320x128xi32>
    %mul3A_13 = arith.muli %add3A_10, %mul3A_12 : vector<320x128xi32>
    %iota3A_14 = tpu.iota {dimensions = array<i32: 1>} : vector<320x128xi32>
    %add3A_15 = arith.addi %mul3A_13, %iota3A_14 : vector<320x128xi32>
    %and3A = arith.constant 8191 : i32
    %and3A_16 = vector.broadcast %and3A : i32 to vector<320x128xi32>
    %and3A_17 = arith.andi %add3A_15, %and3A_16 : vector<320x128xi32>
    %mul3A_18 = arith.constant 16385 : i32
    %mul3A_19 = vector.broadcast %mul3A_18 : i32 to vector<320x128xi32>
    %mul3A_20 = arith.muli %and3A_17, %mul3A_19 : vector<320x128xi32>
    %lt3A = arith.constant 320000 : i32
    %lt3A_21 = vector.broadcast %lt3A : i32 to vector<320x128xi32>
    %lt3A_22 = arith.cmpi slt, %add3A_15, %lt3A_21 : vector<320x128xi32>
    %shift_left3A = arith.constant 14 : i32
    %shift_left3A_23 = vector.broadcast %shift_left3A : i32 to vector<320x128xi32>
    %shift_left3A_24 = arith.shli %get3A_3, %shift_left3A_23 : vector<320x128xi32>
    %or3A = arith.ori %shift_left3A_24, %get3A_8 : vector<320x128xi32>
    %select_n3A = arith.select %lt3A_22, %or3A, %mul3A_20 : vector<320x128xi1>, vector<320x128xi32>
    %swap3A = arith.constant 0 : index
    %swap3A_25 = arith.constant 0 : index
    %swap3A_26 = vector.load %arg2[%swap3A, %swap3A_25] : memref<320x128xi32, #tpu.memory_space<vmem>>, vector<320x128xi32>
    tpu.vector_store %arg2[%swap3A, %swap3A_25], %select_n3A {strides = array<i32>} : memref<320x128xi32, #tpu.memory_space<vmem>>, vector<320x128xi32>,
    return
  }
  func.func @transform_0(%arg0: i32) -> (i32, i32, i32) {
    %c0_i32 = arith.constant 0 : i32
    %c0_i32_0 = arith.constant 0 : i32
    %c0_i32_1 = arith.constant 0 : i32
    return %c0_i32, %arg0, %c0_i32_0 : i32, i32, i32
  }
  func.func @transform_1(%arg0: i32) -> (i32, i32) {
    %c0_i32 = arith.constant 0 : i32
    %c0_i32_0 = arith.constant 0 : i32
    return %arg0, %c0_i32 : i32, i32
  }
}

module attributes {stable_mosaic.version = 14 : i64} {
  func.func @_dense_body(%arg0: i32, %arg1: memref<512x128xf32, #tpu.memory_space<vmem>>, %arg2: memref<128x128xf32, #tpu.memory_space<vmem>>, %arg3: memref<2x1x512xf32, #tpu.memory_space<vmem>>, %arg4: memref<512x128xf32, #tpu.memory_space<vmem>>, %arg5: memref<512x8xf32, #tpu.memory_space<vmem>>) attributes {dimension_semantics = [#tpu.dimension_semantics<arbitrary>], iteration_bounds = array<i64: 20>, scalar_prefetch = 0 : i64, scratch_operands = 0 : i64, tpu.core_type = #tpu.core_type<tc>, window_params = [{transform_indices = @transform_0, window_bounds = array<i64: 512, 128>}, {pipeline_mode = #tpu.pipeline_mode<synchronous>, transform_indices = @transform_1, window_bounds = array<i64: 128, 128>}, {transform_indices = @transform_2, window_bounds = array<i64: 2, 1, 512>}, {transform_indices = @transform_3, window_bounds = array<i64: 512, 128>}, {transform_indices = @transform_4, window_bounds = array<i64: 512, 8>}]} {
    %get3A = arith.constant 0 : index
    %get3A_0 = arith.constant 0 : index
    %get3A_1 = arith.constant 0 : index
    %get3A_2 = vector.load %arg3[%get3A, %get3A_0, %get3A_1] : memref<2x1x512xf32, #tpu.memory_space<vmem>>, vector<2x1x512xf32>
    %squeeze3A = vector.shape_cast %get3A_2 : vector<2x1x512xf32> to vector<2x512xf32>
    %slice3A = vector.extract_strided_slice %squeeze3A {offsets = [0, 0], sizes = [1, 512], strides = [1, 1]} : vector<2x512xf32> to vector<1x512xf32>
    %slice3A_3 = vector.extract_strided_slice %squeeze3A {offsets = [1, 0], sizes = [1, 512], strides = [1, 1]} : vector<2x512xf32> to vector<1x512xf32>
    %add3A = arith.addf %slice3A, %slice3A_3 : vector<1x512xf32>
    %add3A_4 = arith.constant 1.000000e+00 : f32
    %add3A_5 = vector.broadcast %add3A_4 : f32 to vector<1x512xf32>
    %add3A_6 = arith.addf %add3A, %add3A_5 : vector<1x512xf32>
    %rsqrt3A = math.rsqrt %add3A_6 : vector<1x512xf32>
    %transpose3A = tpu.transpose %rsqrt3A, [1, 0] : vector<1x512xf32> -> vector<512x1xf32>
    %get3A_7 = arith.constant 0 : index
    %get3A_8 = arith.constant 0 : index
    %get3A_9 = vector.load %arg1[%get3A_7, %get3A_8] : memref<512x128xf32, #tpu.memory_space<vmem>>, vector<512x128xf32>
    %get3A_10 = arith.constant 0 : index
    %get3A_11 = arith.constant 0 : index
    %get3A_12 = vector.load %arg2[%get3A_10, %get3A_11] : memref<128x128xf32, #tpu.memory_space<vmem>>, vector<128x128xf32>
    %dot_general3A = arith.constant dense<0.000000e+00> : vector<512x128xf32>
    %dot_general3A_13 = tpu.matmul %get3A_9, %get3A_12, %dot_general3A {dimension_numbers = #tpu.dot_dimension_numbers<[1], [1], [0], [0], [0, 0, 1, 0], [], []>, transpose_lhs_hint = false} : vector<512x128xf32>, vector<128x128xf32>, vector<512x128xf32> -> vector<512x128xf32>
    %mul3A = vector.broadcast %transpose3A : vector<512x1xf32> to vector<512x128xf32>
    %mul3A_14 = arith.mulf %dot_general3A_13, %mul3A : vector<512x128xf32>
    %swap3A = arith.constant 0 : index
    %swap3A_15 = arith.constant 0 : index
    %swap3A_16 = vector.load %arg4[%swap3A, %swap3A_15] : memref<512x128xf32, #tpu.memory_space<vmem>>, vector<512x128xf32>
    tpu.vector_store %arg4[%swap3A, %swap3A_15], %mul3A_14 {strides = array<i32>} : memref<512x128xf32, #tpu.memory_space<vmem>>, vector<512x128xf32>,
    %broadcast_in_dim3A = vector.shape_cast %transpose3A : vector<512x1xf32> to vector<512x1xf32>
    %broadcast_in_dim3A_17 = vector.broadcast %broadcast_in_dim3A : vector<512x1xf32> to vector<512x8xf32>
    %swap3A_18 = arith.constant 0 : index
    %swap3A_19 = arith.constant 0 : index
    %swap3A_20 = vector.load %arg5[%swap3A_18, %swap3A_19] : memref<512x8xf32, #tpu.memory_space<vmem>>, vector<512x8xf32>
    tpu.vector_store %arg5[%swap3A_18, %swap3A_19], %broadcast_in_dim3A_17 {strides = array<i32>} : memref<512x8xf32, #tpu.memory_space<vmem>>, vector<512x8xf32>,
    return
  }
  func.func @transform_0(%arg0: i32) -> (i32, i32) {
    %c0_i32 = arith.constant 0 : i32
    %c0_i32_0 = arith.constant 0 : i32
    return %arg0, %c0_i32 : i32, i32
  }
  func.func @transform_1(%arg0: i32) -> (i32, i32) {
    %c0_i32 = arith.constant 0 : i32
    %c0_i32_0 = arith.constant 0 : i32
    %c0_i32_1 = arith.constant 0 : i32
    return %c0_i32, %c0_i32_0 : i32, i32
  }
  func.func @transform_2(%arg0: i32) -> (i32, i32, i32) {
    %c0_i32 = arith.constant 0 : i32
    %c0_i32_0 = arith.constant 0 : i32
    %c0_i32_1 = arith.constant 0 : i32
    return %c0_i32, %c0_i32_0, %arg0 : i32, i32, i32
  }
  func.func @transform_3(%arg0: i32) -> (i32, i32) {
    %c0_i32 = arith.constant 0 : i32
    %c0_i32_0 = arith.constant 0 : i32
    return %arg0, %c0_i32 : i32, i32
  }
  func.func @transform_4(%arg0: i32) -> (i32, i32) {
    %c0_i32 = arith.constant 0 : i32
    %c0_i32_0 = arith.constant 0 : i32
    return %arg0, %c0_i32 : i32, i32
  }
}

module attributes {stable_mosaic.version = 14 : i64} {
  func.func @_final_body(%arg0: i32, %arg1: memref<2x1000x128xf32, #tpu.memory_space<vmem>>, %arg2: memref<1000x128xf32, #tpu.memory_space<vmem>>, %arg3: memref<1000x8xf32, #tpu.memory_space<vmem>>, %arg4: memref<1x128xf32, #tpu.memory_space<vmem>>, %arg5: memref<1000x128xf32, #tpu.memory_space<vmem>>) attributes {dimension_semantics = [#tpu.dimension_semantics<arbitrary>], iteration_bounds = array<i64: 10>, scalar_prefetch = 0 : i64, scratch_operands = 0 : i64, tpu.core_type = #tpu.core_type<tc>, window_params = [{transform_indices = @transform_0, window_bounds = array<i64: 2, 1000, 128>}, {transform_indices = @transform_1, window_bounds = array<i64: 1000, 128>}, {transform_indices = @transform_2, window_bounds = array<i64: 1000, 8>}, {pipeline_mode = #tpu.pipeline_mode<synchronous>, transform_indices = @transform_3, window_bounds = array<i64: 1, 128>}, {transform_indices = @transform_4, window_bounds = array<i64: 1000, 128>}]} {
    %get3A = arith.constant 0 : index
    %get3A_0 = arith.constant 0 : index
    %get3A_1 = vector.load %arg3[%get3A, %get3A_0] : memref<1000x8xf32, #tpu.memory_space<vmem>>, vector<1000x1xf32>
    %get3A_2 = arith.constant 0 : index
    %get3A_3 = arith.constant 0 : index
    %get3A_4 = arith.constant 0 : index
    %get3A_5 = vector.load %arg1[%get3A_2, %get3A_3, %get3A_4] : memref<2x1000x128xf32, #tpu.memory_space<vmem>>, vector<1x1000x128xf32>
    %get3A_6 = vector.shape_cast %get3A_5 : vector<1x1000x128xf32> to vector<1000x128xf32>
    %get3A_7 = arith.constant 1 : index
    %get3A_8 = arith.constant 0 : index
    %get3A_9 = arith.constant 0 : index
    %get3A_10 = vector.load %arg1[%get3A_7, %get3A_8, %get3A_9] : memref<2x1000x128xf32, #tpu.memory_space<vmem>>, vector<1x1000x128xf32>
    %get3A_11 = vector.shape_cast %get3A_10 : vector<1x1000x128xf32> to vector<1000x128xf32>
    %add3A = arith.addf %get3A_6, %get3A_11 : vector<1000x128xf32>
    %get3A_12 = arith.constant 0 : index
    %get3A_13 = arith.constant 0 : index
    %get3A_14 = vector.load %arg2[%get3A_12, %get3A_13] : memref<1000x128xf32, #tpu.memory_space<vmem>>, vector<1000x128xf32>
    %add3A_15 = arith.addf %add3A, %get3A_14 : vector<1000x128xf32>
    %mul3A = vector.broadcast %get3A_1 : vector<1000x1xf32> to vector<1000x128xf32>
    %mul3A_16 = arith.mulf %mul3A, %add3A_15 : vector<1000x128xf32>
    %get3A_17 = arith.constant 0 : index
    %get3A_18 = arith.constant 0 : index
    %get3A_19 = vector.load %arg4[%get3A_17, %get3A_18] : memref<1x128xf32, #tpu.memory_space<vmem>>, vector<1x128xf32>
    %add3A_20 = vector.broadcast %get3A_19 : vector<1x128xf32> to vector<1000x128xf32>
    %add3A_21 = arith.addf %mul3A_16, %add3A_20 : vector<1000x128xf32>
    %swap3A = arith.constant 0 : index
    %swap3A_22 = arith.constant 0 : index
    %swap3A_23 = vector.load %arg5[%swap3A, %swap3A_22] : memref<1000x128xf32, #tpu.memory_space<vmem>>, vector<1000x128xf32>
    tpu.vector_store %arg5[%swap3A, %swap3A_22], %add3A_21 {strides = array<i32>} : memref<1000x128xf32, #tpu.memory_space<vmem>>, vector<1000x128xf32>,
    return
  }
  func.func @transform_0(%arg0: i32) -> (i32, i32, i32) {
    %c0_i32 = arith.constant 0 : i32
    %c0_i32_0 = arith.constant 0 : i32
    %c0_i32_1 = arith.constant 0 : i32
    return %c0_i32, %arg0, %c0_i32_0 : i32, i32, i32
  }
  func.func @transform_1(%arg0: i32) -> (i32, i32) {
    %c0_i32 = arith.constant 0 : i32
    %c0_i32_0 = arith.constant 0 : i32
    return %arg0, %c0_i32 : i32, i32
  }
  func.func @transform_2(%arg0: i32) -> (i32, i32) {
    %c0_i32 = arith.constant 0 : i32
    %c0_i32_0 = arith.constant 0 : i32
    return %arg0, %c0_i32 : i32, i32
  }
  func.func @transform_3(%arg0: i32) -> (i32, i32) {
    %c0_i32 = arith.constant 0 : i32
    %c0_i32_0 = arith.constant 0 : i32
    %c0_i32_1 = arith.constant 0 : i32
    return %c0_i32, %c0_i32_0 : i32, i32
  }
  func.func @transform_4(%arg0: i32) -> (i32, i32) {
    %c0_i32 = arith.constant 0 : i32
    %c0_i32_0 = arith.constant 0 : i32
    return %arg0, %c0_i32 : i32, i32
  }
}

</mosaic_0001>

<sc_bundles>
// kernel: kernel.10.cloned.1.call-start
scs
__scs_entry_jumppad:
0x0: {  	(pc) =	sbr.rel $0x88, $3  }
0x1: {  	(tag) =	ssettag $0x0;
	lr =	simm.s32 $0x1  }
0x2: {  	[smem:$0x3F9D] =	sst lr;
	_ =	strace $0xD0000000  }
0x3: {  	_ = 	snop  }
0x4: {  	_ = 	snop  }
0x5: {  	_ = 	snop  }
0x6: {  	_ = 	snop  }
0x7: {  	_ = 	snop  }
__scs_overlays_trampoline_lowered:
0x8: {  	[smem:$0x3FAC] =	sst s0  }
0x9: {  	[smem:$0x3FAD] =	sst s1  }
0xa: {  	[smem:$0x3FAE] =	sst s2  }
0xb: {  	[smem:$0x3FAF] =	sst s3  }
0xc: {  	[smem:$0x3FB0] =	sst s4  }
0xd: {  	[smem:$0x3FB1] =	sst s5  }
0xe: {  	[smem:$0x3FB2] =	sst s6  }
0xf: {  	[smem:$0x3FB3] =	sst s7  }
0x10: {  	[smem:$0x3FB4] =	sst s8  }
0x11: {  	[smem:$0x3FB5] =	sst s9;
	s0 =	simm.s32 @!p0 $0x0  }
0x12: {  	s1 =	sld [smem:$0x3F9B];
	s0 =	simm.s32 @p0 $0x1  }
0x13: {  	[smem:$0x3FB6] =	sst s0;
	s0 =	simm.s32 @!p1 $0x0  }
0x14: {  	s2 =	sld [smem:$0x3F9A];
	s0 =	simm.s32 @p1 $0x1  }
0x15: {  	[smem:$0x3FB7] =	sst s0;
	s0 =	simm.s32 @!p2 $0x0  }
0x16: {  	s3 =	sld [smem:$0x3FDB];
	s0 =	simm.s32 @p2 $0x1  }
0x17: {  	s4 =	simm.s32 $0x1BF5;
	[smem:$0x3FB9] =	sst s0  }
0x18: {  	s0 =	sld [smem:$0x3F9C];
	_ =	swait.ge [sflag:s4], $0x0  }
0x19: {  	s7 =	sld [smem:$0x3F9D]  }
0x1a: {  	s8 =	sadd.s32 $0xFFFFE003, lr  }
0x1b: {  	s9 =	sadd.s32 $0xFFFFFEF7, lr;
	s5 =	simm.s32 $0xFFFFFFFF;
	p2 =	slt.u32 s8, $0xFFFFF086  }
0x1c: {  	p1 =	slt.u32 s9, $0xF7A;
	s5 =	simm.s32 @!p2 $0x0  }
0x1d: {  	s5 =	simm.s32 @p1 $0x1;
	p0 =	seq.s32 s7, s2  }
0x1e: {  	s7 =	smul.u32 @!p0 $0xF7A, s2;
	p2 =	seq.s32 @!p0 s5, $0x0  }
0x1f: {  	s9 =	smul.u32 $0xF7A, s1;
	s8 =	simm.s32 @!p0 $0x1BF5;
	p2 =	por !p2, p0  }
0x20: {  	[sflag:s8] =	ssyncset.s32 @!p0 $0xFFFFF086;
	s6 =	sadd.s32 @!p0 s3, s7;
	s7 =	simm.s32 @!p0 $0x108  }
0x21: {  	s3 =	sadd.s32 s3, s9;
	s6 =	sadd.s32 @!p0 $0x88, s6;
	s7 =	simm.s32 @p2 $0x1082  }
0x22: {  	[simem:s7], [sflag:s8] =	dma.local @!p0 [hbm:s6], $0xF7A  }
0x23: {  	s9 =	sor.u32 $0xD0000000, s2;
	s6 =	simm.s32 $0x108;
	_ =	swait.ge @!p0 [sflag:s8], $0x0  }
0x24: {  	s3 =	sadd.s32 $0x88, s3;
	s6 =	simm.s32 @!p1 $0x1082;
	[sflag:s4] =	ssyncset.s32 $0xFFFFF086  }
0x25: {  	[simem:s6], [sflag:s4] =	dma.local [hbm:s3], $0xF7A  }
0x26: {  	[smem:$0x3F9D] =	sst s1;
	(tag) =	ssettag s2;
	_ =	strace s9  }
0x27: {  	s1 =	sld [smem:$0x3FAD]  }
0x28: {  	s2 =	sld [smem:$0x3FAE]  }
0x29: {  	s4 =	sld [smem:$0x3FB0]  }
0x2a: {  	p0 =	seq.s32 s5, $0x0;
	s5 =	sld [smem:$0x3FB1]  }
0x2b: {  	s6 =	sld [smem:$0x3FB2]  }
0x2c: {  	s7 =	sld [smem:$0x3FB3]  }
0x2d: {  	s3 =	simm.s32 $0x108;
	s8 =	sld [smem:$0x3FB4]  }
0x2e: {  	s3 =	simm.s32 @!p0 $0x1082;
	s9 =	sld [smem:$0x3FB5]  }
0x2f: {  	lr =	sadd.s32 s0, s3;
	s0 =	sld [smem:$0x3FAC]  }
0x30: {  	s3 =	sld [smem:$0x3FAF]  }
0x31: {  	[smem:$0x3FB8] =	sst s10  }
0x32: {  	s10 =	sld [smem:$0x3FB6];
	_ =	sdelay $0x3  }
0x33: {  	p0 =	seq.s32 s10, $0x1;
	s10 =	sld [smem:$0x3FB8];
	_ =	sdelay $0x3  }
0x34: {  	[smem:$0x3FB8] =	sst s10  }
0x35: {  	s10 =	sld [smem:$0x3FB7];
	_ =	sdelay $0x3  }
0x36: {  	p1 =	seq.s32 s10, $0x1;
	s10 =	sld [smem:$0x3FB8];
	_ =	sdelay $0x3  }
0x37: {  	[smem:$0x3FB8] =	sst s10  }
0x38: {  	s10 =	sld [smem:$0x3FB9]  }
0x39: {  	_ = 	snop;
	(pc) =	sbr.ind lr, $3  }
0x3a: {  	_ = 	snop  }
0x3b: {  	_ = 	snop  }
0x3c: {  	p2 =	seq.s32 s10, $0x1;
	s10 =	sld [smem:$0x3FB8]  }
0x3d: {  	_ =	shalt  }
0x3e: {  	_ =	shalt  }
0x3f: {  	_ =	shalt  }
0x40: {  	_ =	shalt  }
0x41: {  	_ =	shalt  }
0x42: {  	_ =	shalt  }
0x43: {  	_ =	shalt  }
0x44: {  	_ =	shalt  }
0x45: {  	_ =	shalt  }
0x46: {  	_ =	shalt  }
0x47: {  	_ =	shalt  }
0x48: {  	_ =	shalt  }
0x49: {  	_ =	shalt  }
0x4a: {  	_ =	shalt  }
0x4b: {  	_ =	shalt  }
0x4c: {  	_ =	shalt  }
0x4d: {  	_ =	shalt  }
0x4e: {  	_ =	shalt  }
0x4f: {  	_ =	shalt  }
0x50: {  	_ =	shalt  }
0x51: {  	_ =	shalt  }
0x52: {  	_ =	shalt  }
0x53: {  	_ =	shalt  }
0x54: {  	_ =	shalt  }
0x55: {  	_ =	shalt  }
0x56: {  	_ =	shalt  }
0x57: {  	_ =	shalt  }
0x58: {  	_ =	shalt  }
0x59: {  	_ =	shalt  }
0x5a: {  	_ =	shalt  }
0x5b: {  	_ =	shalt  }
0x5c: {  	_ =	shalt  }
0x5d: {  	_ =	shalt  }
0x5e: {  	_ =	shalt  }
0x5f: {  	_ =	shalt  }
0x60: {  	_ =	shalt  }
0x61: {  	_ =	shalt  }
0x62: {  	_ =	shalt  }
0x63: {  	_ =	shalt  }
0x64: {  	_ =	shalt  }
0x65: {  	_ =	shalt  }
0x66: {  	_ =	shalt  }
0x67: {  	_ =	shalt  }
0x68: {  	_ =	shalt  }
0x69: {  	_ =	shalt  }
0x6a: {  	_ =	shalt  }
0x6b: {  	_ =	shalt  }
0x6c: {  	_ =	shalt  }
0x6d: {  	_ =	shalt  }
0x6e: {  	_ =	shalt  }
0x6f: {  	_ =	shalt  }
0x70: {  	_ =	shalt  }
0x71: {  	_ =	shalt  }
0x72: {  	_ =	shalt  }
0x73: {  	_ =	shalt  }
0x74: {  	_ =	shalt  }
0x75: {  	_ =	shalt  }
0x76: {  	_ =	shalt  }
0x77: {  	_ =	shalt  }
0x78: {  	_ =	shalt  }
0x79: {  	_ =	shalt  }
0x7a: {  	_ =	shalt  }
0x7b: {  	_ =	shalt  }
0x7c: {  	_ =	shalt  }
0x7d: {  	_ =	shalt  }
0x7e: {  	_ =	shalt  }
0x7f: {  	_ =	shalt  }
0x80: {  	_ =	shalt  }
0x81: {  	_ =	shalt  }
0x82: {  	_ =	shalt  }
0x83: {  	_ =	shalt  }
0x84: {  	_ =	shalt  }
0x85: {  	_ =	shalt  }
0x86: {  	_ =	shalt  }
0x87: {  	_ =	shalt  }
.Lfunc_end0:
.L_simem_size_0:
called_computation.1_lowered:
.L_overlay_start_0:
0x88: {  	s2 =	sld [smem:$0x3FD9]  }
0x89: {  	s3 =	sld [smem:$0x3FFE];
	_ =	sdelay $0x1  }
0x8a: {  	s1 =	srdreg.scid  }
0x8b: {  	s0 =	sand.u32 $0x1, s1  }
0x8c: {  	s17 =	sshll.u32 s0, $0xA;
	s2 =	sadd.s32 s3, s2  }
0x8d: {  	s2 =	sadd.s32 s2, s17  }
0x8e: {  	[smem:$0x3FC4] =	sst s2  }
0x8f: {  	_ = 	snop  }
0x90: {  	s2 =	sld [smem:$0x3FD0];
	(tm) =	ssettm $0x1  }
0x91: {  	s18 =	sld [smem:$0x3FFB];
	_ =	sdelay $0x3  }
0x92: {  	_ =	strace s18  }
0x93: {  	s3 =	sld [smem:$0x3FFC];
	_ =	sdelay $0x3  }
0x94: {  	_ =	strace s3  }
0x95: {  	s3 =	sld [smem:$0x3FFD];
	_ =	sdelay $0x3  }
0x96: {  	_ =	strace s3  }
0x97: {  	_ =	strace $0x8FFFFFFF  }
0x98: {  	s19 =	sld [smem:$0x3FDB];
	_ =	sdelay $0x1  }
0x99: {  	s4 =	simm.s32 $_scs_section_size  }
0x9a: {  	s5 =	simm.s32 $_size__tile_overlayer_lowered;
	s6 =	simm.s32 $_tile_overlayer_lowered  }
0x9b: {  	s22 =	simm.s32 $0x1BFF;
	s21 =	sshll.u32 s6, $0x1;
	s3 =	sadd.s32 s4, s19  }
0x9c: {  	s7 =	simm.s32 $0x0;
	s20 =	sshll.u32 s5, $0x1;
	s5 =	sadd.s32 s21, s3  }
0x9d: {  	[timem:s7], [sflag:s22] =	dma.local [hbm:s5], s20  }
0x9e: {  	_ =	swait.ge [sflag:s22], s20  }
0x9f: {  	s4 =	ssub.s32 $0x0, s20;
	[sflag:s22] =	ssyncset.done $0x0  }
0xa0: {  	[sflag:s22] =	ssyncadd.s32 s4;
	_ =	sdelay $0x1  }
0xa1: {  	s23 =	simm.s32 $0x1B8B  }
0xa2: {  	_ =	swait.ge [sflag:s23], $0x1  }
0xa3: {  	[sflag:s23] =	ssyncset.done $0x0  }
0xa4: {  	s25 =	simm.s32 $0x1B8E;
	s24 =	sld [smem:$0x3FFE];
	[sflag:s23] =	ssyncadd.s32 $0xFFFFFFFF  }
0xa5: {  	s26 =	simm.s32 $execute0_lowered;
	[smem:$0x3FD2] =	sst s25  }
0xa6: {  	s5 =	sshll.u32 s26, $0x1;
	_ =	strace $0x80000049;
	[dreg:$0x1] =	wrdreg $0xFFFFFFFF  }
0xa7: {  	s28 =	simm.s32 $_size_execute0_lowered;
	s3 =	sadd.s32 s3, s5;
	[dreg:$0x0] =	wrdreg $0x0  }
0xa8: {  	s5 =	sshll.u32 s28, $0x1;
	[dreg:$0x2] =	wrdreg s3  }
0xa9: {  	[dreg:$0x3] =	wrdreg s5  }
0xaa: {  	[dreg:$0x4] =	wrdreg $0xC0  }
0xab: {  	_ =	task [dreg:s7], $0x5FFFF  }
0xac: {  	[dreg:$0x1] =	wrdreg $0xFFFFFFFF  }
0xad: {  	[dreg:$0x0] =	wrdreg $0x60  }
0xae: {  	[dreg:$0x2] =	wrdreg s2  }
0xaf: {  	[dreg:$0x3] =	wrdreg s24  }
0xb0: {  	[dreg:$0x4] =	wrdreg $0xBC000  }
0xb1: {  	[dreg:$0x5] =	wrdreg $0x9  }
0xb2: {  	_ =	task.clear_ibuf [dreg:s7], $0x6FFFF;
	_ =	strace $0x90000049  }
0xb3: {  	s29 =	simm.s32 $0x9;
	_ =	strace $0x8000004B  }
0xb4: {  	_ =	swait.ge [sflag:s29], $0x1  }
0xb5: {  	[sflag:s29] =	ssyncadd.s32 $0xFFFFFFFF  }
0xb6: {  	_ =	strace $0x9000004B  }
0xb7: {  	_ =	sfence  }
0xb8: {  	s30 =	sld [smem:$0x0];
	_ =	sdelay $0x2  }
0xb9: {  	s31 =	sshll.u32 s1, $0xD;
	s1 =	sshrl.u32 s1, $0x2  }
0xba: {  	s3 =	sand.u32 $0x4000, s31;
	s1 =	sadd.s32 s1, s30  }
0xbb: {  	s0 =	sor.u32 s3, s0;
	s1 =	sshll.u32 s1, $0x11  }
0xbc: {  	s0 =	sor.u32 s1, s0  }
0xbd: {  	s0 =	sadd.s32 $0x8F2B, s0  }
0xbe: {  	[sflag:s0] =	ssyncadd.remote.s32 $0x1  }
0xbf: {  	_ =	sfence.sel $0xFFFF  }
0xc0: {  	[dreg:$0x0] =	wrdreg $0xFFFFFFFF;
	(pc) =	sbr.abs _section_cstart, $3  }
0xc1: {  	[dreg:$0x1] =	wrdreg $0xFFFFFFFF  }
0xc2: {  	_ =	task.clear_ibuf [dreg:s7], $0x2FFFF;
	_ =	strace $0x9FFFFFFF  }
0xc3: {  	(tm) =	ssettm $0x7FFFFFFF  }
tec
execute0_lowered:
.L_overlay_start_1:
0x0: {  	(tag) =	ssettag $0x1  }
0x1: {  	s0 =	rddreg [dreg:$0x0]  }
0x2: {  	s2 =	rddreg [dreg:$0x1]  }
0x3: {  	s1 =	rddreg [dreg:$0x2]  }
0x4: {  	s3 =	simm.s32 $0x0;
	s4 =	srdreg.scid;
	s8 =	stileid.u32  }
0x5: {  	s19 =	simm.s32 $0x4;
	s20 =	simm.s32 $0x3;
	s21 =	simm.s32 $0x80  }
0x6: {  	s28 =	simm.s32 $0x3B00;
	s29 =	simm.s32 $0x3B80;
	s30 =	simm.s32 $0x0  }
0x7: {  	[smem:$0x7FF] =	sst s3;
	s9 =	sand.u32 $0x1, s4;
	s6 =	smul.u32 $0x50000, s8  }
0x8: {  	s4 =	sadd.s32 $0x2000, s2;
	s2 =	sadd.s32 $0x2A000, s2;
	s11 =	smul.u32 $0x14000, s8  }
0x9: {  	_ =	strace $0x8000004A;
	s5 =	ssub.s32 $0x2, s9;
	s22 =	sshll.u32 s9, $0x4  }
0xa: {  	s18 =	smul.u32 $0x140000, s9;
	s7 =	sshrl.u32 s5, $0x1;
	s6 =	sshrl.u32 s6, $0x2  }
0xb: {  	s8 =	sor.u32 s8, s22;
	s12 =	sadd.s32 $0x4000, s11;
	s14 =	sadd.s32 $0x8000, s11  }
0xc: {  	s15 =	sadd.s32 $0xC000, s11;
	s16 =	sadd.s32 $0x10000, s11;
	s22 =	simm.s32 $0x1400  }
0xd: {  	s17 =	ssub.s32 s5, s7;
	s5 =	sadd.s32 s6, s1;
	s10 =	smul.u32 $0x500, s8  }
0xe: {  	s6 =	sadd.s32 s12, s1;
	s7 =	sadd.s32 s14, s1;
	s13 =	smul.u32 $0x2800, s8  }
0xf: {  	s8 =	sadd.s32 s15, s1;
	s9 =	sadd.s32 s16, s1;
	s23 =	sadd.s32 s11, s18  }
0x10: {  	s12 =	sadd.s32 s18, s12;
	s26 =	sadd.s32 s18, s14;
	s15 =	sadd.s32 s18, s15  }
0x11: {  	s16 =	sadd.s32 s18, s16;
	s18 =	simm.s32 $0x3C00;
	s24 =	sshrl.u32 s23, $0x3  }
0x12: {  	s25 =	sshrl.u32 s12, $0x3;
	s31 =	sshrl.u32 s15, $0x3;
	s16 =	sshrl.u32 s16, $0x3  }
0x13: {  	s17 =	smax.u32 s17, $0x1;
	s23 =	simm.s32 $0x1;
	s10 =	sadd.s32 s0, s10  }
0x14: {  	v8 =	vlaneseq.u32;
	s13 =	sshrl.u32 s13, $0x3;
	s12 =	sadd.s32 s2, s24;
	s15 =	sadd.s32 s2, s31  }
0x15: {  	v0 =	vimm.f32 $0.0e+00;
	v1 =	vor.u32 $0x2710, v8;
	v2 =	vor.u32 $0x2720, v8;
	s16 =	sadd.s32 s2, s16;
	s24 =	simm.s32 $0x7C00;
	s0 =	sadd.s32 s0, s13  }
0x16: {  	v3 =	vor.u32 $0x2730, v8;
	v4 =	vor.u32 $0x2740, v8;
	v5 =	vor.u32 $0x2750, v8;
	s13 =	sadd.s32 s2, s25;
	s11 =	sadd.s32 $0x280, s0;
	s0 =	sshrl.u32 s26, $0x3  }
0x17: {  	v6 =	vor.u32 $0x2760, v8;
	v7 =	vor.u32 $0x2770, v8;
	v8 =	vor.u32 $0x2780, v8;
	s25 =	simm.s32 $0x2;
	s26 =	simm.s32 $0x2780;
	s14 =	sadd.s32 s2, s0  }
.LBB2_1:
0x18: {  	s0 =	simm.s32 $0x0;
	s2 =	simm.s32 $0x200  }
.LBB2_2:
0x19: {  	p0 =	sne.s32 s2, $0xFE00;
	[tilespmem:s0+$0x3C70] =	vst v0  }
0x1a: {  	[tilespmem:s0+$0x3C00] =	vst v0  }
0x1b: {  	[tilespmem:s0+$0x3C10] =	vst v0  }
.Ltmp0:
0x1c: {  	[tilespmem:s0+$0x3C20] =	vst v0;
	(pc) =	sbr.rel @p0 .LBB2_2-.Ltmp0, $4  }
0x1d: {  	[tilespmem:s0+$0x3C30] =	vst v0  }
0x1e: {  	[tilespmem:s0+$0x3C40] =	vst v0  }
0x1f: {  	[tilespmem:s0+$0x3C50] =	vst v0  }
0x20: {  	[tilespmem:s0+$0x3C60] =	vst v0;
	s0 =	sshra.s32 s2, $0x2;
	s2 =	sadd.s32 $0x200, s2  }
0x21: {  	[tilespmem:s0+$0x3C70] =	vst v0  }
0x22: {  	[tilespmem:s0+$0x3C00] =	vst v0  }
0x23: {  	[tilespmem:s0+$0x3C10] =	vst v0  }
0x24: {  	[tilespmem:s0+$0x3C20] =	vst v0  }
0x25: {  	[tilespmem:s0+$0x3C30] =	vst v0  }
0x26: {  	[tilespmem:s0+$0x3C40] =	vst v0  }
0x27: {  	[tilespmem:s0+$0x3C50] =	vst v0  }
0x28: {  	[tilespmem:s0+$0x3C60] =	vst v0  }
0x29: {  	[spmem:s5] =	stream.linear.scatter [tilespmem:s18], [sflag:$0x3], $0x4000, $0x38;
	[tilespmem:$0x1FC00] =	vst v63  }
0x2a: {  	_ = 	snop  }
0x2b: {  	[spmem:s6] =	stream.linear.scatter [tilespmem:s18], [sflag:$0x3], $0x4000, $0x38;
	[tilespmem:$0x1FC00] =	vst v63  }
0x2c: {  	_ = 	snop  }
0x2d: {  	[spmem:s7] =	stream.linear.scatter [tilespmem:s18], [sflag:$0x3], $0x4000, $0x38;
	[tilespmem:$0x1FC00] =	vst v63  }
0x2e: {  	_ = 	snop  }
0x2f: {  	[spmem:s8] =	stream.linear.scatter [tilespmem:s18], [sflag:$0x3], $0x4000, $0x38;
	[tilespmem:$0x1FC00] =	vst v63  }
0x30: {  	_ = 	snop  }
0x31: {  	[spmem:s9] =	stream.linear.scatter [tilespmem:s18], [sflag:$0x3], $0x4000, $0x38;
	[tilespmem:$0x1FC00] =	vst v63  }
0x32: {  	s2 =	simm.s32 $0x0  }
0x33: {  	[tilespmem:s2], [sflag:$0x4] =	stream.linear.gather [hbm4b:s10+s2], $0x1400, $0x38;
	[tilespmem:$0x1FC00] =	vst v63  }
0x34: {  	_ =	swait.ge [sflag:s19], $0x1400  }
0x35: {  	[sflag:s19] =	ssyncset.done $0x0  }
0x36: {  	s31 =	simm.s32 $0x0;
	[sflag:s19] =	ssyncadd.s32 $0xFFFFEC00  }
0x37: {  	v9 =	vld [tilespmem:s31+$0x70]  }
0x38: {  	v10 =	vld [tilespmem:s31+$0x0]  }
0x39: {  	v12 =	vld [tilespmem:s31+$0x20]  }
0x3a: {  	v16 =	vld [tilespmem:s31+$0x50]  }
0x3b: {  	v11 =	vld [tilespmem:s31+$0x10];
	_ =	sdelay $0x1  }
0x3c: {  	v13 =	vld [tilespmem:s31+$0x30];
	v15 =	vshrl.u32 v9, $0xE;
	v9 =	vand.u32 $0x3FFF, v9  }
0x3d: {  	v14 =	vld [tilespmem:s31+$0x40];
	v17 =	vshrl.u32 v10, $0xE;
	v10 =	vand.u32 $0x3FFF, v10;
	v62 =	vshrl.u32 v12, $0xE;
	[tilespmem:s31+$0x1470] =	vst v15  }
0x3e: {  	v12 =	vand.u32 $0x3FFF, v12;
	v63 =	vshrl.u32 v16, $0xE;
	v16 =	vand.u32 $0x3FFF, v16;
	[tilespmem:s31+$0x1400] =	vst v17  }
0x3f: {  	v18 =	vld [tilespmem:s31+$0x60];
	vm0 =	veq.s32 v15, v9;
	v15 =	vshrl.u32 v11, $0xE;
	v11 =	vand.u32 $0x3FFF, v11;
	[tilespmem:s31+$0x1420] =	vst v62  }
0x40: {  	vm14 =	veq.s32 v17, v10;
	vm2 =	veq.s32 v62, v12;
	[tilespmem:s31+$0x1450] =	vst v63;
	vm15 =	veq.s32 v63, v16  }
0x41: {  	v9 =	vsel vm0, v8, v9;
	[tilespmem:s31+$0x1410] =	vst v15;
	vm1 =	veq.s32 v15, v11;
	v15 =	vand.u32 $0x3FFF, v13  }
0x42: {  	v10 =	vsel vm14, v1, v10;
	[tilespmem:s31+$0x2870] =	vst v9;
	v9 =	vshrl.u32 v13, $0xE;
	v13 =	vshrl.u32 v14, $0xE  }
0x43: {  	v14 =	vand.u32 $0x3FFF, v14;
	[tilespmem:s31+$0x2800] =	vst v10;
	v10 =	vsel vm1, v2, v11;
	vm3 =	veq.s32 v9, v15  }
0x44: {  	[tilespmem:s31+$0x1430] =	vst v9;
	vm4 =	veq.s32 v13, v14;
	v9 =	vshrl.u32 v18, $0xE;
	v18 =	vand.u32 $0x3FFF, v18  }
0x45: {  	[tilespmem:s31+$0x1440] =	vst v13;
	v13 =	vsel vm2, v3, v12;
	v12 =	vsel vm15, v6, v16;
	vm5 =	veq.s32 v9, v18  }
0x46: {  	s0 =	simm.s32 $0x80;
	s2 =	simm.s32 $0x400;
	[tilespmem:s31+$0x2810] =	vst v10;
	v11 =	vsel vm3, v4, v15;
	v14 =	vsel vm4, v5, v14;
	v10 =	vsel vm5, v7, v18  }
.LBB2_4:
0x47: {  	p0 =	sne.s32 s2, $0x4E00;
	v15 =	vld [tilespmem:s0+$0x70];
	[tilespmem:s31+$0x2820] =	vst v13  }
0x48: {  	v13 =	vld [tilespmem:s0+$0x0];
	[tilespmem:s31+$0x2830] =	vst v11  }
0x49: {  	v11 =	vld [tilespmem:s0+$0x10];
	[tilespmem:s31+$0x2840] =	vst v14  }
0x4a: {  	v14 =	vld [tilespmem:s0+$0x20];
	[tilespmem:s31+$0x2850] =	vst v12  }
0x4b: {  	v12 =	vld [tilespmem:s0+$0x30];
	[tilespmem:s31+$0x2860] =	vst v10  }
0x4c: {  	v10 =	vld [tilespmem:s0+$0x40];
	v16 =	vshrl.u32 v15, $0xE;
	v15 =	vand.u32 $0x3FFF, v15;
	[tilespmem:s31+$0x1460] =	vst v9;
	s31 =	smov.u32 s0  }
0x4d: {  	v9 =	vshrl.u32 v13, $0xE;
	v13 =	vand.u32 $0x3FFF, v13;
	v17 =	vld [tilespmem:s31+$0x50];
	[tilespmem:s31+$0x1470] =	vst v16;
	vm0 =	veq.s32 v16, v15  }
0x4e: {  	[tilespmem:s31+$0x1400] =	vst v9;
	v16 =	vshrl.u32 v11, $0xE;
	v11 =	vand.u32 $0x3FFF, v11;
	v18 =	vld [tilespmem:s31+$0x60];
	v15 =	vsel vm0, v8, v15  }
0x4f: {  	vm0 =	veq.s32 v9, v13;
	v9 =	vshrl.u32 v14, $0xE;
	v14 =	vand.u32 $0x3FFF, v14;
	[tilespmem:s31+$0x2870] =	vst v15  }
0x50: {  	vm1 =	veq.s32 v16, v11;
	[tilespmem:s31+$0x1410] =	vst v16;
	v15 =	vshrl.u32 v12, $0xE;
	v12 =	vand.u32 $0x3FFF, v12  }
0x51: {  	vm2 =	veq.s32 v9, v14;
	[tilespmem:s31+$0x1420] =	vst v9;
	v9 =	vshrl.u32 v10, $0xE;
	v10 =	vand.u32 $0x3FFF, v10  }
.Ltmp1:
0x52: {  	vm3 =	veq.s32 v15, v12;
	[tilespmem:s31+$0x1430] =	vst v15;
	v15 =	vshrl.u32 v17, $0xE;
	v16 =	vand.u32 $0x3FFF, v17;
	(pc) =	sbr.rel @p0 .LBB2_4-.Ltmp1, $4  }
0x53: {  	vm4 =	veq.s32 v9, v10;
	[tilespmem:s31+$0x1440] =	vst v9;
	v9 =	vshrl.u32 v18, $0xE;
	v17 =	vand.u32 $0x3FFF, v18  }
0x54: {  	v13 =	vsel vm0, v1, v13;
	vm0 =	veq.s32 v15, v16;
	[tilespmem:s31+$0x1450] =	vst v15;
	vm5 =	veq.s32 v9, v17  }
0x55: {  	v15 =	vsel vm1, v2, v11;
	v11 =	vsel vm3, v4, v12;
	[tilespmem:s31+$0x2800] =	vst v13;
	v13 =	vsel vm2, v3, v14  }
0x56: {  	s0 =	sshra.s32 s2, $0x2;
	s2 =	sadd.s32 $0x200, s2;
	v12 =	vsel vm0, v6, v16;
	v14 =	vsel vm4, v5, v10;
	v10 =	vsel vm5, v7, v17;
	[tilespmem:s31+$0x2810] =	vst v15  }
0x57: {  	v15 =	vld [tilespmem:s0+$0x70];
	[tilespmem:s31+$0x2820] =	vst v13  }
0x58: {  	v13 =	vld [tilespmem:s0+$0x0];
	[tilespmem:s31+$0x2830] =	vst v11  }
0x59: {  	v11 =	vld [tilespmem:s0+$0x10];
	[tilespmem:s31+$0x2840] =	vst v14  }
0x5a: {  	v14 =	vld [tilespmem:s0+$0x20];
	[tilespmem:s31+$0x2850] =	vst v12  }
0x5b: {  	v12 =	vld [tilespmem:s0+$0x30];
	[tilespmem:s31+$0x2860] =	vst v10  }
0x5c: {  	v10 =	vld [tilespmem:s0+$0x40];
	[tilespmem:s31+$0x1460] =	vst v9;
	v9 =	vshrl.u32 v15, $0xE;
	v15 =	vand.u32 $0x3FFF, v15  }
0x5d: {  	v17 =	vshrl.u32 v13, $0xE;
	[tilespmem:s0+$0x1470] =	vst v9;
	vm0 =	veq.s32 v9, v15  }
0x5e: {  	[tilespmem:s0+$0x1400] =	vst v17;
	v15 =	vsel vm0, v8, v15  }
0x5f: {  	v13 =	vand.u32 $0x3FFF, v13;
	v18 =	vshrl.u32 v11, $0xE;
	[tilespmem:s0+$0x2870] =	vst v15  }
0x60: {  	vm11 =	veq.s32 v17, v13;
	v60 =	vshrl.u32 v14, $0xE;
	[tilespmem:s0+$0x1410] =	vst v18  }
0x61: {  	v16 =	vld [tilespmem:s0+$0x50];
	v11 =	vand.u32 $0x3FFF, v11;
	v13 =	vsel vm11, v1, v13;
	[tilespmem:s0+$0x1420] =	vst v60  }
0x62: {  	vm1 =	veq.s32 v18, v11;
	v19 =	vshrl.u32 v12, $0xE;
	[tilespmem:s0+$0x2800] =	vst v13  }
0x63: {  	v9 =	vld [tilespmem:s0+$0x60];
	v14 =	vand.u32 $0x3FFF, v14;
	v11 =	vsel vm1, v2, v11;
	[tilespmem:s0+$0x1430] =	vst v19  }
0x64: {  	vm2 =	veq.s32 v60, v14;
	v20 =	vshrl.u32 v10, $0xE;
	[tilespmem:s0+$0x2810] =	vst v11  }
0x65: {  	v12 =	vand.u32 $0x3FFF, v12;
	v14 =	vsel vm2, v3, v14;
	[tilespmem:s0+$0x1440] =	vst v20  }
0x66: {  	vm12 =	veq.s32 v19, v12;
	v61 =	vshrl.u32 v16, $0xE;
	[tilespmem:s0+$0x2820] =	vst v14  }
0x67: {  	v10 =	vand.u32 $0x3FFF, v10;
	v12 =	vsel vm12, v4, v12;
	[tilespmem:s0+$0x1450] =	vst v61  }
0x68: {  	v62 =	vand.u32 $0x3FFF, v16;
	vm13 =	veq.s32 v20, v10;
	v11 =	vshrl.u32 v9, $0xE;
	[tilespmem:s0+$0x2830] =	vst v12  }
0x69: {  	v9 =	vand.u32 $0x3FFF, v9;
	vm14 =	veq.s32 v61, v62;
	v10 =	vsel vm13, v5, v10;
	[tilespmem:s0+$0x1460] =	vst v11  }
0x6a: {  	vm15 =	veq.s32 v11, v9;
	v63 =	vsel vm14, v6, v62;
	[tilespmem:s0+$0x2840] =	vst v10  }
0x6b: {  	v9 =	vsel vm15, v7, v9;
	[tilespmem:s0+$0x2850] =	vst v63  }
0x6c: {  	[tilespmem:s0+$0x2860] =	vst v9  }
0x6d: {  	_ =	swait.ge [sflag:s20], $0x4000  }
0x6e: {  	[sflag:s20] =	ssyncset.done $0x0  }
0x6f: {  	[sflag:s20] =	ssyncadd.s32 $0xFFFFC000  }
0x70: {  	_ =	swait.ge [sflag:s20], $0x4000  }
0x71: {  	[sflag:s20] =	ssyncset.done $0x0  }
0x72: {  	[sflag:s20] =	ssyncadd.s32 $0xFFFFC000  }
0x73: {  	_ =	swait.ge [sflag:s20], $0x4000  }
0x74: {  	[sflag:s20] =	ssyncset.done $0x0  }
0x75: {  	[sflag:s20] =	ssyncadd.s32 $0xFFFFC000  }
0x76: {  	_ =	swait.ge [sflag:s20], $0x4000  }
0x77: {  	[sflag:s20] =	ssyncset.done $0x0  }
0x78: {  	[sflag:s20] =	ssyncadd.s32 $0xFFFFC000  }
0x79: {  	_ =	swait.ge [sflag:s20], $0x4000  }
0x7a: {  	[sflag:s20] =	ssyncset.done $0x0  }
0x7b: {  	[sflag:s20] =	ssyncadd.s32 $0xFFFFC000  }
0x7c: {  	[bflag:$0x0] =	sbarrier.arrive $0xFFFF  }
0x7d: {  	[tilespmem:s18], [sflag:$0x1] =	stream.indirect.gather [hbm4b:s4+s21], $0x80, s22, s21, $0xb8;
	[tilespmem:$0x1FC00] =	vst v63  }
0x7e: {  	_ =	swait.ge [sflag:s23], $0x4000  }
0x7f: {  	[sflag:s23] =	ssyncset.done $0x0  }
0x80: {  	s2 =	simm.s32 $0x1480;
	[sflag:s23] =	ssyncadd.s32 $0xFFFFC000  }
0x81: {  	[tilespmem:s24], [sflag:$0x2] =	stream.indirect.gather [hbm4b:s4+s21], $0x80, s2, s21, $0xb8;
	[tilespmem:$0x1FC00] =	vst v63  }
0x82: {  	s31 =	simm.s32 $0x2800  }
0x83: {  	[spmem:s1] =	stream.indirect.scatter.add.f32 [tilespmem:s18], [sflag:$0x4], $0x80, s31, s21, $0xb8;
	[tilespmem:$0x1FC00] =	vst v63  }
0x84: {  	_ =	swait.ge [sflag:s19], $0x4000  }
0x85: {  	[sflag:s19] =	ssyncset.done $0x0  }
0x86: {  	[sflag:s19] =	ssyncadd.s32 $0xFFFFC000  }
0x87: {  	_ =	swait.ge [sflag:s25], $0x4000  }
0x88: {  	[sflag:s25] =	ssyncset.done $0x0  }
0x89: {  	s2 =	simm.s32 $0x1500;
	[sflag:s25] =	ssyncadd.s32 $0xFFFFC000  }
0x8a: {  	[tilespmem:s18], [sflag:$0x1] =	stream.indirect.gather [hbm4b:s4+s21], $0x80, s2, s21, $0xb8;
	[tilespmem:$0x1FC00] =	vst v63  }
0x8b: {  	s31 =	simm.s32 $0x2880  }
0x8c: {  	[spmem:s1] =	stream.indirect.scatter.add.f32 [tilespmem:s24], [sflag:$0x4], $0x80, s31, s21, $0xb8;
	[tilespmem:$0x1FC00] =	vst v63  }
0x8d: {  	_ =	swait.ge [sflag:s19], $0x4000  }
0x8e: {  	s0 =	simm.s32 $0x400;
	[sflag:s19] =	ssyncset.done $0x0  }
.LBB2_6:
0x8f: {  	p0 =	sne.s32 s0, $0x4800  }
0x90: {  	[sflag:s19] =	ssyncadd.s32 $0xFFFFC000;
	s2 =	smov.u32 s0;
	s0 =	sadd.s32 $0x400, s0  }
0x91: {  	_ = 	snop  }
0x92: {  	_ =	swait.ge [sflag:s23], $0x4000  }
0x93: {  	s2 =	sshra.s32 s2, $0x2;
	[sflag:s23] =	ssyncset.done $0x0  }
0x94: {  	s31 =	sadd.s32 $0x1480, s2;
	[sflag:s23] =	ssyncadd.s32 $0xFFFFC000  }
0x95: {  	[tilespmem:s24], [sflag:$0x2] =	stream.indirect.gather [hbm4b:s4+s21], $0x80, s31, s21, $0xb8;
	[tilespmem:$0x1FC00] =	vst v63  }
0x96: {  	s31 =	sadd.s32 $0x2800, s2  }
0x97: {  	[spmem:s1] =	stream.indirect.scatter.add.f32 [tilespmem:s18], [sflag:$0x4], $0x80, s31, s21, $0xb8;
	[tilespmem:$0x1FC00] =	vst v63  }
0x98: {  	_ =	swait.ge [sflag:s19], $0x4000  }
0x99: {  	[sflag:s19] =	ssyncset.done $0x0  }
0x9a: {  	[sflag:s19] =	ssyncadd.s32 $0xFFFFC000  }
0x9b: {  	_ =	swait.ge [sflag:s25], $0x4000  }
0x9c: {  	[sflag:s25] =	ssyncset.done $0x0  }
0x9d: {  	s31 =	sadd.s32 $0x1500, s2;
	[sflag:s25] =	ssyncadd.s32 $0xFFFFC000  }
0x9e: {  	[tilespmem:s18], [sflag:$0x1] =	stream.indirect.gather [hbm4b:s4+s21], $0x80, s31, s21, $0xb8;
	[tilespmem:$0x1FC00] =	vst v63  }
.Ltmp2:
0x9f: {  	_ = 	snop;
	(pc) =	sbr.rel @p0 .LBB2_6-.Ltmp2, $4  }
0xa0: {  	s2 =	sadd.s32 $0x2880, s2  }
0xa1: {  	[spmem:s1] =	stream.indirect.scatter.add.f32 [tilespmem:s24], [sflag:$0x4], $0x80, s2, s21, $0xb8;
	[tilespmem:$0x1FC00] =	vst v63  }
0xa2: {  	_ =	swait.ge [sflag:s19], $0x4000  }
0xa3: {  	[sflag:s19] =	ssyncset.done $0x0  }
0xa4: {  	[sflag:s19] =	ssyncadd.s32 $0xFFFFC000  }
0xa5: {  	_ =	swait.ge [sflag:s23], $0x4000  }
0xa6: {  	[sflag:s23] =	ssyncset.done $0x0  }
0xa7: {  	[sflag:s23] =	ssyncadd.s32 $0xFFFFC000  }
0xa8: {  	[tilespmem:s24], [sflag:$0x2] =	stream.indirect.gather [hbm4b:s4+s21], $0x80, s26, s21, $0xb8;
	[tilespmem:$0x1FC00] =	vst v63  }
0xa9: {  	_ = 	snop  }
0xaa: {  	[spmem:s1] =	stream.indirect.scatter.add.f32 [tilespmem:s18], [sflag:$0x4], $0x80, s28, s21, $0xb8;
	[tilespmem:$0x1FC00] =	vst v63  }
0xab: {  	_ =	swait.ge [sflag:s19], $0x4000  }
0xac: {  	[sflag:s19] =	ssyncset.done $0x0  }
0xad: {  	[sflag:s19] =	ssyncadd.s32 $0xFFFFC000  }
0xae: {  	_ =	swait.ge [sflag:s25], $0x4000  }
0xaf: {  	[sflag:s25] =	ssyncset.done $0x0  }
0xb0: {  	[sflag:s25] =	ssyncadd.s32 $0xFFFFC000  }
0xb1: {  	[spmem:s1] =	stream.indirect.scatter.add.f32 [tilespmem:s24], [sflag:$0x4], $0x80, s29, s21, $0xb8;
	[tilespmem:$0x1FC00] =	vst v63  }
0xb2: {  	_ =	swait.ge [sflag:s19], $0x4000  }
0xb3: {  	[sflag:s19] =	ssyncset.done $0x0  }
0xb4: {  	s0 =	simm.s32 $0x0;
	[sflag:s19] =	ssyncadd.s32 $0xFFFFC000  }
0xb5: {  	[tilespmem:s0], [sflag:$0x4] =	stream.linear.gather [hbm4b:s11+s0], $0x1400, $0x38;
	[tilespmem:$0x1FC00] =	vst v63  }
0xb6: {  	_ =	swait.ge [sflag:s19], $0x1400  }
0xb7: {  	[sflag:s19] =	ssyncset.done $0x0  }
0xb8: {  	s31 =	simm.s32 $0x0;
	[sflag:s19] =	ssyncadd.s32 $0xFFFFEC00  }
0xb9: {  	v9 =	vld [tilespmem:s31+$0x70]  }
0xba: {  	v10 =	vld [tilespmem:s31+$0x0]  }
0xbb: {  	v12 =	vld [tilespmem:s31+$0x20]  }
0xbc: {  	v16 =	vld [tilespmem:s31+$0x50]  }
0xbd: {  	v11 =	vld [tilespmem:s31+$0x10];
	_ =	sdelay $0x1  }
0xbe: {  	v13 =	vld [tilespmem:s31+$0x30];
	v15 =	vshrl.u32 v9, $0xE;
	v9 =	vand.u32 $0x3FFF, v9  }
0xbf: {  	v14 =	vld [tilespmem:s31+$0x40];
	v17 =	vshrl.u32 v10, $0xE;
	v10 =	vand.u32 $0x3FFF, v10;
	v62 =	vshrl.u32 v12, $0xE;
	[tilespmem:s31+$0x1470] =	vst v15  }
0xc0: {  	v12 =	vand.u32 $0x3FFF, v12;
	v63 =	vshrl.u32 v16, $0xE;
	v16 =	vand.u32 $0x3FFF, v16;
	[tilespmem:s31+$0x1400] =	vst v17  }
0xc1: {  	v18 =	vld [tilespmem:s31+$0x60];
	vm0 =	veq.s32 v15, v9;
	v15 =	vshrl.u32 v11, $0xE;
	v11 =	vand.u32 $0x3FFF, v11;
	[tilespmem:s31+$0x1420] =	vst v62  }
0xc2: {  	vm14 =	veq.s32 v17, v10;
	vm2 =	veq.s32 v62, v12;
	[tilespmem:s31+$0x1450] =	vst v63;
	vm15 =	veq.s32 v63, v16  }
0xc3: {  	v9 =	vsel vm0, v8, v9;
	[tilespmem:s31+$0x1410] =	vst v15;
	vm1 =	veq.s32 v15, v11;
	v15 =	vand.u32 $0x3FFF, v13  }
0xc4: {  	v10 =	vsel vm14, v1, v10;
	[tilespmem:s31+$0x2870] =	vst v9;
	v9 =	vshrl.u32 v13, $0xE;
	v13 =	vshrl.u32 v14, $0xE  }
0xc5: {  	v14 =	vand.u32 $0x3FFF, v14;
	[tilespmem:s31+$0x2800] =	vst v10;
	v10 =	vsel vm1, v2, v11;
	vm3 =	veq.s32 v9, v15  }
0xc6: {  	[tilespmem:s31+$0x1430] =	vst v9;
	vm4 =	veq.s32 v13, v14;
	v9 =	vshrl.u32 v18, $0xE;
	v18 =	vand.u32 $0x3FFF, v18  }
0xc7: {  	[tilespmem:s31+$0x1440] =	vst v13;
	v13 =	vsel vm2, v3, v12;
	v12 =	vsel vm15, v6, v16;
	vm5 =	veq.s32 v9, v18  }
0xc8: {  	s2 =	simm.s32 $0x400;
	s0 =	simm.s32 $0x80;
	[tilespmem:s31+$0x2810] =	vst v10;
	v11 =	vsel vm3, v4, v15;
	v14 =	vsel vm4, v5, v14;
	v10 =	vsel vm5, v7, v18  }
.LBB2_8:
0xc9: {  	p0 =	sne.s32 s2, $0x4E00;
	v15 =	vld [tilespmem:s0+$0x70];
	[tilespmem:s31+$0x2820] =	vst v13  }
0xca: {  	v13 =	vld [tilespmem:s0+$0x0];
	[tilespmem:s31+$0x2830] =	vst v11  }
0xcb: {  	v11 =	vld [tilespmem:s0+$0x10];
	[tilespmem:s31+$0x2840] =	vst v14  }
0xcc: {  	v14 =	vld [tilespmem:s0+$0x20];
	[tilespmem:s31+$0x2850] =	vst v12  }
0xcd: {  	v12 =	vld [tilespmem:s0+$0x30];
	[tilespmem:s31+$0x2860] =	vst v10  }
0xce: {  	v10 =	vld [tilespmem:s0+$0x40];
	v16 =	vshrl.u32 v15, $0xE;
	v15 =	vand.u32 $0x3FFF, v15;
	[tilespmem:s31+$0x1460] =	vst v9;
	s31 =	smov.u32 s0  }
0xcf: {  	v9 =	vshrl.u32 v13, $0xE;
	v13 =	vand.u32 $0x3FFF, v13;
	v17 =	vld [tilespmem:s31+$0x50];
	[tilespmem:s31+$0x1470] =	vst v16;
	vm0 =	veq.s32 v16, v15  }
0xd0: {  	[tilespmem:s31+$0x1400] =	vst v9;
	v16 =	vshrl.u32 v11, $0xE;
	v11 =	vand.u32 $0x3FFF, v11;
	v18 =	vld [tilespmem:s31+$0x60];
	v15 =	vsel vm0, v8, v15  }
0xd1: {  	vm0 =	veq.s32 v9, v13;
	v9 =	vshrl.u32 v14, $0xE;
	v14 =	vand.u32 $0x3FFF, v14;
	[tilespmem:s31+$0x2870] =	vst v15  }
0xd2: {  	vm1 =	veq.s32 v16, v11;
	[tilespmem:s31+$0x1410] =	vst v16;
	v15 =	vshrl.u32 v12, $0xE;
	v12 =	vand.u32 $0x3FFF, v12  }
0xd3: {  	vm2 =	veq.s32 v9, v14;
	[tilespmem:s31+$0x1420] =	vst v9;
	v9 =	vshrl.u32 v10, $0xE;
	v10 =	vand.u32 $0x3FFF, v10  }
.Ltmp3:
0xd4: {  	vm3 =	veq.s32 v15, v12;
	[tilespmem:s31+$0x1430] =	vst v15;
	v15 =	vshrl.u32 v17, $0xE;
	v16 =	vand.u32 $0x3FFF, v17;
	(pc) =	sbr.rel @p0 .LBB2_8-.Ltmp3, $4  }
0xd5: {  	vm4 =	veq.s32 v9, v10;
	[tilespmem:s31+$0x1440] =	vst v9;
	v9 =	vshrl.u32 v18, $0xE;
	v17 =	vand.u32 $0x3FFF, v18  }
0xd6: {  	v13 =	vsel vm0, v1, v13;
	vm0 =	veq.s32 v15, v16;
	[tilespmem:s31+$0x1450] =	vst v15;
	vm5 =	veq.s32 v9, v17  }
0xd7: {  	v15 =	vsel vm1, v2, v11;
	v11 =	vsel vm3, v4, v12;
	[tilespmem:s31+$0x2800] =	vst v13;
	v13 =	vsel vm2, v3, v14  }
0xd8: {  	s0 =	sshra.s32 s2, $0x2;
	s2 =	sadd.s32 $0x200, s2;
	v12 =	vsel vm0, v6, v16;
	v14 =	vsel vm4, v5, v10;
	v10 =	vsel vm5, v7, v17;
	[tilespmem:s31+$0x2810] =	vst v15  }
0xd9: {  	v15 =	vld [tilespmem:s0+$0x70];
	[tilespmem:s31+$0x2820] =	vst v13  }
0xda: {  	v13 =	vld [tilespmem:s0+$0x0];
	[tilespmem:s31+$0x2830] =	vst v11  }
0xdb: {  	v11 =	vld [tilespmem:s0+$0x10];
	[tilespmem:s31+$0x2840] =	vst v14  }
0xdc: {  	v14 =	vld [tilespmem:s0+$0x20];
	[tilespmem:s31+$0x2850] =	vst v12  }
0xdd: {  	v12 =	vld [tilespmem:s0+$0x30];
	[tilespmem:s31+$0x2860] =	vst v10  }
0xde: {  	v10 =	vld [tilespmem:s0+$0x40];
	[tilespmem:s31+$0x1460] =	vst v9;
	v9 =	vshrl.u32 v15, $0xE;
	v15 =	vand.u32 $0x3FFF, v15  }
0xdf: {  	v17 =	vshrl.u32 v13, $0xE;
	[tilespmem:s0+$0x1470] =	vst v9;
	vm0 =	veq.s32 v9, v15  }
0xe0: {  	[tilespmem:s0+$0x1400] =	vst v17;
	v15 =	vsel vm0, v8, v15  }
0xe1: {  	v13 =	vand.u32 $0x3FFF, v13;
	v18 =	vshrl.u32 v11, $0xE;
	[tilespmem:s0+$0x2870] =	vst v15  }
0xe2: {  	vm11 =	veq.s32 v17, v13;
	v60 =	vshrl.u32 v14, $0xE;
	[tilespmem:s0+$0x1410] =	vst v18  }
0xe3: {  	v16 =	vld [tilespmem:s0+$0x50];
	v11 =	vand.u32 $0x3FFF, v11;
	v13 =	vsel vm11, v1, v13;
	[tilespmem:s0+$0x1420] =	vst v60  }
0xe4: {  	vm1 =	veq.s32 v18, v11;
	v19 =	vshrl.u32 v12, $0xE;
	[tilespmem:s0+$0x2800] =	vst v13  }
0xe5: {  	v9 =	vld [tilespmem:s0+$0x60];
	v14 =	vand.u32 $0x3FFF, v14;
	v11 =	vsel vm1, v2, v11;
	[tilespmem:s0+$0x1430] =	vst v19  }
0xe6: {  	vm2 =	veq.s32 v60, v14;
	v20 =	vshrl.u32 v10, $0xE;
	[tilespmem:s0+$0x2810] =	vst v11  }
0xe7: {  	v12 =	vand.u32 $0x3FFF, v12;
	v14 =	vsel vm2, v3, v14;
	[tilespmem:s0+$0x1440] =	vst v20  }
0xe8: {  	vm12 =	veq.s32 v19, v12;
	v61 =	vshrl.u32 v16, $0xE;
	[tilespmem:s0+$0x2820] =	vst v14  }
0xe9: {  	v10 =	vand.u32 $0x3FFF, v10;
	v12 =	vsel vm12, v4, v12;
	[tilespmem:s0+$0x1450] =	vst v61  }
0xea: {  	v62 =	vand.u32 $0x3FFF, v16;
	vm13 =	veq.s32 v20, v10;
	v11 =	vshrl.u32 v9, $0xE;
	[tilespmem:s0+$0x2830] =	vst v12  }
0xeb: {  	v9 =	vand.u32 $0x3FFF, v9;
	vm14 =	veq.s32 v61, v62;
	v10 =	vsel vm13, v5, v10;
	[tilespmem:s0+$0x1460] =	vst v11  }
0xec: {  	vm15 =	veq.s32 v11, v9;
	v63 =	vsel vm14, v6, v62;
	[tilespmem:s0+$0x2840] =	vst v10  }
0xed: {  	v9 =	vsel vm15, v7, v9;
	[tilespmem:s0+$0x2850] =	vst v63  }
0xee: {  	[tilespmem:s0+$0x2860] =	vst v9  }
0xef: {  	[tilespmem:s18], [sflag:$0x1] =	stream.indirect.gather [hbm4b:s4+s21], $0x80, s22, s21, $0xb8;
	[tilespmem:$0x1FC00] =	vst v63  }
0xf0: {  	_ =	swait.ge [sflag:s23], $0x4000  }
0xf1: {  	[sflag:s23] =	ssyncset.done $0x0  }
0xf2: {  	s2 =	simm.s32 $0x1480;
	[sflag:s23] =	ssyncadd.s32 $0xFFFFC000  }
0xf3: {  	[tilespmem:s24], [sflag:$0x2] =	stream.indirect.gather [hbm4b:s4+s21], $0x80, s2, s21, $0xb8;
	[tilespmem:$0x1FC00] =	vst v63  }
0xf4: {  	s31 =	simm.s32 $0x2800  }
0xf5: {  	[spmem:s1] =	stream.indirect.scatter.add.f32 [tilespmem:s18], [sflag:$0x4], $0x80, s31, s21, $0xb8;
	[tilespmem:$0x1FC00] =	vst v63  }
0xf6: {  	_ =	swait.ge [sflag:s19], $0x4000  }
0xf7: {  	[sflag:s19] =	ssyncset.done $0x0  }
0xf8: {  	[sflag:s19] =	ssyncadd.s32 $0xFFFFC000  }
0xf9: {  	_ =	swait.ge [sflag:s25], $0x4000  }
0xfa: {  	[sflag:s25] =	ssyncset.done $0x0  }
0xfb: {  	s2 =	simm.s32 $0x1500;
	[sflag:s25] =	ssyncadd.s32 $0xFFFFC000  }
0xfc: {  	[tilespmem:s18], [sflag:$0x1] =	stream.indirect.gather [hbm4b:s4+s21], $0x80, s2, s21, $0xb8;
	[tilespmem:$0x1FC00] =	vst v63  }
0xfd: {  	s31 =	simm.s32 $0x2880  }
0xfe: {  	[spmem:s1] =	stream.indirect.scatter.add.f32 [tilespmem:s24], [sflag:$0x4], $0x80, s31, s21, $0xb8;
	[tilespmem:$0x1FC00] =	vst v63  }
0xff: {  	_ =	swait.ge [sflag:s19], $0x4000  }
0x100: {  	s0 =	simm.s32 $0x400;
	[sflag:s19] =	ssyncset.done $0x0  }
.LBB2_10:
0x101: {  	p0 =	sne.s32 s0, $0x4800  }
0x102: {  	[sflag:s19] =	ssyncadd.s32 $0xFFFFC000;
	s2 =	smov.u32 s0;
	s0 =	sadd.s32 $0x400, s0  }
0x103: {  	_ = 	snop  }
0x104: {  	_ =	swait.ge [sflag:s23], $0x4000  }
0x105: {  	s2 =	sshra.s32 s2, $0x2;
	[sflag:s23] =	ssyncset.done $0x0  }
0x106: {  	s31 =	sadd.s32 $0x1480, s2;
	[sflag:s23] =	ssyncadd.s32 $0xFFFFC000  }
0x107: {  	[tilespmem:s24], [sflag:$0x2] =	stream.indirect.gather [hbm4b:s4+s21], $0x80, s31, s21, $0xb8;
	[tilespmem:$0x1FC00] =	vst v63  }
0x108: {  	s31 =	sadd.s32 $0x2800, s2  }
0x109: {  	[spmem:s1] =	stream.indirect.scatter.add.f32 [tilespmem:s18], [sflag:$0x4], $0x80, s31, s21, $0xb8;
	[tilespmem:$0x1FC00] =	vst v63  }
0x10a: {  	_ =	swait.ge [sflag:s19], $0x4000  }
0x10b: {  	[sflag:s19] =	ssyncset.done $0x0  }
0x10c: {  	[sflag:s19] =	ssyncadd.s32 $0xFFFFC000  }
0x10d: {  	_ =	swait.ge [sflag:s25], $0x4000  }
0x10e: {  	[sflag:s25] =	ssyncset.done $0x0  }
0x10f: {  	s31 =	sadd.s32 $0x1500, s2;
	[sflag:s25] =	ssyncadd.s32 $0xFFFFC000  }
0x110: {  	[tilespmem:s18], [sflag:$0x1] =	stream.indirect.gather [hbm4b:s4+s21], $0x80, s31, s21, $0xb8;
	[tilespmem:$0x1FC00] =	vst v63  }
.Ltmp4:
0x111: {  	_ = 	snop;
	(pc) =	sbr.rel @p0 .LBB2_10-.Ltmp4, $4  }
0x112: {  	s2 =	sadd.s32 $0x2880, s2  }
0x113: {  	[spmem:s1] =	stream.indirect.scatter.add.f32 [tilespmem:s24], [sflag:$0x4], $0x80, s2, s21, $0xb8;
	[tilespmem:$0x1FC00] =	vst v63  }
0x114: {  	_ =	swait.ge [sflag:s19], $0x4000  }
0x115: {  	[sflag:s19] =	ssyncset.done $0x0  }
0x116: {  	[sflag:s19] =	ssyncadd.s32 $0xFFFFC000  }
0x117: {  	_ =	swait.ge [sflag:s23], $0x4000  }
0x118: {  	[sflag:s23] =	ssyncset.done $0x0  }
0x119: {  	[sflag:s23] =	ssyncadd.s32 $0xFFFFC000  }
0x11a: {  	[tilespmem:s24], [sflag:$0x2] =	stream.indirect.gather [hbm4b:s4+s21], $0x80, s26, s21, $0xb8;
	[tilespmem:$0x1FC00] =	vst v63  }
0x11b: {  	_ = 	snop  }
0x11c: {  	[spmem:s1] =	stream.indirect.scatter.add.f32 [tilespmem:s18], [sflag:$0x4], $0x80, s28, s21, $0xb8;
	[tilespmem:$0x1FC00] =	vst v63  }
0x11d: {  	_ =	swait.ge [sflag:s19], $0x4000  }
0x11e: {  	[sflag:s19] =	ssyncset.done $0x0  }
0x11f: {  	[sflag:s19] =	ssyncadd.s32 $0xFFFFC000  }
0x120: {  	_ =	swait.ge [sflag:s25], $0x4000  }
0x121: {  	[sflag:s25] =	ssyncset.done $0x0  }
0x122: {  	[sflag:s25] =	ssyncadd.s32 $0xFFFFC000  }
0x123: {  	[spmem:s1] =	stream.indirect.scatter.add.f32 [tilespmem:s24], [sflag:$0x4], $0x80, s29, s21, $0xb8;
	[tilespmem:$0x1FC00] =	vst v63  }
0x124: {  	_ =	swait.ge [sflag:s19], $0x4000  }
0x125: {  	[sflag:s19] =	ssyncset.done $0x0  }
0x126: {  	[sflag:s19] =	ssyncadd.s32 $0xFFFFC000  }
0x127: {  	[bflag:$0x0] =	sbarrier.arrive $0xFFFF  }
0x128: {  	[tilespmem:s18], [sflag:$0x4] =	stream.linear.gather [spmem:s5], $0x4000, $0x38;
	[tilespmem:$0x1FC00] =	vst v63  }
0x129: {  	_ =	swait.ge [sflag:s19], $0x4000  }
0x12a: {  	[sflag:s19] =	ssyncset.done $0x0  }
0x12b: {  	[sflag:s19] =	ssyncadd.s32 $0xFFFFC000  }
0x12c: {  	[hbm4b:s12+s3] =	stream.linear.scatter [tilespmem:s18], [sflag:$0x1], $0x4000, $0x38;
	[tilespmem:$0x1FC00] =	vst v63  }
0x12d: {  	_ = 	snop  }
0x12e: {  	[tilespmem:s24], [sflag:$0x4] =	stream.linear.gather [spmem:s6], $0x4000, $0x38;
	[tilespmem:$0x1FC00] =	vst v63  }
0x12f: {  	_ =	swait.ge [sflag:s19], $0x4000  }
0x130: {  	[sflag:s19] =	ssyncset.done $0x0  }
0x131: {  	[sflag:s19] =	ssyncadd.s32 $0xFFFFC000  }
0x132: {  	[hbm4b:s13+s3] =	stream.linear.scatter [tilespmem:s24], [sflag:$0x2], $0x4000, $0x38;
	[tilespmem:$0x1FC00] =	vst v63  }
0x133: {  	_ =	swait.ge [sflag:s23], $0x4000  }
0x134: {  	[sflag:s23] =	ssyncset.done $0x0  }
0x135: {  	[sflag:s23] =	ssyncadd.s32 $0xFFFFC000  }
0x136: {  	[tilespmem:s18], [sflag:$0x4] =	stream.linear.gather [spmem:s7], $0x4000, $0x38;
	[tilespmem:$0x1FC00] =	vst v63  }
0x137: {  	_ =	swait.ge [sflag:s19], $0x4000  }
0x138: {  	[sflag:s19] =	ssyncset.done $0x0  }
0x139: {  	[sflag:s19] =	ssyncadd.s32 $0xFFFFC000  }
0x13a: {  	[hbm4b:s14+s3] =	stream.linear.scatter [tilespmem:s18], [sflag:$0x1], $0x4000, $0x38;
	[tilespmem:$0x1FC00] =	vst v63  }
0x13b: {  	_ =	swait.ge [sflag:s25], $0x4000  }
0x13c: {  	[sflag:s25] =	ssyncset.done $0x0  }
0x13d: {  	[sflag:s25] =	ssyncadd.s32 $0xFFFFC000  }
0x13e: {  	[tilespmem:s24], [sflag:$0x4] =	stream.linear.gather [spmem:s8], $0x4000, $0x38;
	[tilespmem:$0x1FC00] =	vst v63  }
0x13f: {  	_ =	swait.ge [sflag:s19], $0x4000  }
0x140: {  	[sflag:s19] =	ssyncset.done $0x0  }
0x141: {  	[sflag:s19] =	ssyncadd.s32 $0xFFFFC000  }
0x142: {  	[hbm4b:s15+s3] =	stream.linear.scatter [tilespmem:s24], [sflag:$0x2], $0x4000, $0x38;
	[tilespmem:$0x1FC00] =	vst v63  }
0x143: {  	_ =	swait.ge [sflag:s23], $0x4000  }
0x144: {  	[sflag:s23] =	ssyncset.done $0x0  }
0x145: {  	[sflag:s23] =	ssyncadd.s32 $0xFFFFC000  }
0x146: {  	[tilespmem:s18], [sflag:$0x4] =	stream.linear.gather [spmem:s9], $0x4000, $0x38;
	[tilespmem:$0x1FC00] =	vst v63  }
0x147: {  	_ =	swait.ge [sflag:s19], $0x4000  }
0x148: {  	[sflag:s19] =	ssyncset.done $0x0  }
0x149: {  	s30 =	sadd.s32 $0x1, s30;
	[sflag:s19] =	ssyncadd.s32 $0xFFFFC000  }
0x14a: {  	[hbm4b:s16+s3] =	stream.linear.scatter [tilespmem:s18], [sflag:$0x1], $0x4000, $0x38;
	[tilespmem:$0x1FC00] =	vst v63  }
0x14b: {  	p0 =	sne.s32 s30, s17;
	_ =	swait.ge [sflag:s25], $0x4000  }
.Ltmp5:
0x14c: {  	[sflag:s25] =	ssyncset.done $0x0;
	(pc) =	sbr.rel @p0 .LBB2_1-.Ltmp5, $4  }
0x14d: {  	[sflag:s25] =	ssyncadd.s32 $0xFFFFC000  }
0x14e: {  	_ =	swait.ge [sflag:s23], $0x4000  }
0x14f: {  	[sflag:s23] =	ssyncset.done $0x0  }
0x150: {  	[sflag:s23] =	ssyncadd.s32 $0xFFFFC000  }
0x151: {  	_ =	sfence.sel $0x180000  }
0x152: {  	[bflag:$0x0] =	sbarrier.arrive $0xFFFF  }
0x153: {  	_ =	strace $0x9000004A  }
0x154: {  	s0 =	stileid.u32;
	[bflag:$0x2] =	sbarrier.arrive $0xFFFF  }
0x155: {  	p0 =	sne.s32 s0, $0x0;
	s0 =	rddreg [dreg:$0x3]  }
0x156: {  	s0 =	sadd.s32 @!p0 $0x100000, s0  }
0x157: {  	[sflag:s0] =	ssyncadd.tile.s32 @!p0 $0x1;
	_ =	shalt  }
.Lfunc_end2:
_tile_overlayer_lowered:
.L_overlay_start_2:
0x158: {  	(tag) =	ssettag $0x2  }
0x159: {  	s0 =	rddreg [dreg:$0x0];
	s2 =	stileid.u32  }
0x15a: {  	s1 =	rddreg [dreg:$0x1];
	p0 =	sne.s32 s2, $0x0  }
0x15b: {  	s3 =	rddreg [dreg:$0x2];
	[bflag:$0x3] =	sbarrier.arrive $0xFFFF;
	s2 =	simm.s32 @!p0 $0x1C04  }
0x15c: {  	[timem:s3], [sflag:s2] =	dma.local @!p0 [hbm:s0], s1  }
0x15d: {  	s0 =	simm.s32 @!p0 $0x4  }
0x15e: {  	_ =	swait.ge @!p0 [sflag:s0], s1  }
0x15f: {  	s1 =	ssub.s32 @!p0 $0x0, s1;
	[sflag:s0] =	ssyncset.done @!p0 $0x0  }
0x160: {  	[sflag:s0] =	ssyncadd.s32 @!p0 s1  }
0x161: {  	[bflag:$0x3] =	sbarrier.arrive $0xFFFF  }
0x162: {  	_ =	shalt  }

// kernel: kernel.7.cloned.1.call-start
scs
__scs_entry_jumppad:
0x0: {  	(pc) =	sbr.rel $0x88, $3  }
0x1: {  	(tag) =	ssettag $0x0;
	lr =	simm.s32 $0x1  }
0x2: {  	[smem:$0x3F9D] =	sst lr;
	_ =	strace $0xD0000000  }
0x3: {  	_ = 	snop  }
0x4: {  	_ = 	snop  }
0x5: {  	_ = 	snop  }
0x6: {  	_ = 	snop  }
0x7: {  	_ = 	snop  }
__scs_overlays_trampoline_lowered:
0x8: {  	[smem:$0x3FAC] =	sst s0  }
0x9: {  	[smem:$0x3FAD] =	sst s1  }
0xa: {  	[smem:$0x3FAE] =	sst s2  }
0xb: {  	[smem:$0x3FAF] =	sst s3  }
0xc: {  	[smem:$0x3FB0] =	sst s4  }
0xd: {  	[smem:$0x3FB1] =	sst s5  }
0xe: {  	[smem:$0x3FB2] =	sst s6  }
0xf: {  	[smem:$0x3FB3] =	sst s7  }
0x10: {  	[smem:$0x3FB4] =	sst s8  }
0x11: {  	[smem:$0x3FB5] =	sst s9;
	s0 =	simm.s32 @!p0 $0x0  }
0x12: {  	s1 =	sld [smem:$0x3F9B];
	s0 =	simm.s32 @p0 $0x1  }
0x13: {  	[smem:$0x3FB6] =	sst s0;
	s0 =	simm.s32 @!p1 $0x0  }
0x14: {  	s2 =	sld [smem:$0x3F9A];
	s0 =	simm.s32 @p1 $0x1  }
0x15: {  	[smem:$0x3FB7] =	sst s0;
	s0 =	simm.s32 @!p2 $0x0  }
0x16: {  	s3 =	sld [smem:$0x3FDB];
	s0 =	simm.s32 @p2 $0x1  }
0x17: {  	s4 =	simm.s32 $0x1BF5;
	[smem:$0x3FB9] =	sst s0  }
0x18: {  	s0 =	sld [smem:$0x3F9C];
	_ =	swait.ge [sflag:s4], $0x0  }
0x19: {  	s7 =	sld [smem:$0x3F9D]  }
0x1a: {  	s8 =	sadd.s32 $0xFFFFE003, lr  }
0x1b: {  	s9 =	sadd.s32 $0xFFFFFEF7, lr;
	s5 =	simm.s32 $0xFFFFFFFF;
	p2 =	slt.u32 s8, $0xFFFFF086  }
0x1c: {  	p1 =	slt.u32 s9, $0xF7A;
	s5 =	simm.s32 @!p2 $0x0  }
0x1d: {  	s5 =	simm.s32 @p1 $0x1;
	p0 =	seq.s32 s7, s2  }
0x1e: {  	s7 =	smul.u32 @!p0 $0xF7A, s2;
	p2 =	seq.s32 @!p0 s5, $0x0  }
0x1f: {  	s9 =	smul.u32 $0xF7A, s1;
	s8 =	simm.s32 @!p0 $0x1BF5;
	p2 =	por !p2, p0  }
0x20: {  	[sflag:s8] =	ssyncset.s32 @!p0 $0xFFFFF086;
	s6 =	sadd.s32 @!p0 s3, s7;
	s7 =	simm.s32 @!p0 $0x108  }
0x21: {  	s3 =	sadd.s32 s3, s9;
	s6 =	sadd.s32 @!p0 $0x88, s6;
	s7 =	simm.s32 @p2 $0x1082  }
0x22: {  	[simem:s7], [sflag:s8] =	dma.local @!p0 [hbm:s6], $0xF7A  }
0x23: {  	s9 =	sor.u32 $0xD0000000, s2;
	s6 =	simm.s32 $0x108;
	_ =	swait.ge @!p0 [sflag:s8], $0x0  }
0x24: {  	s3 =	sadd.s32 $0x88, s3;
	s6 =	simm.s32 @!p1 $0x1082;
	[sflag:s4] =	ssyncset.s32 $0xFFFFF086  }
0x25: {  	[simem:s6], [sflag:s4] =	dma.local [hbm:s3], $0xF7A  }
0x26: {  	[smem:$0x3F9D] =	sst s1;
	(tag) =	ssettag s2;
	_ =	strace s9  }
0x27: {  	s1 =	sld [smem:$0x3FAD]  }
0x28: {  	s2 =	sld [smem:$0x3FAE]  }
0x29: {  	s4 =	sld [smem:$0x3FB0]  }
0x2a: {  	p0 =	seq.s32 s5, $0x0;
	s5 =	sld [smem:$0x3FB1]  }
0x2b: {  	s6 =	sld [smem:$0x3FB2]  }
0x2c: {  	s7 =	sld [smem:$0x3FB3]  }
0x2d: {  	s3 =	simm.s32 $0x108;
	s8 =	sld [smem:$0x3FB4]  }
0x2e: {  	s3 =	simm.s32 @!p0 $0x1082;
	s9 =	sld [smem:$0x3FB5]  }
0x2f: {  	lr =	sadd.s32 s0, s3;
	s0 =	sld [smem:$0x3FAC]  }
0x30: {  	s3 =	sld [smem:$0x3FAF]  }
0x31: {  	[smem:$0x3FB8] =	sst s10  }
0x32: {  	s10 =	sld [smem:$0x3FB6];
	_ =	sdelay $0x3  }
0x33: {  	p0 =	seq.s32 s10, $0x1;
	s10 =	sld [smem:$0x3FB8];
	_ =	sdelay $0x3  }
0x34: {  	[smem:$0x3FB8] =	sst s10  }
0x35: {  	s10 =	sld [smem:$0x3FB7];
	_ =	sdelay $0x3  }
0x36: {  	p1 =	seq.s32 s10, $0x1;
	s10 =	sld [smem:$0x3FB8];
	_ =	sdelay $0x3  }
0x37: {  	[smem:$0x3FB8] =	sst s10  }
0x38: {  	s10 =	sld [smem:$0x3FB9]  }
0x39: {  	_ = 	snop;
	(pc) =	sbr.ind lr, $3  }
0x3a: {  	_ = 	snop  }
0x3b: {  	_ = 	snop  }
0x3c: {  	p2 =	seq.s32 s10, $0x1;
	s10 =	sld [smem:$0x3FB8]  }
0x3d: {  	_ =	shalt  }
0x3e: {  	_ =	shalt  }
0x3f: {  	_ =	shalt  }
0x40: {  	_ =	shalt  }
0x41: {  	_ =	shalt  }
0x42: {  	_ =	shalt  }
0x43: {  	_ =	shalt  }
0x44: {  	_ =	shalt  }
0x45: {  	_ =	shalt  }
0x46: {  	_ =	shalt  }
0x47: {  	_ =	shalt  }
0x48: {  	_ =	shalt  }
0x49: {  	_ =	shalt  }
0x4a: {  	_ =	shalt  }
0x4b: {  	_ =	shalt  }
0x4c: {  	_ =	shalt  }
0x4d: {  	_ =	shalt  }
0x4e: {  	_ =	shalt  }
0x4f: {  	_ =	shalt  }
0x50: {  	_ =	shalt  }
0x51: {  	_ =	shalt  }
0x52: {  	_ =	shalt  }
0x53: {  	_ =	shalt  }
0x54: {  	_ =	shalt  }
0x55: {  	_ =	shalt  }
0x56: {  	_ =	shalt  }
0x57: {  	_ =	shalt  }
0x58: {  	_ =	shalt  }
0x59: {  	_ =	shalt  }
0x5a: {  	_ =	shalt  }
0x5b: {  	_ =	shalt  }
0x5c: {  	_ =	shalt  }
0x5d: {  	_ =	shalt  }
0x5e: {  	_ =	shalt  }
0x5f: {  	_ =	shalt  }
0x60: {  	_ =	shalt  }
0x61: {  	_ =	shalt  }
0x62: {  	_ =	shalt  }
0x63: {  	_ =	shalt  }
0x64: {  	_ =	shalt  }
0x65: {  	_ =	shalt  }
0x66: {  	_ =	shalt  }
0x67: {  	_ =	shalt  }
0x68: {  	_ =	shalt  }
0x69: {  	_ =	shalt  }
0x6a: {  	_ =	shalt  }
0x6b: {  	_ =	shalt  }
0x6c: {  	_ =	shalt  }
0x6d: {  	_ =	shalt  }
0x6e: {  	_ =	shalt  }
0x6f: {  	_ =	shalt  }
0x70: {  	_ =	shalt  }
0x71: {  	_ =	shalt  }
0x72: {  	_ =	shalt  }
0x73: {  	_ =	shalt  }
0x74: {  	_ =	shalt  }
0x75: {  	_ =	shalt  }
0x76: {  	_ =	shalt  }
0x77: {  	_ =	shalt  }
0x78: {  	_ =	shalt  }
0x79: {  	_ =	shalt  }
0x7a: {  	_ =	shalt  }
0x7b: {  	_ =	shalt  }
0x7c: {  	_ =	shalt  }
0x7d: {  	_ =	shalt  }
0x7e: {  	_ =	shalt  }
0x7f: {  	_ =	shalt  }
0x80: {  	_ =	shalt  }
0x81: {  	_ =	shalt  }
0x82: {  	_ =	shalt  }
0x83: {  	_ =	shalt  }
0x84: {  	_ =	shalt  }
0x85: {  	_ =	shalt  }
0x86: {  	_ =	shalt  }
0x87: {  	_ =	shalt  }
.Lfunc_end0:
.L_simem_size_0:
called_computation_lowered:
.L_overlay_start_0:
0x88: {  	s2 =	sld [smem:$0x3FD9]  }
0x89: {  	s3 =	sld [smem:$0x3FFE];
	_ =	sdelay $0x1  }
0x8a: {  	s1 =	srdreg.scid  }
0x8b: {  	s0 =	sand.u32 $0x1, s1  }
0x8c: {  	s17 =	sshll.u32 s0, $0xA;
	s2 =	sadd.s32 s3, s2  }
0x8d: {  	s2 =	sadd.s32 s2, s17  }
0x8e: {  	[smem:$0x3FC4] =	sst s2  }
0x8f: {  	_ = 	snop  }
0x90: {  	s2 =	sld [smem:$0x3FD0];
	(tm) =	ssettm $0x1  }
0x91: {  	s18 =	sld [smem:$0x3FFB];
	_ =	sdelay $0x3  }
0x92: {  	_ =	strace s18  }
0x93: {  	s3 =	sld [smem:$0x3FFC];
	_ =	sdelay $0x3  }
0x94: {  	_ =	strace s3  }
0x95: {  	s3 =	sld [smem:$0x3FFD];
	_ =	sdelay $0x3  }
0x96: {  	_ =	strace s3  }
0x97: {  	_ =	strace $0x8FFFFFFF  }
0x98: {  	s19 =	sld [smem:$0x3FDB];
	_ =	sdelay $0x1  }
0x99: {  	s4 =	simm.s32 $_scs_section_size  }
0x9a: {  	s5 =	simm.s32 $_size__tile_overlayer_lowered;
	s6 =	simm.s32 $_tile_overlayer_lowered  }
0x9b: {  	s22 =	simm.s32 $0x1BFF;
	s21 =	sshll.u32 s6, $0x1;
	s3 =	sadd.s32 s4, s19  }
0x9c: {  	s7 =	simm.s32 $0x0;
	s20 =	sshll.u32 s5, $0x1;
	s5 =	sadd.s32 s21, s3  }
0x9d: {  	[timem:s7], [sflag:s22] =	dma.local [hbm:s5], s20  }
0x9e: {  	_ =	swait.ge [sflag:s22], s20  }
0x9f: {  	s4 =	ssub.s32 $0x0, s20;
	[sflag:s22] =	ssyncset.done $0x0  }
0xa0: {  	[sflag:s22] =	ssyncadd.s32 s4;
	_ =	sdelay $0x1  }
0xa1: {  	s23 =	simm.s32 $0x1B8B  }
0xa2: {  	_ =	swait.ge [sflag:s23], $0x1  }
0xa3: {  	[sflag:s23] =	ssyncset.done $0x0  }
0xa4: {  	s25 =	simm.s32 $0x1B8E;
	s24 =	sld [smem:$0x3FFE];
	[sflag:s23] =	ssyncadd.s32 $0xFFFFFFFF  }
0xa5: {  	s26 =	simm.s32 $execute0_lowered;
	[smem:$0x3FD2] =	sst s25  }
0xa6: {  	s5 =	sshll.u32 s26, $0x1;
	_ =	strace $0x80000046;
	[dreg:$0x1] =	wrdreg $0xFFFFFFFF  }
0xa7: {  	s28 =	simm.s32 $_size_execute0_lowered;
	s3 =	sadd.s32 s3, s5;
	[dreg:$0x0] =	wrdreg $0x0  }
0xa8: {  	s5 =	sshll.u32 s28, $0x1;
	[dreg:$0x2] =	wrdreg s3  }
0xa9: {  	[dreg:$0x3] =	wrdreg s5  }
0xaa: {  	[dreg:$0x4] =	wrdreg $0xC0  }
0xab: {  	_ =	task [dreg:s7], $0x5FFFF  }
0xac: {  	[dreg:$0x1] =	wrdreg $0xFFFFFFFF  }
0xad: {  	[dreg:$0x0] =	wrdreg $0x60  }
0xae: {  	[dreg:$0x2] =	wrdreg s2  }
0xaf: {  	[dreg:$0x3] =	wrdreg s24  }
0xb0: {  	[dreg:$0x4] =	wrdreg $0x7A800  }
0xb1: {  	[dreg:$0x5] =	wrdreg $0x9  }
0xb2: {  	_ =	task.clear_ibuf [dreg:s7], $0x6FFFF;
	_ =	strace $0x90000046  }
0xb3: {  	s29 =	simm.s32 $0x9;
	_ =	strace $0x80000048  }
0xb4: {  	_ =	swait.ge [sflag:s29], $0x1  }
0xb5: {  	[sflag:s29] =	ssyncadd.s32 $0xFFFFFFFF  }
0xb6: {  	_ =	strace $0x90000048  }
0xb7: {  	_ =	sfence  }
0xb8: {  	s30 =	sld [smem:$0x0];
	_ =	sdelay $0x2  }
0xb9: {  	s31 =	sshll.u32 s1, $0xD;
	s1 =	sshrl.u32 s1, $0x2  }
0xba: {  	s3 =	sand.u32 $0x4000, s31;
	s1 =	sadd.s32 s1, s30  }
0xbb: {  	s0 =	sor.u32 s3, s0;
	s1 =	sshll.u32 s1, $0x11  }
0xbc: {  	s0 =	sor.u32 s1, s0  }
0xbd: {  	s0 =	sadd.s32 $0x8F2B, s0  }
0xbe: {  	[sflag:s0] =	ssyncadd.remote.s32 $0x1  }
0xbf: {  	_ =	sfence.sel $0xFFFF  }
0xc0: {  	[dreg:$0x0] =	wrdreg $0xFFFFFFFF;
	(pc) =	sbr.abs _section_cstart, $3  }
0xc1: {  	[dreg:$0x1] =	wrdreg $0xFFFFFFFF  }
0xc2: {  	_ =	task.clear_ibuf [dreg:s7], $0x2FFFF;
	_ =	strace $0x9FFFFFFF  }
0xc3: {  	(tm) =	ssettm $0x7FFFFFFF  }
tec
execute0_lowered:
.L_overlay_start_1:
0x0: {  	(tag) =	ssettag $0x1  }
0x1: {  	s0 =	rddreg [dreg:$0x0];
	s1 =	srdreg.scid  }
0x2: {  	s8 =	stileid.u32;
	s4 =	rddreg [dreg:$0x1]  }
0x3: {  	s2 =	rddreg [dreg:$0x2];
	s3 =	simm.s32 $0x0;
	s9 =	simm.s32 $0x7800  }
0x4: {  	s10 =	simm.s32 $0x80;
	s21 =	simm.s32 $0x2;
	s31 =	simm.s32 $0x4C00  }
0x5: {  	s11 =	simm.s32 $0x4C80;
	s12 =	simm.s32 $0x7480;
	s13 =	simm.s32 $0x4D00  }
0x6: {  	s14 =	simm.s32 $0x7500;
	s15 =	simm.s32 $0x4D80;
	s16 =	simm.s32 $0x7580  }
0x7: {  	s17 =	simm.s32 $0x4E00;
	s18 =	simm.s32 $0x7600;
	s19 =	simm.s32 $0x4E80  }
0x8: {  	s20 =	simm.s32 $0x7680;
	s22 =	simm.s32 $0x4F00;
	s23 =	simm.s32 $0x7700  }
0x9: {  	s24 =	simm.s32 $0x4F80;
	s25 =	simm.s32 $0x7780;
	s26 =	simm.s32 $0x0  }
0xa: {  	s1 =	sand.u32 $0x1, s1;
	s5 =	smul.u32 $0x280, s8;
	[smem:$0x7FF] =	sst s3  }
0xb: {  	s6 =	smul.u32 $0x2800, s1;
	s7 =	sshll.u32 s1, $0x4;
	s1 =	ssub.s32 $0x2, s1  }
0xc: {  	_ =	strace $0x80000047;
	s7 =	sor.u32 s8, s7;
	s30 =	sshrl.u32 s1, $0x1  }
0xd: {  	s8 =	simm.s32 $0x3;
	s6 =	sadd.s32 s5, s6;
	s7 =	smul.u32 $0x500, s7  }
0xe: {  	s1 =	ssub.s32 s1, s30;
	s5 =	sadd.s32 s5, s2;
	s6 =	sshrl.u32 s6, $0x3  }
0xf: {  	s6 =	sadd.s32 s6, s4;
	s4 =	sadd.s32 s0, s7;
	s7 =	smax.u32 s1, $0x1  }
0x10: {  	v0 =	vimm.f32 $0.0e+00;
	v1 =	vimm.f32 $1.000000000e+00;
	s1 =	simm.s32 $0x1;
	s0 =	simm.s32 $0x7400;
	s6 =	sadd.s32 $0x2000, s6  }
.LBB2_1:
0x11: {  	[tilespmem:s3], [sflag:$0x3] =	stream.linear.gather [hbm4b:s4+s3], $0x2800, $0x38;
	[tilespmem:$0x7D00] =	vst v63  }
0x12: {  	_ =	swait.ge [sflag:s8], $0x2800  }
0x13: {  	[sflag:s8] =	ssyncset.done $0x0  }
0x14: {  	[sflag:s8] =	ssyncadd.s32 $0xFFFFD800  }
0x15: {  	[tilespmem:$0x7800] =	vst v0  }
0x16: {  	[tilespmem:$0x7810] =	vst v0  }
0x17: {  	[tilespmem:$0x7820] =	vst v0  }
0x18: {  	[tilespmem:$0x7830] =	vst v0  }
0x19: {  	[tilespmem:$0x7840] =	vst v0  }
0x1a: {  	[tilespmem:$0x7850] =	vst v0  }
0x1b: {  	[tilespmem:$0x7860] =	vst v0  }
0x1c: {  	[tilespmem:$0x7870] =	vst v0  }
0x1d: {  	[tilespmem:$0x7880] =	vst v0  }
0x1e: {  	[tilespmem:$0x7890] =	vst v0  }
0x1f: {  	[tilespmem:$0x78A0] =	vst v0  }
0x20: {  	[tilespmem:$0x78B0] =	vst v0  }
0x21: {  	[tilespmem:$0x78C0] =	vst v0  }
0x22: {  	[tilespmem:$0x78D0] =	vst v0  }
0x23: {  	[tilespmem:$0x78E0] =	vst v0  }
0x24: {  	[tilespmem:$0x78F0] =	vst v0  }
0x25: {  	[tilespmem:$0x7900] =	vst v0  }
0x26: {  	[tilespmem:$0x7910] =	vst v0  }
0x27: {  	[tilespmem:$0x7920] =	vst v0  }
0x28: {  	[tilespmem:$0x7930] =	vst v0  }
0x29: {  	[tilespmem:$0x7940] =	vst v0  }
0x2a: {  	[tilespmem:$0x7950] =	vst v0  }
0x2b: {  	[tilespmem:$0x7960] =	vst v0  }
0x2c: {  	[tilespmem:$0x7970] =	vst v0  }
0x2d: {  	[tilespmem:$0x7980] =	vst v0  }
0x2e: {  	[tilespmem:$0x7990] =	vst v0  }
0x2f: {  	[tilespmem:$0x79A0] =	vst v0  }
0x30: {  	[tilespmem:$0x79B0] =	vst v0  }
0x31: {  	[tilespmem:$0x79C0] =	vst v0  }
0x32: {  	[tilespmem:$0x79D0] =	vst v0  }
0x33: {  	[tilespmem:$0x79E0] =	vst v0  }
0x34: {  	[tilespmem:$0x79F0] =	vst v0  }
0x35: {  	[tilespmem:$0x7A00] =	vst v0  }
0x36: {  	[tilespmem:$0x7A10] =	vst v0  }
0x37: {  	[tilespmem:$0x7A20] =	vst v0  }
0x38: {  	[tilespmem:$0x7A30] =	vst v0  }
0x39: {  	[tilespmem:$0x7A40] =	vst v0  }
0x3a: {  	[tilespmem:$0x7A50] =	vst v0  }
0x3b: {  	[tilespmem:$0x7A60] =	vst v0  }
0x3c: {  	[tilespmem:$0x7A70] =	vst v0  }
0x3d: {  	[spmem:s5] =	stream.linear.scatter [tilespmem:s9], [sflag:$0x3], $0x280, $0x38;
	[tilespmem:$0x7D00] =	vst v63  }
0x3e: {  	_ =	swait.ge [sflag:s8], $0x280  }
0x3f: {  	[sflag:s8] =	ssyncset.done $0x0  }
0x40: {  	s28 =	simm.s32 $0x0;
	[sflag:s8] =	ssyncadd.s32 $0xFFFFFD80  }
0x41: {  	v2 =	vld [tilespmem:s28+$0x70]  }
0x42: {  	v3 =	vld [tilespmem:s28+$0x0]  }
0x43: {  	v4 =	vld [tilespmem:s28+$0x10]  }
0x44: {  	v5 =	vld [tilespmem:s28+$0x20]  }
0x45: {  	v6 =	vld [tilespmem:s28+$0x30]  }
0x46: {  	v7 =	vld [tilespmem:s28+$0x40];
	v8 =	vand.u32 $0x3FFF, v2;
	v2 =	vshrl.u32 v2, $0xE  }
0x47: {  	v9 =	vld [tilespmem:s28+$0x50];
	v10 =	vand.u32 $0x3FFF, v3;
	v3 =	vshrl.u32 v3, $0xE;
	[tilespmem:s28+$0x2870] =	vst v8;
	vm0 =	veq.s32 v2, v8  }
0x48: {  	[tilespmem:s28+$0x2800] =	vst v10;
	v2 =	vshrl.u32 v4, $0xE;
	v4 =	vand.u32 $0x3FFF, v4;
	vm14 =	veq.s32 v3, v10  }
0x49: {  	v8 =	vld [tilespmem:s28+$0x60];
	v3 =	vshrl.u32 v5, $0xE;
	v5 =	vand.u32 $0x3FFF, v5;
	v11 =	vsel vm0, $0x0, v1;
	[tilespmem:s28+$0x2810] =	vst v4  }
0x4a: {  	vm1 =	veq.s32 v2, v4;
	v2 =	vshrl.u32 v6, $0xE;
	v4 =	vand.u32 $0x3FFF, v6;
	[tilespmem:s28+$0x2820] =	vst v5  }
0x4b: {  	vm2 =	veq.s32 v3, v5;
	v3 =	vshrl.u32 v7, $0xE;
	v5 =	vand.u32 $0x3FFF, v7;
	[tilespmem:s28+$0x5070] =	vst v11  }
0x4c: {  	v6 =	vand.u32 $0x3FFF, v9;
	[tilespmem:s28+$0x2830] =	vst v4;
	vm3 =	veq.s32 v2, v4;
	v4 =	vshrl.u32 v9, $0xE  }
0x4d: {  	[tilespmem:s28+$0x2840] =	vst v5;
	vm4 =	veq.s32 v3, v5;
	v5 =	vsel vm14, $0x0, v1;
	vm15 =	veq.s32 v4, v6  }
0x4e: {  	[tilespmem:s28+$0x2850] =	vst v6;
	v6 =	vsel vm2, $0x0, v1;
	v3 =	vshrl.u32 v8, $0xE;
	v2 =	vand.u32 $0x3FFF, v8  }
0x4f: {  	[tilespmem:s28+$0x5000] =	vst v5;
	v4 =	vsel vm3, $0x0, v1;
	vm5 =	veq.s32 v3, v2;
	v3 =	vsel vm1, $0x0, v1  }
0x50: {  	s29 =	simm.s32 $0x80;
	s30 =	simm.s32 $0x400;
	v7 =	vsel vm4, $0x0, v1;
	v5 =	vsel vm15, $0x0, v1;
	[tilespmem:s28+$0x5010] =	vst v3;
	v3 =	vsel vm5, $0x0, v1  }
.LBB2_2:
0x51: {  	p0 =	sne.s32 s30, $0x9E00;
	v8 =	vld [tilespmem:s29+$0x70];
	[tilespmem:s28+$0x5020] =	vst v6  }
0x52: {  	v6 =	vld [tilespmem:s29+$0x0];
	[tilespmem:s28+$0x5030] =	vst v4  }
0x53: {  	v4 =	vld [tilespmem:s29+$0x10];
	[tilespmem:s28+$0x5040] =	vst v7  }
0x54: {  	v7 =	vld [tilespmem:s29+$0x20];
	[tilespmem:s28+$0x5050] =	vst v5  }
0x55: {  	v5 =	vld [tilespmem:s29+$0x30];
	[tilespmem:s28+$0x5060] =	vst v3  }
0x56: {  	v3 =	vld [tilespmem:s29+$0x40];
	v9 =	vshrl.u32 v8, $0xE;
	v8 =	vand.u32 $0x3FFF, v8;
	[tilespmem:s28+$0x2860] =	vst v2;
	s28 =	smov.u32 s29  }
0x57: {  	v2 =	vshrl.u32 v6, $0xE;
	v6 =	vand.u32 $0x3FFF, v6;
	v10 =	vld [tilespmem:s28+$0x50];
	[tilespmem:s28+$0x2870] =	vst v8;
	vm0 =	veq.s32 v9, v8  }
0x58: {  	[tilespmem:s28+$0x2800] =	vst v6;
	v8 =	vshrl.u32 v4, $0xE;
	v4 =	vand.u32 $0x3FFF, v4;
	v9 =	vld [tilespmem:s28+$0x60];
	v11 =	vsel vm0, $0x0, v1  }
0x59: {  	vm0 =	veq.s32 v2, v6;
	v2 =	vshrl.u32 v7, $0xE;
	v6 =	vand.u32 $0x3FFF, v7;
	[tilespmem:s28+$0x5070] =	vst v11  }
0x5a: {  	vm1 =	veq.s32 v8, v4;
	[tilespmem:s28+$0x2810] =	vst v4;
	v4 =	vshrl.u32 v5, $0xE;
	v5 =	vand.u32 $0x3FFF, v5  }
0x5b: {  	vm2 =	veq.s32 v2, v6;
	[tilespmem:s28+$0x2820] =	vst v6;
	v2 =	vshrl.u32 v3, $0xE;
	v3 =	vand.u32 $0x3FFF, v3  }
.Ltmp0:
0x5c: {  	vm3 =	veq.s32 v4, v5;
	[tilespmem:s28+$0x2830] =	vst v5;
	v4 =	vshrl.u32 v10, $0xE;
	v5 =	vand.u32 $0x3FFF, v10;
	(pc) =	sbr.rel @p0 .LBB2_2-.Ltmp0, $4  }
0x5d: {  	vm4 =	veq.s32 v2, v3;
	[tilespmem:s28+$0x2840] =	vst v3;
	v3 =	vshrl.u32 v9, $0xE;
	v2 =	vand.u32 $0x3FFF, v9  }
0x5e: {  	v6 =	vsel vm0, $0x0, v1;
	vm0 =	veq.s32 v4, v5;
	[tilespmem:s28+$0x2850] =	vst v5;
	vm5 =	veq.s32 v3, v2  }
0x5f: {  	v4 =	vsel vm3, $0x0, v1;
	v3 =	vsel vm1, $0x0, v1;
	[tilespmem:s28+$0x5000] =	vst v6;
	v6 =	vsel vm2, $0x0, v1  }
0x60: {  	s29 =	sshra.s32 s30, $0x2;
	s30 =	sadd.s32 $0x200, s30;
	v7 =	vsel vm4, $0x0, v1;
	v5 =	vsel vm0, $0x0, v1;
	[tilespmem:s28+$0x5010] =	vst v3;
	v3 =	vsel vm5, $0x0, v1  }
0x61: {  	v8 =	vld [tilespmem:s29+$0x70];
	[tilespmem:s28+$0x5020] =	vst v6  }
0x62: {  	v6 =	vld [tilespmem:s29+$0x0];
	[tilespmem:s28+$0x5030] =	vst v4  }
0x63: {  	v4 =	vld [tilespmem:s29+$0x10];
	[tilespmem:s28+$0x5040] =	vst v7  }
0x64: {  	v7 =	vld [tilespmem:s29+$0x20];
	[tilespmem:s28+$0x5050] =	vst v5  }
0x65: {  	v5 =	vld [tilespmem:s29+$0x30];
	[tilespmem:s28+$0x5060] =	vst v3  }
0x66: {  	v3 =	vld [tilespmem:s29+$0x40];
	[tilespmem:s28+$0x2860] =	vst v2;
	v2 =	vand.u32 $0x3FFF, v8;
	v8 =	vshrl.u32 v8, $0xE  }
0x67: {  	v10 =	vand.u32 $0x3FFF, v6;
	[tilespmem:s29+$0x2870] =	vst v2;
	vm0 =	veq.s32 v8, v2  }
0x68: {  	[tilespmem:s29+$0x2800] =	vst v10;
	v8 =	vsel vm0, $0x0, v1  }
0x69: {  	v6 =	vshrl.u32 v6, $0xE;
	v11 =	vand.u32 $0x3FFF, v4;
	[tilespmem:s29+$0x5070] =	vst v8  }
0x6a: {  	vm11 =	veq.s32 v6, v10;
	v55 =	vand.u32 $0x3FFF, v7;
	[tilespmem:s29+$0x2810] =	vst v11  }
0x6b: {  	v9 =	vld [tilespmem:s29+$0x50];
	v4 =	vshrl.u32 v4, $0xE;
	v58 =	vsel vm11, $0x0, v1;
	[tilespmem:s29+$0x2820] =	vst v55  }
0x6c: {  	vm1 =	veq.s32 v4, v11;
	v12 =	vand.u32 $0x3FFF, v5;
	[tilespmem:s29+$0x5000] =	vst v58  }
0x6d: {  	v2 =	vld [tilespmem:s29+$0x60];
	v7 =	vshrl.u32 v7, $0xE;
	v59 =	vsel vm1, $0x0, v1;
	[tilespmem:s29+$0x2830] =	vst v12  }
0x6e: {  	vm2 =	veq.s32 v7, v55;
	v56 =	vand.u32 $0x3FFF, v3;
	[tilespmem:s29+$0x5010] =	vst v59  }
0x6f: {  	v5 =	vshrl.u32 v5, $0xE;
	v7 =	vsel vm2, $0x0, v1;
	[tilespmem:s29+$0x2840] =	vst v56  }
0x70: {  	vm12 =	veq.s32 v5, v12;
	v57 =	vand.u32 $0x3FFF, v9;
	[tilespmem:s29+$0x5020] =	vst v7  }
0x71: {  	v3 =	vshrl.u32 v3, $0xE;
	v60 =	vshrl.u32 v9, $0xE;
	v61 =	vsel vm12, $0x0, v1;
	[tilespmem:s29+$0x2850] =	vst v57  }
0x72: {  	vm13 =	veq.s32 v3, v56;
	v3 =	vshrl.u32 v2, $0xE;
	v2 =	vand.u32 $0x3FFF, v2;
	[tilespmem:s29+$0x5030] =	vst v61  }
0x73: {  	vm14 =	veq.s32 v60, v57;
	v62 =	vsel vm13, $0x0, v1;
	[tilespmem:s29+$0x2860] =	vst v2  }
0x74: {  	vm15 =	veq.s32 v3, v2;
	v3 =	vsel vm14, $0x0, v1;
	[tilespmem:s29+$0x5040] =	vst v62  }
0x75: {  	v63 =	vsel vm15, $0x0, v1;
	[tilespmem:s29+$0x5050] =	vst v3  }
0x76: {  	[tilespmem:s29+$0x5060] =	vst v63  }
0x77: {  	s30 =	simm.s32 $0x5000;
	s28 =	simm.s32 $0x2800;
	[bflag:$0x0] =	sbarrier.arrive $0xFFFF  }
0x78: {  	[spmem:s2] =	stream.indirect.scatter.add.f32 [tilespmem:s30], [sflag:$0x1], $0x1, s28, s10, $0xb8;
	[tilespmem:$0x7D00] =	vst v63  }
0x79: {  	s28 =	simm.s32 $0x2880;
	s30 =	simm.s32 $0x5080  }
0x7a: {  	[spmem:s2] =	stream.indirect.scatter.add.f32 [tilespmem:s30], [sflag:$0x1], $0x1, s28, s10, $0xb8;
	[tilespmem:$0x7D00] =	vst v63  }
0x7b: {  	s28 =	simm.s32 $0x2900;
	s30 =	simm.s32 $0x5100  }
0x7c: {  	[spmem:s2] =	stream.indirect.scatter.add.f32 [tilespmem:s30], [sflag:$0x1], $0x1, s28, s10, $0xb8;
	[tilespmem:$0x7D00] =	vst v63  }
0x7d: {  	s28 =	simm.s32 $0x2980;
	s30 =	simm.s32 $0x5180  }
0x7e: {  	[spmem:s2] =	stream.indirect.scatter.add.f32 [tilespmem:s30], [sflag:$0x1], $0x1, s28, s10, $0xb8;
	[tilespmem:$0x7D00] =	vst v63  }
0x7f: {  	s28 =	simm.s32 $0x2A00;
	s30 =	simm.s32 $0x5200  }
0x80: {  	[spmem:s2] =	stream.indirect.scatter.add.f32 [tilespmem:s30], [sflag:$0x1], $0x1, s28, s10, $0xb8;
	[tilespmem:$0x7D00] =	vst v63  }
0x81: {  	s28 =	simm.s32 $0x2A80;
	s30 =	simm.s32 $0x5280  }
0x82: {  	[spmem:s2] =	stream.indirect.scatter.add.f32 [tilespmem:s30], [sflag:$0x1], $0x1, s28, s10, $0xb8;
	[tilespmem:$0x7D00] =	vst v63  }
0x83: {  	s28 =	simm.s32 $0x2B00;
	s30 =	simm.s32 $0x5300  }
0x84: {  	[spmem:s2] =	stream.indirect.scatter.add.f32 [tilespmem:s30], [sflag:$0x1], $0x1, s28, s10, $0xb8;
	[tilespmem:$0x7D00] =	vst v63  }
0x85: {  	s28 =	simm.s32 $0x2B80;
	s30 =	simm.s32 $0x5380  }
0x86: {  	[spmem:s2] =	stream.indirect.scatter.add.f32 [tilespmem:s30], [sflag:$0x1], $0x1, s28, s10, $0xb8;
	[tilespmem:$0x7D00] =	vst v63  }
0x87: {  	s28 =	simm.s32 $0x2C00;
	s30 =	simm.s32 $0x5400  }
0x88: {  	[spmem:s2] =	stream.indirect.scatter.add.f32 [tilespmem:s30], [sflag:$0x1], $0x1, s28, s10, $0xb8;
	[tilespmem:$0x7D00] =	vst v63  }
0x89: {  	s28 =	simm.s32 $0x2C80;
	s30 =	simm.s32 $0x5480  }
0x8a: {  	[spmem:s2] =	stream.indirect.scatter.add.f32 [tilespmem:s30], [sflag:$0x1], $0x1, s28, s10, $0xb8;
	[tilespmem:$0x7D00] =	vst v63  }
0x8b: {  	s28 =	simm.s32 $0x2D00;
	s30 =	simm.s32 $0x5500  }
0x8c: {  	[spmem:s2] =	stream.indirect.scatter.add.f32 [tilespmem:s30], [sflag:$0x1], $0x1, s28, s10, $0xb8;
	[tilespmem:$0x7D00] =	vst v63  }
0x8d: {  	s28 =	simm.s32 $0x2D80;
	s30 =	simm.s32 $0x5580  }
0x8e: {  	[spmem:s2] =	stream.indirect.scatter.add.f32 [tilespmem:s30], [sflag:$0x1], $0x1, s28, s10, $0xb8;
	[tilespmem:$0x7D00] =	vst v63  }
0x8f: {  	s28 =	simm.s32 $0x2E00;
	s30 =	simm.s32 $0x5600  }
0x90: {  	[spmem:s2] =	stream.indirect.scatter.add.f32 [tilespmem:s30], [sflag:$0x1], $0x1, s28, s10, $0xb8;
	[tilespmem:$0x7D00] =	vst v63  }
0x91: {  	s28 =	simm.s32 $0x2E80;
	s30 =	simm.s32 $0x5680  }
0x92: {  	[spmem:s2] =	stream.indirect.scatter.add.f32 [tilespmem:s30], [sflag:$0x1], $0x1, s28, s10, $0xb8;
	[tilespmem:$0x7D00] =	vst v63  }
0x93: {  	s28 =	simm.s32 $0x2F00;
	s30 =	simm.s32 $0x5700  }
0x94: {  	[spmem:s2] =	stream.indirect.scatter.add.f32 [tilespmem:s30], [sflag:$0x1], $0x1, s28, s10, $0xb8;
	[tilespmem:$0x7D00] =	vst v63  }
0x95: {  	s28 =	simm.s32 $0x2F80;
	s30 =	simm.s32 $0x5780  }
0x96: {  	[spmem:s2] =	stream.indirect.scatter.add.f32 [tilespmem:s30], [sflag:$0x1], $0x1, s28, s10, $0xb8;
	[tilespmem:$0x7D00] =	vst v63  }
0x97: {  	s28 =	simm.s32 $0x3000;
	s30 =	simm.s32 $0x5800  }
0x98: {  	[spmem:s2] =	stream.indirect.scatter.add.f32 [tilespmem:s30], [sflag:$0x2], $0x1, s28, s10, $0xb8;
	[tilespmem:$0x7D00] =	vst v63  }
0x99: {  	s28 =	simm.s32 $0x3080;
	s30 =	simm.s32 $0x5880  }
0x9a: {  	[spmem:s2] =	stream.indirect.scatter.add.f32 [tilespmem:s30], [sflag:$0x2], $0x1, s28, s10, $0xb8;
	[tilespmem:$0x7D00] =	vst v63  }
0x9b: {  	s28 =	simm.s32 $0x3100;
	s30 =	simm.s32 $0x5900  }
0x9c: {  	[spmem:s2] =	stream.indirect.scatter.add.f32 [tilespmem:s30], [sflag:$0x2], $0x1, s28, s10, $0xb8;
	[tilespmem:$0x7D00] =	vst v63  }
0x9d: {  	s28 =	simm.s32 $0x3180;
	s30 =	simm.s32 $0x5980  }
0x9e: {  	[spmem:s2] =	stream.indirect.scatter.add.f32 [tilespmem:s30], [sflag:$0x2], $0x1, s28, s10, $0xb8;
	[tilespmem:$0x7D00] =	vst v63  }
0x9f: {  	s28 =	simm.s32 $0x3200;
	s30 =	simm.s32 $0x5A00  }
0xa0: {  	[spmem:s2] =	stream.indirect.scatter.add.f32 [tilespmem:s30], [sflag:$0x2], $0x1, s28, s10, $0xb8;
	[tilespmem:$0x7D00] =	vst v63  }
0xa1: {  	s28 =	simm.s32 $0x3280;
	s30 =	simm.s32 $0x5A80  }
0xa2: {  	[spmem:s2] =	stream.indirect.scatter.add.f32 [tilespmem:s30], [sflag:$0x2], $0x1, s28, s10, $0xb8;
	[tilespmem:$0x7D00] =	vst v63  }
0xa3: {  	s28 =	simm.s32 $0x3300;
	s30 =	simm.s32 $0x5B00  }
0xa4: {  	[spmem:s2] =	stream.indirect.scatter.add.f32 [tilespmem:s30], [sflag:$0x2], $0x1, s28, s10, $0xb8;
	[tilespmem:$0x7D00] =	vst v63  }
0xa5: {  	s28 =	simm.s32 $0x3380;
	s30 =	simm.s32 $0x5B80  }
0xa6: {  	[spmem:s2] =	stream.indirect.scatter.add.f32 [tilespmem:s30], [sflag:$0x2], $0x1, s28, s10, $0xb8;
	[tilespmem:$0x7D00] =	vst v63  }
0xa7: {  	s28 =	simm.s32 $0x3400;
	s30 =	simm.s32 $0x5C00  }
0xa8: {  	[spmem:s2] =	stream.indirect.scatter.add.f32 [tilespmem:s30], [sflag:$0x2], $0x1, s28, s10, $0xb8;
	[tilespmem:$0x7D00] =	vst v63  }
0xa9: {  	s28 =	simm.s32 $0x3480;
	s30 =	simm.s32 $0x5C80  }
0xaa: {  	[spmem:s2] =	stream.indirect.scatter.add.f32 [tilespmem:s30], [sflag:$0x2], $0x1, s28, s10, $0xb8;
	[tilespmem:$0x7D00] =	vst v63  }
0xab: {  	s28 =	simm.s32 $0x3500;
	s30 =	simm.s32 $0x5D00  }
0xac: {  	[spmem:s2] =	stream.indirect.scatter.add.f32 [tilespmem:s30], [sflag:$0x2], $0x1, s28, s10, $0xb8;
	[tilespmem:$0x7D00] =	vst v63  }
0xad: {  	s28 =	simm.s32 $0x3580;
	s30 =	simm.s32 $0x5D80  }
0xae: {  	[spmem:s2] =	stream.indirect.scatter.add.f32 [tilespmem:s30], [sflag:$0x2], $0x1, s28, s10, $0xb8;
	[tilespmem:$0x7D00] =	vst v63  }
0xaf: {  	s28 =	simm.s32 $0x3600;
	s30 =	simm.s32 $0x5E00  }
0xb0: {  	[spmem:s2] =	stream.indirect.scatter.add.f32 [tilespmem:s30], [sflag:$0x2], $0x1, s28, s10, $0xb8;
	[tilespmem:$0x7D00] =	vst v63  }
0xb1: {  	s28 =	simm.s32 $0x3680;
	s30 =	simm.s32 $0x5E80  }
0xb2: {  	[spmem:s2] =	stream.indirect.scatter.add.f32 [tilespmem:s30], [sflag:$0x2], $0x1, s28, s10, $0xb8;
	[tilespmem:$0x7D00] =	vst v63  }
0xb3: {  	s28 =	simm.s32 $0x3700;
	s30 =	simm.s32 $0x5F00  }
0xb4: {  	[spmem:s2] =	stream.indirect.scatter.add.f32 [tilespmem:s30], [sflag:$0x2], $0x1, s28, s10, $0xb8;
	[tilespmem:$0x7D00] =	vst v63  }
0xb5: {  	s28 =	simm.s32 $0x3780;
	s30 =	simm.s32 $0x5F80  }
0xb6: {  	[spmem:s2] =	stream.indirect.scatter.add.f32 [tilespmem:s30], [sflag:$0x2], $0x1, s28, s10, $0xb8;
	[tilespmem:$0x7D00] =	vst v63  }
0xb7: {  	_ =	swait.ge [sflag:s1], $0x800  }
0xb8: {  	[sflag:s1] =	ssyncset.done $0x0  }
0xb9: {  	s28 =	simm.s32 $0x3800;
	s30 =	simm.s32 $0x6000;
	[sflag:s1] =	ssyncadd.s32 $0xFFFFF800  }
0xba: {  	[spmem:s2] =	stream.indirect.scatter.add.f32 [tilespmem:s30], [sflag:$0x1], $0x1, s28, s10, $0xb8;
	[tilespmem:$0x7D00] =	vst v63  }
0xbb: {  	s28 =	simm.s32 $0x3880;
	s30 =	simm.s32 $0x6080  }
0xbc: {  	[spmem:s2] =	stream.indirect.scatter.add.f32 [tilespmem:s30], [sflag:$0x1], $0x1, s28, s10, $0xb8;
	[tilespmem:$0x7D00] =	vst v63  }
0xbd: {  	s28 =	simm.s32 $0x3900;
	s30 =	simm.s32 $0x6100  }
0xbe: {  	[spmem:s2] =	stream.indirect.scatter.add.f32 [tilespmem:s30], [sflag:$0x1], $0x1, s28, s10, $0xb8;
	[tilespmem:$0x7D00] =	vst v63  }
0xbf: {  	s28 =	simm.s32 $0x3980;
	s30 =	simm.s32 $0x6180  }
0xc0: {  	[spmem:s2] =	stream.indirect.scatter.add.f32 [tilespmem:s30], [sflag:$0x1], $0x1, s28, s10, $0xb8;
	[tilespmem:$0x7D00] =	vst v63  }
0xc1: {  	s28 =	simm.s32 $0x3A00;
	s30 =	simm.s32 $0x6200  }
0xc2: {  	[spmem:s2] =	stream.indirect.scatter.add.f32 [tilespmem:s30], [sflag:$0x1], $0x1, s28, s10, $0xb8;
	[tilespmem:$0x7D00] =	vst v63  }
0xc3: {  	s28 =	simm.s32 $0x3A80;
	s30 =	simm.s32 $0x6280  }
0xc4: {  	[spmem:s2] =	stream.indirect.scatter.add.f32 [tilespmem:s30], [sflag:$0x1], $0x1, s28, s10, $0xb8;
	[tilespmem:$0x7D00] =	vst v63  }
0xc5: {  	s28 =	simm.s32 $0x3B00;
	s30 =	simm.s32 $0x6300  }
0xc6: {  	[spmem:s2] =	stream.indirect.scatter.add.f32 [tilespmem:s30], [sflag:$0x1], $0x1, s28, s10, $0xb8;
	[tilespmem:$0x7D00] =	vst v63  }
0xc7: {  	s28 =	simm.s32 $0x3B80;
	s30 =	simm.s32 $0x6380  }
0xc8: {  	[spmem:s2] =	stream.indirect.scatter.add.f32 [tilespmem:s30], [sflag:$0x1], $0x1, s28, s10, $0xb8;
	[tilespmem:$0x7D00] =	vst v63  }
0xc9: {  	s28 =	simm.s32 $0x3C00;
	s30 =	simm.s32 $0x6400  }
0xca: {  	[spmem:s2] =	stream.indirect.scatter.add.f32 [tilespmem:s30], [sflag:$0x1], $0x1, s28, s10, $0xb8;
	[tilespmem:$0x7D00] =	vst v63  }
0xcb: {  	s28 =	simm.s32 $0x3C80;
	s30 =	simm.s32 $0x6480  }
0xcc: {  	[spmem:s2] =	stream.indirect.scatter.add.f32 [tilespmem:s30], [sflag:$0x1], $0x1, s28, s10, $0xb8;
	[tilespmem:$0x7D00] =	vst v63  }
0xcd: {  	s28 =	simm.s32 $0x3D00;
	s30 =	simm.s32 $0x6500  }
0xce: {  	[spmem:s2] =	stream.indirect.scatter.add.f32 [tilespmem:s30], [sflag:$0x1], $0x1, s28, s10, $0xb8;
	[tilespmem:$0x7D00] =	vst v63  }
0xcf: {  	s28 =	simm.s32 $0x3D80;
	s30 =	simm.s32 $0x6580  }
0xd0: {  	[spmem:s2] =	stream.indirect.scatter.add.f32 [tilespmem:s30], [sflag:$0x1], $0x1, s28, s10, $0xb8;
	[tilespmem:$0x7D00] =	vst v63  }
0xd1: {  	s28 =	simm.s32 $0x3E00;
	s30 =	simm.s32 $0x6600  }
0xd2: {  	[spmem:s2] =	stream.indirect.scatter.add.f32 [tilespmem:s30], [sflag:$0x1], $0x1, s28, s10, $0xb8;
	[tilespmem:$0x7D00] =	vst v63  }
0xd3: {  	s28 =	simm.s32 $0x3E80;
	s30 =	simm.s32 $0x6680  }
0xd4: {  	[spmem:s2] =	stream.indirect.scatter.add.f32 [tilespmem:s30], [sflag:$0x1], $0x1, s28, s10, $0xb8;
	[tilespmem:$0x7D00] =	vst v63  }
0xd5: {  	s28 =	simm.s32 $0x3F00;
	s30 =	simm.s32 $0x6700  }
0xd6: {  	[spmem:s2] =	stream.indirect.scatter.add.f32 [tilespmem:s30], [sflag:$0x1], $0x1, s28, s10, $0xb8;
	[tilespmem:$0x7D00] =	vst v63  }
0xd7: {  	s28 =	simm.s32 $0x3F80;
	s30 =	simm.s32 $0x6780  }
0xd8: {  	[spmem:s2] =	stream.indirect.scatter.add.f32 [tilespmem:s30], [sflag:$0x1], $0x1, s28, s10, $0xb8;
	[tilespmem:$0x7D00] =	vst v63  }
0xd9: {  	_ =	swait.ge [sflag:s21], $0x800  }
0xda: {  	[sflag:s21] =	ssyncset.done $0x0  }
0xdb: {  	s28 =	simm.s32 $0x4000;
	s30 =	simm.s32 $0x6800;
	[sflag:s21] =	ssyncadd.s32 $0xFFFFF800  }
0xdc: {  	[spmem:s2] =	stream.indirect.scatter.add.f32 [tilespmem:s30], [sflag:$0x2], $0x1, s28, s10, $0xb8;
	[tilespmem:$0x7D00] =	vst v63  }
0xdd: {  	s28 =	simm.s32 $0x4080;
	s30 =	simm.s32 $0x6880  }
0xde: {  	[spmem:s2] =	stream.indirect.scatter.add.f32 [tilespmem:s30], [sflag:$0x2], $0x1, s28, s10, $0xb8;
	[tilespmem:$0x7D00] =	vst v63  }
0xdf: {  	s28 =	simm.s32 $0x4100;
	s30 =	simm.s32 $0x6900  }
0xe0: {  	[spmem:s2] =	stream.indirect.scatter.add.f32 [tilespmem:s30], [sflag:$0x2], $0x1, s28, s10, $0xb8;
	[tilespmem:$0x7D00] =	vst v63  }
0xe1: {  	s28 =	simm.s32 $0x4180;
	s30 =	simm.s32 $0x6980  }
0xe2: {  	[spmem:s2] =	stream.indirect.scatter.add.f32 [tilespmem:s30], [sflag:$0x2], $0x1, s28, s10, $0xb8;
	[tilespmem:$0x7D00] =	vst v63  }
0xe3: {  	s28 =	simm.s32 $0x4200;
	s30 =	simm.s32 $0x6A00  }
0xe4: {  	[spmem:s2] =	stream.indirect.scatter.add.f32 [tilespmem:s30], [sflag:$0x2], $0x1, s28, s10, $0xb8;
	[tilespmem:$0x7D00] =	vst v63  }
0xe5: {  	s28 =	simm.s32 $0x4280;
	s30 =	simm.s32 $0x6A80  }
0xe6: {  	[spmem:s2] =	stream.indirect.scatter.add.f32 [tilespmem:s30], [sflag:$0x2], $0x1, s28, s10, $0xb8;
	[tilespmem:$0x7D00] =	vst v63  }
0xe7: {  	s28 =	simm.s32 $0x4300;
	s30 =	simm.s32 $0x6B00  }
0xe8: {  	[spmem:s2] =	stream.indirect.scatter.add.f32 [tilespmem:s30], [sflag:$0x2], $0x1, s28, s10, $0xb8;
	[tilespmem:$0x7D00] =	vst v63  }
0xe9: {  	s28 =	simm.s32 $0x4380;
	s30 =	simm.s32 $0x6B80  }
0xea: {  	[spmem:s2] =	stream.indirect.scatter.add.f32 [tilespmem:s30], [sflag:$0x2], $0x1, s28, s10, $0xb8;
	[tilespmem:$0x7D00] =	vst v63  }
0xeb: {  	s28 =	simm.s32 $0x4400;
	s30 =	simm.s32 $0x6C00  }
0xec: {  	[spmem:s2] =	stream.indirect.scatter.add.f32 [tilespmem:s30], [sflag:$0x2], $0x1, s28, s10, $0xb8;
	[tilespmem:$0x7D00] =	vst v63  }
0xed: {  	s28 =	simm.s32 $0x4480;
	s30 =	simm.s32 $0x6C80  }
0xee: {  	[spmem:s2] =	stream.indirect.scatter.add.f32 [tilespmem:s30], [sflag:$0x2], $0x1, s28, s10, $0xb8;
	[tilespmem:$0x7D00] =	vst v63  }
0xef: {  	s28 =	simm.s32 $0x4500;
	s30 =	simm.s32 $0x6D00  }
0xf0: {  	[spmem:s2] =	stream.indirect.scatter.add.f32 [tilespmem:s30], [sflag:$0x2], $0x1, s28, s10, $0xb8;
	[tilespmem:$0x7D00] =	vst v63  }
0xf1: {  	s28 =	simm.s32 $0x4580;
	s30 =	simm.s32 $0x6D80  }
0xf2: {  	[spmem:s2] =	stream.indirect.scatter.add.f32 [tilespmem:s30], [sflag:$0x2], $0x1, s28, s10, $0xb8;
	[tilespmem:$0x7D00] =	vst v63  }
0xf3: {  	s28 =	simm.s32 $0x4600;
	s30 =	simm.s32 $0x6E00  }
0xf4: {  	[spmem:s2] =	stream.indirect.scatter.add.f32 [tilespmem:s30], [sflag:$0x2], $0x1, s28, s10, $0xb8;
	[tilespmem:$0x7D00] =	vst v63  }
0xf5: {  	s28 =	simm.s32 $0x4680;
	s30 =	simm.s32 $0x6E80  }
0xf6: {  	[spmem:s2] =	stream.indirect.scatter.add.f32 [tilespmem:s30], [sflag:$0x2], $0x1, s28, s10, $0xb8;
	[tilespmem:$0x7D00] =	vst v63  }
0xf7: {  	s28 =	simm.s32 $0x4700;
	s30 =	simm.s32 $0x6F00  }
0xf8: {  	[spmem:s2] =	stream.indirect.scatter.add.f32 [tilespmem:s30], [sflag:$0x2], $0x1, s28, s10, $0xb8;
	[tilespmem:$0x7D00] =	vst v63  }
0xf9: {  	s28 =	simm.s32 $0x4780;
	s30 =	simm.s32 $0x6F80  }
0xfa: {  	[spmem:s2] =	stream.indirect.scatter.add.f32 [tilespmem:s30], [sflag:$0x2], $0x1, s28, s10, $0xb8;
	[tilespmem:$0x7D00] =	vst v63  }
0xfb: {  	_ =	swait.ge [sflag:s1], $0x800  }
0xfc: {  	[sflag:s1] =	ssyncset.done $0x0  }
0xfd: {  	s28 =	simm.s32 $0x4800;
	s30 =	simm.s32 $0x7000;
	[sflag:s1] =	ssyncadd.s32 $0xFFFFF800  }
0xfe: {  	[spmem:s2] =	stream.indirect.scatter.add.f32 [tilespmem:s30], [sflag:$0x1], $0x1, s28, s10, $0xb8;
	[tilespmem:$0x7D00] =	vst v63  }
0xff: {  	s28 =	simm.s32 $0x4880;
	s30 =	simm.s32 $0x7080  }
0x100: {  	[spmem:s2] =	stream.indirect.scatter.add.f32 [tilespmem:s30], [sflag:$0x1], $0x1, s28, s10, $0xb8;
	[tilespmem:$0x7D00] =	vst v63  }
0x101: {  	s28 =	simm.s32 $0x4900;
	s30 =	simm.s32 $0x7100  }
0x102: {  	[spmem:s2] =	stream.indirect.scatter.add.f32 [tilespmem:s30], [sflag:$0x1], $0x1, s28, s10, $0xb8;
	[tilespmem:$0x7D00] =	vst v63  }
0x103: {  	s28 =	simm.s32 $0x4980;
	s30 =	simm.s32 $0x7180  }
0x104: {  	[spmem:s2] =	stream.indirect.scatter.add.f32 [tilespmem:s30], [sflag:$0x1], $0x1, s28, s10, $0xb8;
	[tilespmem:$0x7D00] =	vst v63  }
0x105: {  	s28 =	simm.s32 $0x4A00;
	s30 =	simm.s32 $0x7200  }
0x106: {  	[spmem:s2] =	stream.indirect.scatter.add.f32 [tilespmem:s30], [sflag:$0x1], $0x1, s28, s10, $0xb8;
	[tilespmem:$0x7D00] =	vst v63  }
0x107: {  	s28 =	simm.s32 $0x4A80;
	s30 =	simm.s32 $0x7280  }
0x108: {  	[spmem:s2] =	stream.indirect.scatter.add.f32 [tilespmem:s30], [sflag:$0x1], $0x1, s28, s10, $0xb8;
	[tilespmem:$0x7D00] =	vst v63  }
0x109: {  	s28 =	simm.s32 $0x4B00;
	s30 =	simm.s32 $0x7300  }
0x10a: {  	[spmem:s2] =	stream.indirect.scatter.add.f32 [tilespmem:s30], [sflag:$0x1], $0x1, s28, s10, $0xb8;
	[tilespmem:$0x7D00] =	vst v63  }
0x10b: {  	s28 =	simm.s32 $0x4B80;
	s30 =	simm.s32 $0x7380  }
0x10c: {  	[spmem:s2] =	stream.indirect.scatter.add.f32 [tilespmem:s30], [sflag:$0x1], $0x1, s28, s10, $0xb8;
	[tilespmem:$0x7D00] =	vst v63  }
0x10d: {  	_ = 	snop  }
0x10e: {  	[spmem:s2] =	stream.indirect.scatter.add.f32 [tilespmem:s0], [sflag:$0x1], $0x1, s31, s10, $0xb8;
	[tilespmem:$0x7D00] =	vst v63  }
0x10f: {  	_ = 	snop  }
0x110: {  	[spmem:s2] =	stream.indirect.scatter.add.f32 [tilespmem:s12], [sflag:$0x1], $0x1, s11, s10, $0xb8;
	[tilespmem:$0x7D00] =	vst v63  }
0x111: {  	_ = 	snop  }
0x112: {  	[spmem:s2] =	stream.indirect.scatter.add.f32 [tilespmem:s14], [sflag:$0x1], $0x1, s13, s10, $0xb8;
	[tilespmem:$0x7D00] =	vst v63  }
0x113: {  	_ = 	snop  }
0x114: {  	[spmem:s2] =	stream.indirect.scatter.add.f32 [tilespmem:s16], [sflag:$0x1], $0x1, s15, s10, $0xb8;
	[tilespmem:$0x7D00] =	vst v63  }
0x115: {  	_ = 	snop  }
0x116: {  	[spmem:s2] =	stream.indirect.scatter.add.f32 [tilespmem:s18], [sflag:$0x1], $0x1, s17, s10, $0xb8;
	[tilespmem:$0x7D00] =	vst v63  }
0x117: {  	_ = 	snop  }
0x118: {  	[spmem:s2] =	stream.indirect.scatter.add.f32 [tilespmem:s20], [sflag:$0x1], $0x1, s19, s10, $0xb8;
	[tilespmem:$0x7D00] =	vst v63  }
0x119: {  	_ = 	snop  }
0x11a: {  	[spmem:s2] =	stream.indirect.scatter.add.f32 [tilespmem:s23], [sflag:$0x1], $0x1, s22, s10, $0xb8;
	[tilespmem:$0x7D00] =	vst v63  }
0x11b: {  	_ = 	snop  }
0x11c: {  	[spmem:s2] =	stream.indirect.scatter.add.f32 [tilespmem:s25], [sflag:$0x1], $0x1, s24, s10, $0xb8;
	[tilespmem:$0x7D00] =	vst v63  }
0x11d: {  	_ =	swait.ge [sflag:s21], $0x800  }
0x11e: {  	[sflag:s21] =	ssyncset.done $0x0  }
0x11f: {  	[sflag:s21] =	ssyncadd.s32 $0xFFFFF800  }
0x120: {  	_ =	swait.ge [sflag:s1], $0x800  }
0x121: {  	[sflag:s1] =	ssyncset.done $0x0  }
0x122: {  	[sflag:s1] =	ssyncadd.s32 $0xFFFFF800  }
0x123: {  	[bflag:$0x0] =	sbarrier.arrive $0xFFFF  }
0x124: {  	[tilespmem:s9], [sflag:$0x3] =	stream.linear.gather [spmem:s5], $0x280, $0x38;
	[tilespmem:$0x7D00] =	vst v63  }
0x125: {  	s26 =	sadd.s32 $0x1, s26;
	_ =	swait.ge [sflag:s8], $0x280  }
0x126: {  	p0 =	sne.s32 s26, s7;
	[sflag:s8] =	ssyncset.done $0x0  }
.Ltmp1:
0x127: {  	[sflag:s8] =	ssyncadd.s32 $0xFFFFFD80;
	(pc) =	sbr.rel @p0 .LBB2_1-.Ltmp1, $4  }
0x128: {  	[hbm4b:s6+s3] =	stream.linear.scatter [tilespmem:s9], [sflag:$0x3], $0x280, $0x38;
	[tilespmem:$0x7D00] =	vst v63  }
0x129: {  	_ =	swait.ge [sflag:s8], $0x280  }
0x12a: {  	[sflag:s8] =	ssyncset.done $0x0  }
0x12b: {  	[sflag:s8] =	ssyncadd.s32 $0xFFFFFD80  }
0x12c: {  	_ =	sfence.sel $0x180000  }
0x12d: {  	[bflag:$0x0] =	sbarrier.arrive $0xFFFF  }
0x12e: {  	_ =	strace $0x90000047  }
0x12f: {  	s0 =	stileid.u32;
	[bflag:$0x2] =	sbarrier.arrive $0xFFFF  }
0x130: {  	p0 =	sne.s32 s0, $0x0;
	s0 =	rddreg [dreg:$0x3]  }
0x131: {  	s0 =	sadd.s32 @!p0 $0x100000, s0  }
0x132: {  	[sflag:s0] =	ssyncadd.tile.s32 @!p0 $0x1;
	_ =	shalt  }
.Lfunc_end2:
_tile_overlayer_lowered:
.L_overlay_start_2:
0x133: {  	(tag) =	ssettag $0x2  }
0x134: {  	s0 =	rddreg [dreg:$0x0];
	s2 =	stileid.u32  }
0x135: {  	s1 =	rddreg [dreg:$0x1];
	p0 =	sne.s32 s2, $0x0  }
0x136: {  	s3 =	rddreg [dreg:$0x2];
	[bflag:$0x3] =	sbarrier.arrive $0xFFFF;
	s2 =	simm.s32 @!p0 $0x1C03  }
0x137: {  	[timem:s3], [sflag:s2] =	dma.local @!p0 [hbm:s0], s1  }
0x138: {  	s0 =	simm.s32 @!p0 $0x3  }
0x139: {  	_ =	swait.ge @!p0 [sflag:s0], s1  }
0x13a: {  	s1 =	ssub.s32 @!p0 $0x0, s1;
	[sflag:s0] =	ssyncset.done @!p0 $0x0  }
0x13b: {  	[sflag:s0] =	ssyncadd.s32 @!p0 s1  }
0x13c: {  	[bflag:$0x3] =	sbarrier.arrive $0xFFFF  }
0x13d: {  	_ =	shalt  }

</sc_bundles>
